<compile_context>
chip_gen: v7x
topology: tpu7x:2x2x1
jax: 0.10.2.dev20260603
libtpu: 0.0.44.dev20260713+nightly
codegen_flags: <defaults>
</compile_context>

<pallas_src>
import jax
import jax.numpy as jnp
from jax import lax
from jax.experimental import pallas as pl
from jax.experimental.pallas import tpu as pltpu
from jax.experimental.pallas import tpu_sc as plsc

_SC_PARAMS = pltpu.CompilerParams(needs_layout_passes=False,
                                  use_tc_tiling_on_sc=False)

N_NODES = 10000
N_EDGES = 320000
NODE_LEN = 128
GRAPH_LEN = 256
MPNN_STEPS = 3

NC, NS, L = 2, 16, 16
F = NODE_LEN // NC
CHUNK = 128
N_CHUNKS = N_EDGES // CHUNK
RING = 4
BASE_CH = N_CHUNKS // NS
EXTRA = N_CHUNKS - BASE_CH * NS
ROWS_PT = N_NODES // NS
ZROWS = 125


def _prop_body(ei_hbm, x_hbm, x2_hbm, ha_hbm, hb_hbm, h3_hbm,
               src2_v, dst2_v, bufs_v, zbuf_v, acc_sh, gsem, ssem):
    cid = lax.axis_index("c")
    sid = lax.axis_index("s")
    c0 = cid * F
    r0 = sid * ROWS_PT

    ch0 = jnp.where(sid < EXTRA, sid * (BASE_CH + 1),
                    EXTRA + sid * BASE_CH)

    i1 = pltpu.async_copy(ei_hbm.at[0, pl.ds(ch0, BASE_CH)],
                          src2_v.at[pl.ds(0, BASE_CH)], gsem)
    i2 = pltpu.async_copy(ei_hbm.at[1, pl.ds(ch0, BASE_CH)],
                          dst2_v.at[pl.ds(0, BASE_CH)], gsem)
    i1.wait()
    i2.wait()

    @pl.when(sid < EXTRA)
    def _():
        j1 = pltpu.async_copy(ei_hbm.at[0, pl.ds(ch0 + BASE_CH, 1)],
                              src2_v.at[pl.ds(BASE_CH, 1)], gsem)
        j2 = pltpu.async_copy(ei_hbm.at[1, pl.ds(ch0 + BASE_CH, 1)],
                              dst2_v.at[pl.ds(BASE_CH, 1)], gsem)
        j1.wait()
        j2.wait()

    for k in range(ROWS_PT // ZROWS):
        rr = r0 + k * ZROWS
        pltpu.sync_copy(x_hbm.at[pl.ds(rr, ZROWS), pl.ds(c0, F)], zbuf_v)
        pltpu.sync_copy(zbuf_v, x2_hbm.at[cid, pl.ds(rr, ZROWS), :])

    zero16 = jnp.zeros((L,), jnp.float32)

    @plsc.parallel_loop(0, ZROWS, unroll=4)
    def _(i):
        for cb in range(F // L):
            zbuf_v[i, pl.ds(cb * L, L)] = zero16

    def _zero_acc():
        for k in range(ROWS_PT // ZROWS):
            pltpu.sync_copy(zbuf_v, acc_sh.at[pl.ds(r0 + k * ZROWS, ZROWS), :])

    _zero_acc()
    plsc.subcore_barrier()

    hins = (x2_hbm, ha_hbm, hb_hbm)
    houts = (ha_hbm, hb_hbm, None)

    for rnd in range(MPNN_STEPS):
        hin = hins[rnd].at[cid]
        for k in range(RING):
            pltpu.async_copy(hin.at[src2_v.at[k]], bufs_v.at[k], gsem)

        def blk(b, _):
            for k in range(RING):
                j = b * RING + k
                pltpu.make_async_copy(
                    hin.at[pl.ds(0, CHUNK), :], bufs_v.at[k], gsem).wait()
                pltpu.sync_copy(bufs_v.at[k], acc_sh.at[dst2_v.at[j]],
                                add=True)

                @pl.when(j + RING < BASE_CH)
                def _():
                    pltpu.async_copy(hin.at[src2_v.at[j + RING]],
                                     bufs_v.at[k], gsem)
            return 0

        lax.fori_loop(0, BASE_CH // RING, blk, 0)

        @pl.when(sid < EXTRA)
        def _():
            pltpu.async_copy(hin.at[src2_v.at[BASE_CH]],
                             bufs_v.at[0], gsem).wait()
            pltpu.sync_copy(bufs_v.at[0], acc_sh.at[dst2_v.at[BASE_CH]],
                            add=True)

        plsc.subcore_barrier()
        if rnd < MPNN_STEPS - 1:
            pltpu.sync_copy(acc_sh.at[pl.ds(r0, ROWS_PT), :],
                            houts[rnd].at[cid, pl.ds(r0, ROWS_PT), :])
            _zero_acc()
        else:
            pltpu.sync_copy(acc_sh.at[pl.ds(r0, ROWS_PT), :],
                            h3_hbm.at[pl.ds(r0, ROWS_PT), pl.ds(c0, F)])
        plsc.subcore_barrier()


def _prop(ei3, x):
    mesh = plsc.VectorSubcoreMesh(core_axis_name="c", subcore_axis_name="s")
    f = pl.kernel(
        _prop_body,
        mesh=mesh,
        compiler_params=_SC_PARAMS,
        out_type=(
            jax.ShapeDtypeStruct((NC, N_NODES, F), jnp.float32),
            jax.ShapeDtypeStruct((NC, N_NODES, F), jnp.float32),
            jax.ShapeDtypeStruct((NC, N_NODES, F), jnp.float32),
            jax.ShapeDtypeStruct((N_NODES, NODE_LEN), jnp.float32),
        ),
        scratch_types=[
            pltpu.VMEM((BASE_CH + 1, CHUNK), jnp.int32),
            pltpu.VMEM((BASE_CH + 1, CHUNK), jnp.int32),
            pltpu.VMEM((RING, CHUNK, F), jnp.float32),
            pltpu.VMEM((ZROWS, F), jnp.float32),
            pltpu.VMEM_SHARED((N_NODES, F), jnp.float32),
            pltpu.SemaphoreType.DMA,
            pltpu.SemaphoreType.DMA,
        ],
    )
    return f(ei3, x)


def _k6_body(h3_ref, wp_ref, wr_ref, b_ref, out_ref, acc_ref):
    i = pl.program_id(0)

    @pl.when(i == 0)
    def _():
        acc_ref[...] = jnp.zeros_like(acc_ref)

    hp = lax.dot_general(h3_ref[...], wp_ref[:, :NODE_LEN],
                         (((1,), (1,)), ((), ())),
                         preferred_element_type=jnp.float32)
    acc_ref[...] += jnp.sum(hp, axis=0, keepdims=True)

    @pl.when(i == pl.num_programs(0) - 1)
    def _():
        g = acc_ref[...] * (1.0 / N_NODES)
        out_ref[...] = (jnp.sum(g * wr_ref[...]) + b_ref[0, 0]).reshape(1, 1)


def _k6(h3, W_pool, W_read, b2):
    blk = 1000
    grid = N_NODES // blk
    return pl.pallas_call(
        _k6_body,
        grid=(grid,),
        in_specs=[
            pl.BlockSpec((blk, NODE_LEN), lambda i: (i, 0)),
            pl.BlockSpec(W_pool.shape, lambda i: (0, 0)),
            pl.BlockSpec(W_read.shape, lambda i: (0, 0)),
            pl.BlockSpec((1, 1), lambda i: (0, 0)),
        ],
        out_specs=pl.BlockSpec((1, 1), lambda i: (0, 0)),
        out_shape=jax.ShapeDtypeStruct((1, 1), jnp.float32),
        scratch_shapes=[pltpu.VMEM((1, GRAPH_LEN), jnp.float32)],
    )(h3, W_pool, W_read, b2)


def kernel(x, edge_index, W_pool, W_read, b_read):
    ei3 = edge_index.astype(jnp.int32).reshape(2, N_CHUNKS, CHUNK)
    _, _, _, h3 = _prop(ei3, x)
    out = _k6(h3, W_pool, W_read, b_read.reshape(1, 1))
    return out.reshape(1)

# --- scband reference (transcript-rebuilt; emitter-appended) ---
"""Pipeline reference for scband-vspn-49065706390275 (READ-ONLY COPY).

The authoritative reference and input builder live on the scoring server;
editing this copy changes nothing except your own understanding.
"""

import jax, jax.numpy as jnp
import numpy as np

NODE_LEN = 128
HIDDEN_LEN = 256
GRAPH_LEN = 256
MPNN_STEPS = 3
N_NODES = 10000
N_EDGES = 320000

def setup_inputs(seed: int = 0) -> dict:
    key = jax.random.key(seed)
    k1, k2, k3, k4, k5 = jax.random.split(key, 5)
    x = jax.random.normal(k1, (N_NODES, NODE_LEN), dtype=jnp.float32)
    edge_index = jax.random.randint(k2, (2, N_EDGES), 0, N_NODES, dtype=jnp.int64)
    W_pool = jax.random.normal(k3, (GRAPH_LEN, HIDDEN_LEN), dtype=jnp.float32) * (1.0 / np.sqrt(HIDDEN_LEN))
    W_read = jax.random.normal(k4, (1, GRAPH_LEN), dtype=jnp.float32) * (1.0 / np.sqrt(GRAPH_LEN))
    b_read = jax.random.normal(k5, (1,), dtype=jnp.float32) * 0.01
    return {"x": x, "edge_index": edge_index, "W_pool": W_pool, "W_read": W_read, "b_read": b_read}

def reference(x, edge_index, W_pool, W_read, b_read):
    N = x.shape[0]
    # ZeroPad2d((0, hidden - node_len, 0, 0)): pad last dim on the right
    h = jnp.pad(x, ((0, 0), (0, HIDDEN_LEN - NODE_LEN)))
    src = edge_index[0]
    dst = edge_index[1]
    # MessagePassing with message(x_j)=x_j and aggr='add':
    # propagate replaces node features with sum of incoming neighbor features
    for _ in range(MPNN_STEPS):
        h = jax.ops.segment_sum(jnp.take(h, src, axis=0), dst, num_segments=N)
    # pooling_layer: Linear(hidden, graph, bias=False)
    h = h @ W_pool.T
    # global mean pool over nodes
    g = jnp.mean(h, axis=0)
    # readout_layer: Linear(graph, 1)
    out = g @ W_read.T + b_read
    return out

if __name__ == "__main__":
    import jax
    _d = setup_inputs()
    print(jax.jit(kernel)(*tuple(_d.values())))

</pallas_src>

<mosaic_0001>
#map = affine_map<(d0, d1) -> (0, 0, 0)>
#map1 = affine_map<(d0, d1) -> (0, 0)>
module attributes {stable_mosaic.version = 14 : i64} {
  func.func @_prop_body(%arg0: i32, %arg1: i32, %arg2: memref<2x2500x128xi32, #tpu.memory_space<hbm>>, %arg3: memref<10000x128xf32, #tpu.memory_space<hbm>>, %arg4: memref<2x10000x64xf32, #tpu.memory_space<hbm>>, %arg5: memref<2x10000x64xf32, #tpu.memory_space<hbm>>, %arg6: memref<2x10000x64xf32, #tpu.memory_space<hbm>>, %arg7: memref<10000x128xf32, #tpu.memory_space<hbm>>, %arg8: memref<157x128xi32, #tpu.memory_space<vmem>>, %arg9: memref<157x128xi32, #tpu.memory_space<vmem>>, %arg10: memref<4x128x64xf32, #tpu.memory_space<vmem>>, %arg11: memref<125x64xf32, #tpu.memory_space<vmem>>, %arg12: memref<10000x64xf32, #tpu.memory_space<vmem_shared>>, %arg13: memref<!tpu.dma_semaphore, #tpu.memory_space<semaphore_mem>>, %arg14: memref<!tpu.dma_semaphore, #tpu.memory_space<semaphore_mem>>) attributes {dimension_semantics = [#tpu.dimension_semantics<core_parallel>, #tpu.dimension_semantics<subcore_parallel>], iteration_bounds = array<i64: 2, 16>, scalar_prefetch = 0 : i64, scratch_operands = 7 : i64, tpu.core_type = #tpu.core_type<sc_vector_subcore>, window_params = [{transform_indices = #map}, {transform_indices = #map1}, {transform_indices = #map}, {transform_indices = #map}, {transform_indices = #map}, {transform_indices = #map1}]} {
    %mul3A = arith.constant 64 : i32
    %mul3A_0 = arith.muli %arg0, %mul3A : i32
    %mul3A_1 = arith.constant 625 : i32
    %mul3A_2 = arith.muli %arg1, %mul3A_1 : i32
    %lt3A = arith.constant 4 : i32
    %lt3A_3 = arith.cmpi slt, %arg1, %lt3A : i32
    %mul3A_4 = arith.constant 157 : i32
    %mul3A_5 = arith.muli %arg1, %mul3A_4 : i32
    %mul3A_6 = arith.constant 156 : i32
    %mul3A_7 = arith.muli %arg1, %mul3A_6 : i32
    %add3A = arith.constant 4 : i32
    %add3A_8 = arith.addi %add3A, %mul3A_7 : i32
    %select_n3A = arith.select %lt3A_3, %mul3A_5, %add3A_8 : i32
    %dma_start3A = arith.constant 0 : i32
    %dma_start3A_9 = arith.constant 0 : i32
    %dma_start3A_10 = arith.constant 0 : i32
    %dma_start3A_11 = tpu.memref_slice %arg8[%dma_start3A_9, %dma_start3A_10] : memref<157x128xi32, #tpu.memory_space<vmem>> -> memref<156x128xi32, #tpu.memory_space<vmem>>
    %dma_start3A_12 = arith.constant 0 : i32
    %dma_start3A_13 = tpu.memref_slice %arg2[%dma_start3A, %select_n3A, %dma_start3A_12] : memref<2x2500x128xi32, #tpu.memory_space<hbm>> -> memref<1x156x128xi32, #tpu.memory_space<hbm>>
    %dma_start3A_14 = tpu.memref_squeeze %dma_start3A_13 : memref<1x156x128xi32, #tpu.memory_space<hbm>> -> memref<156x128xi32, #tpu.memory_space<hbm>>
    %dma_start3A_15 = arith.constant 0 : i32
    %dma_start3A_16 = arith.constant 0 : i32
    %dma_start3A_17 = tpu.memref_slice %arg8[%dma_start3A_15, %dma_start3A_16] : memref<157x128xi32, #tpu.memory_space<vmem>> -> memref<156x128xi32, #tpu.memory_space<vmem>>
    %dma_start3A_18 = arith.constant 0 : i32
    %dma_start3A_19 = tpu.memref_slice %arg2[%dma_start3A, %select_n3A, %dma_start3A_18] : memref<2x2500x128xi32, #tpu.memory_space<hbm>> -> memref<1x156x128xi32, #tpu.memory_space<hbm>>
    %dma_start3A_20 = tpu.memref_squeeze %dma_start3A_19 : memref<1x156x128xi32, #tpu.memory_space<hbm>> -> memref<156x128xi32, #tpu.memory_space<hbm>>
    tpu.enqueue_dma source(%dma_start3A_20 : memref<156x128xi32, #tpu.memory_space<hbm>>) target(%dma_start3A_17 : memref<156x128xi32, #tpu.memory_space<vmem>>) target_semaphore(%arg13 : memref<!tpu.dma_semaphore, #tpu.memory_space<semaphore_mem>>)
    %dma_start3A_21 = arith.constant 1 : i32
    %dma_start3A_22 = arith.constant 0 : i32
    %dma_start3A_23 = arith.constant 0 : i32
    %dma_start3A_24 = tpu.memref_slice %arg9[%dma_start3A_22, %dma_start3A_23] : memref<157x128xi32, #tpu.memory_space<vmem>> -> memref<156x128xi32, #tpu.memory_space<vmem>>
    %dma_start3A_25 = arith.constant 0 : i32
    %dma_start3A_26 = tpu.memref_slice %arg2[%dma_start3A_21, %select_n3A, %dma_start3A_25] : memref<2x2500x128xi32, #tpu.memory_space<hbm>> -> memref<1x156x128xi32, #tpu.memory_space<hbm>>
    %dma_start3A_27 = tpu.memref_squeeze %dma_start3A_26 : memref<1x156x128xi32, #tpu.memory_space<hbm>> -> memref<156x128xi32, #tpu.memory_space<hbm>>
    %dma_start3A_28 = arith.constant 0 : i32
    %dma_start3A_29 = arith.constant 0 : i32
    %dma_start3A_30 = tpu.memref_slice %arg9[%dma_start3A_28, %dma_start3A_29] : memref<157x128xi32, #tpu.memory_space<vmem>> -> memref<156x128xi32, #tpu.memory_space<vmem>>
    %dma_start3A_31 = arith.constant 0 : i32
    %dma_start3A_32 = tpu.memref_slice %arg2[%dma_start3A_21, %select_n3A, %dma_start3A_31] : memref<2x2500x128xi32, #tpu.memory_space<hbm>> -> memref<1x156x128xi32, #tpu.memory_space<hbm>>
    %dma_start3A_33 = tpu.memref_squeeze %dma_start3A_32 : memref<1x156x128xi32, #tpu.memory_space<hbm>> -> memref<156x128xi32, #tpu.memory_space<hbm>>
    tpu.enqueue_dma source(%dma_start3A_33 : memref<156x128xi32, #tpu.memory_space<hbm>>) target(%dma_start3A_30 : memref<156x128xi32, #tpu.memory_space<vmem>>) target_semaphore(%arg13 : memref<!tpu.dma_semaphore, #tpu.memory_space<semaphore_mem>>)
    %dma_wait3A = arith.constant 0 : i32
    %dma_wait3A_34 = arith.constant 0 : i32
    %dma_wait3A_35 = arith.constant 0 : i32
    %dma_wait3A_36 = tpu.memref_slice %arg8[%dma_wait3A_34, %dma_wait3A_35] : memref<157x128xi32, #tpu.memory_space<vmem>> -> memref<156x128xi32, #tpu.memory_space<vmem>>
    %dma_wait3A_37 = arith.constant 0 : i32
    %dma_wait3A_38 = tpu.memref_slice %arg2[%dma_wait3A, %select_n3A, %dma_wait3A_37] : memref<2x2500x128xi32, #tpu.memory_space<hbm>> -> memref<1x156x128xi32, #tpu.memory_space<hbm>>
    %dma_wait3A_39 = tpu.memref_squeeze %dma_wait3A_38 : memref<1x156x128xi32, #tpu.memory_space<hbm>> -> memref<156x128xi32, #tpu.memory_space<hbm>>
    %dma_wait3A_40 = arith.constant 0 : i32
    %dma_wait3A_41 = arith.constant 0 : i32
    %dma_wait3A_42 = tpu.memref_slice %arg8[%dma_wait3A_40, %dma_wait3A_41] : memref<157x128xi32, #tpu.memory_space<vmem>> -> memref<156x128xi32, #tpu.memory_space<vmem>>
    %dma_wait3A_43 = arith.constant 0 : i32
    %dma_wait3A_44 = tpu.memref_slice %arg2[%dma_wait3A, %select_n3A, %dma_wait3A_43] : memref<2x2500x128xi32, #tpu.memory_space<hbm>> -> memref<1x156x128xi32, #tpu.memory_space<hbm>>
    %dma_wait3A_45 = tpu.memref_squeeze %dma_wait3A_44 : memref<1x156x128xi32, #tpu.memory_space<hbm>> -> memref<156x128xi32, #tpu.memory_space<hbm>>
    tpu.wait_dma2 semaphore(%arg13 : memref<!tpu.dma_semaphore, #tpu.memory_space<semaphore_mem>>) src(%dma_wait3A_45 : memref<156x128xi32, #tpu.memory_space<hbm>>) dst(%dma_wait3A_42 : memref<156x128xi32, #tpu.memory_space<vmem>>)
    %dma_wait3A_46 = arith.constant 1 : i32
    %dma_wait3A_47 = arith.constant 0 : i32
    %dma_wait3A_48 = arith.constant 0 : i32
    %dma_wait3A_49 = tpu.memref_slice %arg9[%dma_wait3A_47, %dma_wait3A_48] : memref<157x128xi32, #tpu.memory_space<vmem>> -> memref<156x128xi32, #tpu.memory_space<vmem>>
    %dma_wait3A_50 = arith.constant 0 : i32
    %dma_wait3A_51 = tpu.memref_slice %arg2[%dma_wait3A_46, %select_n3A, %dma_wait3A_50] : memref<2x2500x128xi32, #tpu.memory_space<hbm>> -> memref<1x156x128xi32, #tpu.memory_space<hbm>>
    %dma_wait3A_52 = tpu.memref_squeeze %dma_wait3A_51 : memref<1x156x128xi32, #tpu.memory_space<hbm>> -> memref<156x128xi32, #tpu.memory_space<hbm>>
    %dma_wait3A_53 = arith.constant 0 : i32
    %dma_wait3A_54 = arith.constant 0 : i32
    %dma_wait3A_55 = tpu.memref_slice %arg9[%dma_wait3A_53, %dma_wait3A_54] : memref<157x128xi32, #tpu.memory_space<vmem>> -> memref<156x128xi32, #tpu.memory_space<vmem>>
    %dma_wait3A_56 = arith.constant 0 : i32
    %dma_wait3A_57 = tpu.memref_slice %arg2[%dma_wait3A_46, %select_n3A, %dma_wait3A_56] : memref<2x2500x128xi32, #tpu.memory_space<hbm>> -> memref<1x156x128xi32, #tpu.memory_space<hbm>>
    %dma_wait3A_58 = tpu.memref_squeeze %dma_wait3A_57 : memref<1x156x128xi32, #tpu.memory_space<hbm>> -> memref<156x128xi32, #tpu.memory_space<hbm>>
    tpu.wait_dma2 semaphore(%arg13 : memref<!tpu.dma_semaphore, #tpu.memory_space<semaphore_mem>>) src(%dma_wait3A_58 : memref<156x128xi32, #tpu.memory_space<hbm>>) dst(%dma_wait3A_55 : memref<156x128xi32, #tpu.memory_space<vmem>>)
    %lt3A_59 = arith.constant 4 : i32
    %lt3A_60 = arith.cmpi slt, %arg1, %lt3A_59 : i32
    %convert_element_type3A = arith.extui %lt3A_60 : i1 to i32
    %cond3A = arith.constant 0 : i32
    %cond3A_61 = arith.cmpi ne, %convert_element_type3A, %cond3A : i32
    scf.if %cond3A_61 {
      %add3A_338 = arith.constant 156 : i32
      %add3A_339 = arith.addi %select_n3A, %add3A_338 : i32
      %dma_start3A_340 = arith.constant 0 : i32
      %dma_start3A_341 = arith.constant 156 : i32
      %dma_start3A_342 = arith.constant 0 : i32
      %dma_start3A_343 = tpu.memref_slice %arg8[%dma_start3A_341, %dma_start3A_342] : memref<157x128xi32, #tpu.memory_space<vmem>> -> memref<1x128xi32, #tpu.memory_space<vmem>>
      %dma_start3A_344 = arith.constant 0 : i32
      %dma_start3A_345 = tpu.memref_slice %arg2[%dma_start3A_340, %add3A_339, %dma_start3A_344] : memref<2x2500x128xi32, #tpu.memory_space<hbm>> -> memref<1x1x128xi32, #tpu.memory_space<hbm>>
      %dma_start3A_346 = tpu.memref_squeeze %dma_start3A_345 : memref<1x1x128xi32, #tpu.memory_space<hbm>> -> memref<1x128xi32, #tpu.memory_space<hbm>>
      %dma_start3A_347 = arith.constant 156 : i32
      %dma_start3A_348 = arith.constant 0 : i32
      %dma_start3A_349 = tpu.memref_slice %arg8[%dma_start3A_347, %dma_start3A_348] : memref<157x128xi32, #tpu.memory_space<vmem>> -> memref<1x128xi32, #tpu.memory_space<vmem>>
      %dma_start3A_350 = arith.constant 0 : i32
      %dma_start3A_351 = tpu.memref_slice %arg2[%dma_start3A_340, %add3A_339, %dma_start3A_350] : memref<2x2500x128xi32, #tpu.memory_space<hbm>> -> memref<1x1x128xi32, #tpu.memory_space<hbm>>
      %dma_start3A_352 = tpu.memref_squeeze %dma_start3A_351 : memref<1x1x128xi32, #tpu.memory_space<hbm>> -> memref<1x128xi32, #tpu.memory_space<hbm>>
      tpu.enqueue_dma source(%dma_start3A_352 : memref<1x128xi32, #tpu.memory_space<hbm>>) target(%dma_start3A_349 : memref<1x128xi32, #tpu.memory_space<vmem>>) target_semaphore(%arg13 : memref<!tpu.dma_semaphore, #tpu.memory_space<semaphore_mem>>)
      %add3A_353 = arith.constant 156 : i32
      %add3A_354 = arith.addi %select_n3A, %add3A_353 : i32
      %dma_start3A_355 = arith.constant 1 : i32
      %dma_start3A_356 = arith.constant 156 : i32
      %dma_start3A_357 = arith.constant 0 : i32
      %dma_start3A_358 = tpu.memref_slice %arg9[%dma_start3A_356, %dma_start3A_357] : memref<157x128xi32, #tpu.memory_space<vmem>> -> memref<1x128xi32, #tpu.memory_space<vmem>>
      %dma_start3A_359 = arith.constant 0 : i32
      %dma_start3A_360 = tpu.memref_slice %arg2[%dma_start3A_355, %add3A_354, %dma_start3A_359] : memref<2x2500x128xi32, #tpu.memory_space<hbm>> -> memref<1x1x128xi32, #tpu.memory_space<hbm>>
      %dma_start3A_361 = tpu.memref_squeeze %dma_start3A_360 : memref<1x1x128xi32, #tpu.memory_space<hbm>> -> memref<1x128xi32, #tpu.memory_space<hbm>>
      %dma_start3A_362 = arith.constant 156 : i32
      %dma_start3A_363 = arith.constant 0 : i32
      %dma_start3A_364 = tpu.memref_slice %arg9[%dma_start3A_362, %dma_start3A_363] : memref<157x128xi32, #tpu.memory_space<vmem>> -> memref<1x128xi32, #tpu.memory_space<vmem>>
      %dma_start3A_365 = arith.constant 0 : i32
      %dma_start3A_366 = tpu.memref_slice %arg2[%dma_start3A_355, %add3A_354, %dma_start3A_365] : memref<2x2500x128xi32, #tpu.memory_space<hbm>> -> memref<1x1x128xi32, #tpu.memory_space<hbm>>
      %dma_start3A_367 = tpu.memref_squeeze %dma_start3A_366 : memref<1x1x128xi32, #tpu.memory_space<hbm>> -> memref<1x128xi32, #tpu.memory_space<hbm>>
      tpu.enqueue_dma source(%dma_start3A_367 : memref<1x128xi32, #tpu.memory_space<hbm>>) target(%dma_start3A_364 : memref<1x128xi32, #tpu.memory_space<vmem>>) target_semaphore(%arg13 : memref<!tpu.dma_semaphore, #tpu.memory_space<semaphore_mem>>)
      %dma_wait3A_368 = arith.constant 0 : i32
      %dma_wait3A_369 = arith.constant 156 : i32
      %dma_wait3A_370 = arith.constant 0 : i32
      %dma_wait3A_371 = tpu.memref_slice %arg8[%dma_wait3A_369, %dma_wait3A_370] : memref<157x128xi32, #tpu.memory_space<vmem>> -> memref<1x128xi32, #tpu.memory_space<vmem>>
      %dma_wait3A_372 = arith.constant 0 : i32
      %dma_wait3A_373 = tpu.memref_slice %arg2[%dma_wait3A_368, %add3A_339, %dma_wait3A_372] : memref<2x2500x128xi32, #tpu.memory_space<hbm>> -> memref<1x1x128xi32, #tpu.memory_space<hbm>>
      %dma_wait3A_374 = tpu.memref_squeeze %dma_wait3A_373 : memref<1x1x128xi32, #tpu.memory_space<hbm>> -> memref<1x128xi32, #tpu.memory_space<hbm>>
      %dma_wait3A_375 = arith.constant 156 : i32
      %dma_wait3A_376 = arith.constant 0 : i32
      %dma_wait3A_377 = tpu.memref_slice %arg8[%dma_wait3A_375, %dma_wait3A_376] : memref<157x128xi32, #tpu.memory_space<vmem>> -> memref<1x128xi32, #tpu.memory_space<vmem>>
      %dma_wait3A_378 = arith.constant 0 : i32
      %dma_wait3A_379 = tpu.memref_slice %arg2[%dma_wait3A_368, %add3A_339, %dma_wait3A_378] : memref<2x2500x128xi32, #tpu.memory_space<hbm>> -> memref<1x1x128xi32, #tpu.memory_space<hbm>>
      %dma_wait3A_380 = tpu.memref_squeeze %dma_wait3A_379 : memref<1x1x128xi32, #tpu.memory_space<hbm>> -> memref<1x128xi32, #tpu.memory_space<hbm>>
      tpu.wait_dma2 semaphore(%arg13 : memref<!tpu.dma_semaphore, #tpu.memory_space<semaphore_mem>>) src(%dma_wait3A_380 : memref<1x128xi32, #tpu.memory_space<hbm>>) dst(%dma_wait3A_377 : memref<1x128xi32, #tpu.memory_space<vmem>>)
      %dma_wait3A_381 = arith.constant 1 : i32
      %dma_wait3A_382 = arith.constant 156 : i32
      %dma_wait3A_383 = arith.constant 0 : i32
      %dma_wait3A_384 = tpu.memref_slice %arg9[%dma_wait3A_382, %dma_wait3A_383] : memref<157x128xi32, #tpu.memory_space<vmem>> -> memref<1x128xi32, #tpu.memory_space<vmem>>
      %dma_wait3A_385 = arith.constant 0 : i32
      %dma_wait3A_386 = tpu.memref_slice %arg2[%dma_wait3A_381, %add3A_354, %dma_wait3A_385] : memref<2x2500x128xi32, #tpu.memory_space<hbm>> -> memref<1x1x128xi32, #tpu.memory_space<hbm>>
      %dma_wait3A_387 = tpu.memref_squeeze %dma_wait3A_386 : memref<1x1x128xi32, #tpu.memory_space<hbm>> -> memref<1x128xi32, #tpu.memory_space<hbm>>
      %dma_wait3A_388 = arith.constant 156 : i32
      %dma_wait3A_389 = arith.constant 0 : i32
      %dma_wait3A_390 = tpu.memref_slice %arg9[%dma_wait3A_388, %dma_wait3A_389] : memref<157x128xi32, #tpu.memory_space<vmem>> -> memref<1x128xi32, #tpu.memory_space<vmem>>
      %dma_wait3A_391 = arith.constant 0 : i32
      %dma_wait3A_392 = tpu.memref_slice %arg2[%dma_wait3A_381, %add3A_354, %dma_wait3A_391] : memref<2x2500x128xi32, #tpu.memory_space<hbm>> -> memref<1x1x128xi32, #tpu.memory_space<hbm>>
      %dma_wait3A_393 = tpu.memref_squeeze %dma_wait3A_392 : memref<1x1x128xi32, #tpu.memory_space<hbm>> -> memref<1x128xi32, #tpu.memory_space<hbm>>
      tpu.wait_dma2 semaphore(%arg13 : memref<!tpu.dma_semaphore, #tpu.memory_space<semaphore_mem>>) src(%dma_wait3A_393 : memref<1x128xi32, #tpu.memory_space<hbm>>) dst(%dma_wait3A_390 : memref<1x128xi32, #tpu.memory_space<vmem>>)
    } else {
    }
    %add3A_62 = arith.constant 0 : i32
    %add3A_63 = arith.addi %mul3A_2, %add3A_62 : i32
    "tpu.region"() ({
      %run_scoped3A = tpu.sem_alloc : memref<!tpu.dma_semaphore, #tpu.memory_space<semaphore_mem>>
      %dma_start3A_338 = tpu.memref_slice %arg3[%add3A_63, %mul3A_0] : memref<10000x128xf32, #tpu.memory_space<hbm>> -> memref<125x64xf32, #tpu.memory_space<hbm>>
      %dma_start3A_339 = tpu.memref_slice %arg3[%add3A_63, %mul3A_0] : memref<10000x128xf32, #tpu.memory_space<hbm>> -> memref<125x64xf32, #tpu.memory_space<hbm>>
      tpu.enqueue_dma source(%dma_start3A_339 : memref<125x64xf32, #tpu.memory_space<hbm>>) target(%arg11 : memref<125x64xf32, #tpu.memory_space<vmem>>) target_semaphore(%run_scoped3A : memref<!tpu.dma_semaphore, #tpu.memory_space<semaphore_mem>>)
      %dma_wait3A_340 = tpu.memref_slice %arg3[%add3A_63, %mul3A_0] : memref<10000x128xf32, #tpu.memory_space<hbm>> -> memref<125x64xf32, #tpu.memory_space<hbm>>
      %dma_wait3A_341 = tpu.memref_slice %arg3[%add3A_63, %mul3A_0] : memref<10000x128xf32, #tpu.memory_space<hbm>> -> memref<125x64xf32, #tpu.memory_space<hbm>>
      tpu.wait_dma2 semaphore(%run_scoped3A : memref<!tpu.dma_semaphore, #tpu.memory_space<semaphore_mem>>) src(%dma_wait3A_341 : memref<125x64xf32, #tpu.memory_space<hbm>>) dst(%arg11 : memref<125x64xf32, #tpu.memory_space<vmem>>)
      tpu.yield
    }) : () -> ()
    "tpu.region"() ({
      %run_scoped3A = tpu.sem_alloc : memref<!tpu.dma_semaphore, #tpu.memory_space<semaphore_mem>>
      %dma_start3A_338 = arith.constant 0 : i32
      %dma_start3A_339 = tpu.memref_slice %arg4[%arg0, %add3A_63, %dma_start3A_338] : memref<2x10000x64xf32, #tpu.memory_space<hbm>> -> memref<1x125x64xf32, #tpu.memory_space<hbm>>
      %dma_start3A_340 = tpu.memref_squeeze %dma_start3A_339 : memref<1x125x64xf32, #tpu.memory_space<hbm>> -> memref<125x64xf32, #tpu.memory_space<hbm>>
      %dma_start3A_341 = arith.constant 0 : i32
      %dma_start3A_342 = tpu.memref_slice %arg4[%arg0, %add3A_63, %dma_start3A_341] : memref<2x10000x64xf32, #tpu.memory_space<hbm>> -> memref<1x125x64xf32, #tpu.memory_space<hbm>>
      %dma_start3A_343 = tpu.memref_squeeze %dma_start3A_342 : memref<1x125x64xf32, #tpu.memory_space<hbm>> -> memref<125x64xf32, #tpu.memory_space<hbm>>
      tpu.enqueue_dma source(%arg11 : memref<125x64xf32, #tpu.memory_space<vmem>>) target(%dma_start3A_343 : memref<125x64xf32, #tpu.memory_space<hbm>>) target_semaphore(%run_scoped3A : memref<!tpu.dma_semaphore, #tpu.memory_space<semaphore_mem>>)
      %dma_wait3A_344 = arith.constant 0 : i32
      %dma_wait3A_345 = tpu.memref_slice %arg4[%arg0, %add3A_63, %dma_wait3A_344] : memref<2x10000x64xf32, #tpu.memory_space<hbm>> -> memref<1x125x64xf32, #tpu.memory_space<hbm>>
      %dma_wait3A_346 = tpu.memref_squeeze %dma_wait3A_345 : memref<1x125x64xf32, #tpu.memory_space<hbm>> -> memref<125x64xf32, #tpu.memory_space<hbm>>
      %dma_wait3A_347 = arith.constant 0 : i32
      %dma_wait3A_348 = tpu.memref_slice %arg4[%arg0, %add3A_63, %dma_wait3A_347] : memref<2x10000x64xf32, #tpu.memory_space<hbm>> -> memref<1x125x64xf32, #tpu.memory_space<hbm>>
      %dma_wait3A_349 = tpu.memref_squeeze %dma_wait3A_348 : memref<1x125x64xf32, #tpu.memory_space<hbm>> -> memref<125x64xf32, #tpu.memory_space<hbm>>
      tpu.wait_dma2 semaphore(%run_scoped3A : memref<!tpu.dma_semaphore, #tpu.memory_space<semaphore_mem>>) src(%arg11 : memref<125x64xf32, #tpu.memory_space<vmem>>) dst(%dma_wait3A_349 : memref<125x64xf32, #tpu.memory_space<hbm>>)
      tpu.yield
    }) : () -> ()
    %add3A_64 = arith.constant 125 : i32
    %add3A_65 = arith.addi %mul3A_2, %add3A_64 : i32
    "tpu.region"() ({
      %run_scoped3A = tpu.sem_alloc : memref<!tpu.dma_semaphore, #tpu.memory_space<semaphore_mem>>
      %dma_start3A_338 = tpu.memref_slice %arg3[%add3A_65, %mul3A_0] : memref<10000x128xf32, #tpu.memory_space<hbm>> -> memref<125x64xf32, #tpu.memory_space<hbm>>
      %dma_start3A_339 = tpu.memref_slice %arg3[%add3A_65, %mul3A_0] : memref<10000x128xf32, #tpu.memory_space<hbm>> -> memref<125x64xf32, #tpu.memory_space<hbm>>
      tpu.enqueue_dma source(%dma_start3A_339 : memref<125x64xf32, #tpu.memory_space<hbm>>) target(%arg11 : memref<125x64xf32, #tpu.memory_space<vmem>>) target_semaphore(%run_scoped3A : memref<!tpu.dma_semaphore, #tpu.memory_space<semaphore_mem>>)
      %dma_wait3A_340 = tpu.memref_slice %arg3[%add3A_65, %mul3A_0] : memref<10000x128xf32, #tpu.memory_space<hbm>> -> memref<125x64xf32, #tpu.memory_space<hbm>>
      %dma_wait3A_341 = tpu.memref_slice %arg3[%add3A_65, %mul3A_0] : memref<10000x128xf32, #tpu.memory_space<hbm>> -> memref<125x64xf32, #tpu.memory_space<hbm>>
      tpu.wait_dma2 semaphore(%run_scoped3A : memref<!tpu.dma_semaphore, #tpu.memory_space<semaphore_mem>>) src(%dma_wait3A_341 : memref<125x64xf32, #tpu.memory_space<hbm>>) dst(%arg11 : memref<125x64xf32, #tpu.memory_space<vmem>>)
      tpu.yield
    }) : () -> ()
    "tpu.region"() ({
      %run_scoped3A = tpu.sem_alloc : memref<!tpu.dma_semaphore, #tpu.memory_space<semaphore_mem>>
      %dma_start3A_338 = arith.constant 0 : i32
      %dma_start3A_339 = tpu.memref_slice %arg4[%arg0, %add3A_65, %dma_start3A_338] : memref<2x10000x64xf32, #tpu.memory_space<hbm>> -> memref<1x125x64xf32, #tpu.memory_space<hbm>>
      %dma_start3A_340 = tpu.memref_squeeze %dma_start3A_339 : memref<1x125x64xf32, #tpu.memory_space<hbm>> -> memref<125x64xf32, #tpu.memory_space<hbm>>
      %dma_start3A_341 = arith.constant 0 : i32
      %dma_start3A_342 = tpu.memref_slice %arg4[%arg0, %add3A_65, %dma_start3A_341] : memref<2x10000x64xf32, #tpu.memory_space<hbm>> -> memref<1x125x64xf32, #tpu.memory_space<hbm>>
      %dma_start3A_343 = tpu.memref_squeeze %dma_start3A_342 : memref<1x125x64xf32, #tpu.memory_space<hbm>> -> memref<125x64xf32, #tpu.memory_space<hbm>>
      tpu.enqueue_dma source(%arg11 : memref<125x64xf32, #tpu.memory_space<vmem>>) target(%dma_start3A_343 : memref<125x64xf32, #tpu.memory_space<hbm>>) target_semaphore(%run_scoped3A : memref<!tpu.dma_semaphore, #tpu.memory_space<semaphore_mem>>)
      %dma_wait3A_344 = arith.constant 0 : i32
      %dma_wait3A_345 = tpu.memref_slice %arg4[%arg0, %add3A_65, %dma_wait3A_344] : memref<2x10000x64xf32, #tpu.memory_space<hbm>> -> memref<1x125x64xf32, #tpu.memory_space<hbm>>
      %dma_wait3A_346 = tpu.memref_squeeze %dma_wait3A_345 : memref<1x125x64xf32, #tpu.memory_space<hbm>> -> memref<125x64xf32, #tpu.memory_space<hbm>>
      %dma_wait3A_347 = arith.constant 0 : i32
      %dma_wait3A_348 = tpu.memref_slice %arg4[%arg0, %add3A_65, %dma_wait3A_347] : memref<2x10000x64xf32, #tpu.memory_space<hbm>> -> memref<1x125x64xf32, #tpu.memory_space<hbm>>
      %dma_wait3A_349 = tpu.memref_squeeze %dma_wait3A_348 : memref<1x125x64xf32, #tpu.memory_space<hbm>> -> memref<125x64xf32, #tpu.memory_space<hbm>>
      tpu.wait_dma2 semaphore(%run_scoped3A : memref<!tpu.dma_semaphore, #tpu.memory_space<semaphore_mem>>) src(%arg11 : memref<125x64xf32, #tpu.memory_space<vmem>>) dst(%dma_wait3A_349 : memref<125x64xf32, #tpu.memory_space<hbm>>)
      tpu.yield
    }) : () -> ()
    %add3A_66 = arith.constant 250 : i32
    %add3A_67 = arith.addi %mul3A_2, %add3A_66 : i32
    "tpu.region"() ({
      %run_scoped3A = tpu.sem_alloc : memref<!tpu.dma_semaphore, #tpu.memory_space<semaphore_mem>>
      %dma_start3A_338 = tpu.memref_slice %arg3[%add3A_67, %mul3A_0] : memref<10000x128xf32, #tpu.memory_space<hbm>> -> memref<125x64xf32, #tpu.memory_space<hbm>>
      %dma_start3A_339 = tpu.memref_slice %arg3[%add3A_67, %mul3A_0] : memref<10000x128xf32, #tpu.memory_space<hbm>> -> memref<125x64xf32, #tpu.memory_space<hbm>>
      tpu.enqueue_dma source(%dma_start3A_339 : memref<125x64xf32, #tpu.memory_space<hbm>>) target(%arg11 : memref<125x64xf32, #tpu.memory_space<vmem>>) target_semaphore(%run_scoped3A : memref<!tpu.dma_semaphore, #tpu.memory_space<semaphore_mem>>)
      %dma_wait3A_340 = tpu.memref_slice %arg3[%add3A_67, %mul3A_0] : memref<10000x128xf32, #tpu.memory_space<hbm>> -> memref<125x64xf32, #tpu.memory_space<hbm>>
      %dma_wait3A_341 = tpu.memref_slice %arg3[%add3A_67, %mul3A_0] : memref<10000x128xf32, #tpu.memory_space<hbm>> -> memref<125x64xf32, #tpu.memory_space<hbm>>
      tpu.wait_dma2 semaphore(%run_scoped3A : memref<!tpu.dma_semaphore, #tpu.memory_space<semaphore_mem>>) src(%dma_wait3A_341 : memref<125x64xf32, #tpu.memory_space<hbm>>) dst(%arg11 : memref<125x64xf32, #tpu.memory_space<vmem>>)
      tpu.yield
    }) : () -> ()
    "tpu.region"() ({
      %run_scoped3A = tpu.sem_alloc : memref<!tpu.dma_semaphore, #tpu.memory_space<semaphore_mem>>
      %dma_start3A_338 = arith.constant 0 : i32
      %dma_start3A_339 = tpu.memref_slice %arg4[%arg0, %add3A_67, %dma_start3A_338] : memref<2x10000x64xf32, #tpu.memory_space<hbm>> -> memref<1x125x64xf32, #tpu.memory_space<hbm>>
      %dma_start3A_340 = tpu.memref_squeeze %dma_start3A_339 : memref<1x125x64xf32, #tpu.memory_space<hbm>> -> memref<125x64xf32, #tpu.memory_space<hbm>>
      %dma_start3A_341 = arith.constant 0 : i32
      %dma_start3A_342 = tpu.memref_slice %arg4[%arg0, %add3A_67, %dma_start3A_341] : memref<2x10000x64xf32, #tpu.memory_space<hbm>> -> memref<1x125x64xf32, #tpu.memory_space<hbm>>
      %dma_start3A_343 = tpu.memref_squeeze %dma_start3A_342 : memref<1x125x64xf32, #tpu.memory_space<hbm>> -> memref<125x64xf32, #tpu.memory_space<hbm>>
      tpu.enqueue_dma source(%arg11 : memref<125x64xf32, #tpu.memory_space<vmem>>) target(%dma_start3A_343 : memref<125x64xf32, #tpu.memory_space<hbm>>) target_semaphore(%run_scoped3A : memref<!tpu.dma_semaphore, #tpu.memory_space<semaphore_mem>>)
      %dma_wait3A_344 = arith.constant 0 : i32
      %dma_wait3A_345 = tpu.memref_slice %arg4[%arg0, %add3A_67, %dma_wait3A_344] : memref<2x10000x64xf32, #tpu.memory_space<hbm>> -> memref<1x125x64xf32, #tpu.memory_space<hbm>>
      %dma_wait3A_346 = tpu.memref_squeeze %dma_wait3A_345 : memref<1x125x64xf32, #tpu.memory_space<hbm>> -> memref<125x64xf32, #tpu.memory_space<hbm>>
      %dma_wait3A_347 = arith.constant 0 : i32
      %dma_wait3A_348 = tpu.memref_slice %arg4[%arg0, %add3A_67, %dma_wait3A_347] : memref<2x10000x64xf32, #tpu.memory_space<hbm>> -> memref<1x125x64xf32, #tpu.memory_space<hbm>>
      %dma_wait3A_349 = tpu.memref_squeeze %dma_wait3A_348 : memref<1x125x64xf32, #tpu.memory_space<hbm>> -> memref<125x64xf32, #tpu.memory_space<hbm>>
      tpu.wait_dma2 semaphore(%run_scoped3A : memref<!tpu.dma_semaphore, #tpu.memory_space<semaphore_mem>>) src(%arg11 : memref<125x64xf32, #tpu.memory_space<vmem>>) dst(%dma_wait3A_349 : memref<125x64xf32, #tpu.memory_space<hbm>>)
      tpu.yield
    }) : () -> ()
    %add3A_68 = arith.constant 375 : i32
    %add3A_69 = arith.addi %mul3A_2, %add3A_68 : i32
    "tpu.region"() ({
      %run_scoped3A = tpu.sem_alloc : memref<!tpu.dma_semaphore, #tpu.memory_space<semaphore_mem>>
      %dma_start3A_338 = tpu.memref_slice %arg3[%add3A_69, %mul3A_0] : memref<10000x128xf32, #tpu.memory_space<hbm>> -> memref<125x64xf32, #tpu.memory_space<hbm>>
      %dma_start3A_339 = tpu.memref_slice %arg3[%add3A_69, %mul3A_0] : memref<10000x128xf32, #tpu.memory_space<hbm>> -> memref<125x64xf32, #tpu.memory_space<hbm>>
      tpu.enqueue_dma source(%dma_start3A_339 : memref<125x64xf32, #tpu.memory_space<hbm>>) target(%arg11 : memref<125x64xf32, #tpu.memory_space<vmem>>) target_semaphore(%run_scoped3A : memref<!tpu.dma_semaphore, #tpu.memory_space<semaphore_mem>>)
      %dma_wait3A_340 = tpu.memref_slice %arg3[%add3A_69, %mul3A_0] : memref<10000x128xf32, #tpu.memory_space<hbm>> -> memref<125x64xf32, #tpu.memory_space<hbm>>
      %dma_wait3A_341 = tpu.memref_slice %arg3[%add3A_69, %mul3A_0] : memref<10000x128xf32, #tpu.memory_space<hbm>> -> memref<125x64xf32, #tpu.memory_space<hbm>>
      tpu.wait_dma2 semaphore(%run_scoped3A : memref<!tpu.dma_semaphore, #tpu.memory_space<semaphore_mem>>) src(%dma_wait3A_341 : memref<125x64xf32, #tpu.memory_space<hbm>>) dst(%arg11 : memref<125x64xf32, #tpu.memory_space<vmem>>)
      tpu.yield
    }) : () -> ()
    "tpu.region"() ({
      %run_scoped3A = tpu.sem_alloc : memref<!tpu.dma_semaphore, #tpu.memory_space<semaphore_mem>>
      %dma_start3A_338 = arith.constant 0 : i32
      %dma_start3A_339 = tpu.memref_slice %arg4[%arg0, %add3A_69, %dma_start3A_338] : memref<2x10000x64xf32, #tpu.memory_space<hbm>> -> memref<1x125x64xf32, #tpu.memory_space<hbm>>
      %dma_start3A_340 = tpu.memref_squeeze %dma_start3A_339 : memref<1x125x64xf32, #tpu.memory_space<hbm>> -> memref<125x64xf32, #tpu.memory_space<hbm>>
      %dma_start3A_341 = arith.constant 0 : i32
      %dma_start3A_342 = tpu.memref_slice %arg4[%arg0, %add3A_69, %dma_start3A_341] : memref<2x10000x64xf32, #tpu.memory_space<hbm>> -> memref<1x125x64xf32, #tpu.memory_space<hbm>>
      %dma_start3A_343 = tpu.memref_squeeze %dma_start3A_342 : memref<1x125x64xf32, #tpu.memory_space<hbm>> -> memref<125x64xf32, #tpu.memory_space<hbm>>
      tpu.enqueue_dma source(%arg11 : memref<125x64xf32, #tpu.memory_space<vmem>>) target(%dma_start3A_343 : memref<125x64xf32, #tpu.memory_space<hbm>>) target_semaphore(%run_scoped3A : memref<!tpu.dma_semaphore, #tpu.memory_space<semaphore_mem>>)
      %dma_wait3A_344 = arith.constant 0 : i32
      %dma_wait3A_345 = tpu.memref_slice %arg4[%arg0, %add3A_69, %dma_wait3A_344] : memref<2x10000x64xf32, #tpu.memory_space<hbm>> -> memref<1x125x64xf32, #tpu.memory_space<hbm>>
      %dma_wait3A_346 = tpu.memref_squeeze %dma_wait3A_345 : memref<1x125x64xf32, #tpu.memory_space<hbm>> -> memref<125x64xf32, #tpu.memory_space<hbm>>
      %dma_wait3A_347 = arith.constant 0 : i32
      %dma_wait3A_348 = tpu.memref_slice %arg4[%arg0, %add3A_69, %dma_wait3A_347] : memref<2x10000x64xf32, #tpu.memory_space<hbm>> -> memref<1x125x64xf32, #tpu.memory_space<hbm>>
      %dma_wait3A_349 = tpu.memref_squeeze %dma_wait3A_348 : memref<1x125x64xf32, #tpu.memory_space<hbm>> -> memref<125x64xf32, #tpu.memory_space<hbm>>
      tpu.wait_dma2 semaphore(%run_scoped3A : memref<!tpu.dma_semaphore, #tpu.memory_space<semaphore_mem>>) src(%arg11 : memref<125x64xf32, #tpu.memory_space<vmem>>) dst(%dma_wait3A_349 : memref<125x64xf32, #tpu.memory_space<hbm>>)
      tpu.yield
    }) : () -> ()
    %add3A_70 = arith.constant 500 : i32
    %add3A_71 = arith.addi %mul3A_2, %add3A_70 : i32
    "tpu.region"() ({
      %run_scoped3A = tpu.sem_alloc : memref<!tpu.dma_semaphore, #tpu.memory_space<semaphore_mem>>
      %dma_start3A_338 = tpu.memref_slice %arg3[%add3A_71, %mul3A_0] : memref<10000x128xf32, #tpu.memory_space<hbm>> -> memref<125x64xf32, #tpu.memory_space<hbm>>
      %dma_start3A_339 = tpu.memref_slice %arg3[%add3A_71, %mul3A_0] : memref<10000x128xf32, #tpu.memory_space<hbm>> -> memref<125x64xf32, #tpu.memory_space<hbm>>
      tpu.enqueue_dma source(%dma_start3A_339 : memref<125x64xf32, #tpu.memory_space<hbm>>) target(%arg11 : memref<125x64xf32, #tpu.memory_space<vmem>>) target_semaphore(%run_scoped3A : memref<!tpu.dma_semaphore, #tpu.memory_space<semaphore_mem>>)
      %dma_wait3A_340 = tpu.memref_slice %arg3[%add3A_71, %mul3A_0] : memref<10000x128xf32, #tpu.memory_space<hbm>> -> memref<125x64xf32, #tpu.memory_space<hbm>>
      %dma_wait3A_341 = tpu.memref_slice %arg3[%add3A_71, %mul3A_0] : memref<10000x128xf32, #tpu.memory_space<hbm>> -> memref<125x64xf32, #tpu.memory_space<hbm>>
      tpu.wait_dma2 semaphore(%run_scoped3A : memref<!tpu.dma_semaphore, #tpu.memory_space<semaphore_mem>>) src(%dma_wait3A_341 : memref<125x64xf32, #tpu.memory_space<hbm>>) dst(%arg11 : memref<125x64xf32, #tpu.memory_space<vmem>>)
      tpu.yield
    }) : () -> ()
    "tpu.region"() ({
      %run_scoped3A = tpu.sem_alloc : memref<!tpu.dma_semaphore, #tpu.memory_space<semaphore_mem>>
      %dma_start3A_338 = arith.constant 0 : i32
      %dma_start3A_339 = tpu.memref_slice %arg4[%arg0, %add3A_71, %dma_start3A_338] : memref<2x10000x64xf32, #tpu.memory_space<hbm>> -> memref<1x125x64xf32, #tpu.memory_space<hbm>>
      %dma_start3A_340 = tpu.memref_squeeze %dma_start3A_339 : memref<1x125x64xf32, #tpu.memory_space<hbm>> -> memref<125x64xf32, #tpu.memory_space<hbm>>
      %dma_start3A_341 = arith.constant 0 : i32
      %dma_start3A_342 = tpu.memref_slice %arg4[%arg0, %add3A_71, %dma_start3A_341] : memref<2x10000x64xf32, #tpu.memory_space<hbm>> -> memref<1x125x64xf32, #tpu.memory_space<hbm>>
      %dma_start3A_343 = tpu.memref_squeeze %dma_start3A_342 : memref<1x125x64xf32, #tpu.memory_space<hbm>> -> memref<125x64xf32, #tpu.memory_space<hbm>>
      tpu.enqueue_dma source(%arg11 : memref<125x64xf32, #tpu.memory_space<vmem>>) target(%dma_start3A_343 : memref<125x64xf32, #tpu.memory_space<hbm>>) target_semaphore(%run_scoped3A : memref<!tpu.dma_semaphore, #tpu.memory_space<semaphore_mem>>)
      %dma_wait3A_344 = arith.constant 0 : i32
      %dma_wait3A_345 = tpu.memref_slice %arg4[%arg0, %add3A_71, %dma_wait3A_344] : memref<2x10000x64xf32, #tpu.memory_space<hbm>> -> memref<1x125x64xf32, #tpu.memory_space<hbm>>
      %dma_wait3A_346 = tpu.memref_squeeze %dma_wait3A_345 : memref<1x125x64xf32, #tpu.memory_space<hbm>> -> memref<125x64xf32, #tpu.memory_space<hbm>>
      %dma_wait3A_347 = arith.constant 0 : i32
      %dma_wait3A_348 = tpu.memref_slice %arg4[%arg0, %add3A_71, %dma_wait3A_347] : memref<2x10000x64xf32, #tpu.memory_space<hbm>> -> memref<1x125x64xf32, #tpu.memory_space<hbm>>
      %dma_wait3A_349 = tpu.memref_squeeze %dma_wait3A_348 : memref<1x125x64xf32, #tpu.memory_space<hbm>> -> memref<125x64xf32, #tpu.memory_space<hbm>>
      tpu.wait_dma2 semaphore(%run_scoped3A : memref<!tpu.dma_semaphore, #tpu.memory_space<semaphore_mem>>) src(%arg11 : memref<125x64xf32, #tpu.memory_space<vmem>>) dst(%dma_wait3A_349 : memref<125x64xf32, #tpu.memory_space<hbm>>)
      tpu.yield
    }) : () -> ()
    %broadcast_in_dim3A = arith.constant 0.000000e+00 : f32
    %broadcast_in_dim3A_72 = vector.broadcast %broadcast_in_dim3A : f32 to vector<16xf32>
    %parallel_loop3A = arith.constant 0 : i32
    %parallel_loop3A_73 = arith.constant 125 : i32
    %parallel_loop3A_74 = arith.constant 1 : i32
    scf.for %parallel_loop3A_338 = %parallel_loop3A to %parallel_loop3A_73 step %parallel_loop3A_74  : i32 {
      %parallel_loop3A_339 = arith.index_cast %parallel_loop3A_338 : i32 to index
      %parallel_loop3A_340 = arith.constant 0 : index
      %parallel_loop3A_341 = tpu.vector_load %arg11[%parallel_loop3A_339, %parallel_loop3A_340] {strides = array<i32>} : memref<125x64xf32, #tpu.memory_space<vmem>>, vector<16xf32>,
      tpu.vector_store %arg11[%parallel_loop3A_339, %parallel_loop3A_340], %broadcast_in_dim3A_72 {strides = array<i32>} : memref<125x64xf32, #tpu.memory_space<vmem>>, vector<16xf32>,
      %parallel_loop3A_342 = arith.index_cast %parallel_loop3A_338 : i32 to index
      %parallel_loop3A_343 = arith.constant 16 : index
      %parallel_loop3A_344 = tpu.vector_load %arg11[%parallel_loop3A_342, %parallel_loop3A_343] {strides = array<i32>} : memref<125x64xf32, #tpu.memory_space<vmem>>, vector<16xf32>,
      tpu.vector_store %arg11[%parallel_loop3A_342, %parallel_loop3A_343], %broadcast_in_dim3A_72 {strides = array<i32>} : memref<125x64xf32, #tpu.memory_space<vmem>>, vector<16xf32>,
      %parallel_loop3A_345 = arith.index_cast %parallel_loop3A_338 : i32 to index
      %parallel_loop3A_346 = arith.constant 32 : index
      %parallel_loop3A_347 = tpu.vector_load %arg11[%parallel_loop3A_345, %parallel_loop3A_346] {strides = array<i32>} : memref<125x64xf32, #tpu.memory_space<vmem>>, vector<16xf32>,
      tpu.vector_store %arg11[%parallel_loop3A_345, %parallel_loop3A_346], %broadcast_in_dim3A_72 {strides = array<i32>} : memref<125x64xf32, #tpu.memory_space<vmem>>, vector<16xf32>,
      %parallel_loop3A_348 = arith.index_cast %parallel_loop3A_338 : i32 to index
      %parallel_loop3A_349 = arith.constant 48 : index
      %parallel_loop3A_350 = tpu.vector_load %arg11[%parallel_loop3A_348, %parallel_loop3A_349] {strides = array<i32>} : memref<125x64xf32, #tpu.memory_space<vmem>>, vector<16xf32>,
      tpu.vector_store %arg11[%parallel_loop3A_348, %parallel_loop3A_349], %broadcast_in_dim3A_72 {strides = array<i32>} : memref<125x64xf32, #tpu.memory_space<vmem>>, vector<16xf32>,
    } {sc.loop_unroll_factor = 4 : i64, sc.parallel_access}
    %add3A_75 = arith.constant 0 : i32
    %add3A_76 = arith.addi %mul3A_2, %add3A_75 : i32
    "tpu.region"() ({
      %run_scoped3A = tpu.sem_alloc : memref<!tpu.dma_semaphore, #tpu.memory_space<semaphore_mem>>
      %dma_start3A_338 = arith.constant 0 : i32
      %dma_start3A_339 = tpu.memref_slice %arg12[%add3A_76, %dma_start3A_338] : memref<10000x64xf32, #tpu.memory_space<vmem_shared>> -> memref<125x64xf32, #tpu.memory_space<vmem_shared>>
      %dma_start3A_340 = arith.constant 0 : i32
      %dma_start3A_341 = tpu.memref_slice %arg12[%add3A_76, %dma_start3A_340] : memref<10000x64xf32, #tpu.memory_space<vmem_shared>> -> memref<125x64xf32, #tpu.memory_space<vmem_shared>>
      tpu.enqueue_dma source(%arg11 : memref<125x64xf32, #tpu.memory_space<vmem>>) target(%dma_start3A_341 : memref<125x64xf32, #tpu.memory_space<vmem_shared>>) target_semaphore(%run_scoped3A : memref<!tpu.dma_semaphore, #tpu.memory_space<semaphore_mem>>)
      %dma_wait3A_342 = arith.constant 0 : i32
      %dma_wait3A_343 = tpu.memref_slice %arg12[%add3A_76, %dma_wait3A_342] : memref<10000x64xf32, #tpu.memory_space<vmem_shared>> -> memref<125x64xf32, #tpu.memory_space<vmem_shared>>
      %dma_wait3A_344 = arith.constant 0 : i32
      %dma_wait3A_345 = tpu.memref_slice %arg12[%add3A_76, %dma_wait3A_344] : memref<10000x64xf32, #tpu.memory_space<vmem_shared>> -> memref<125x64xf32, #tpu.memory_space<vmem_shared>>
      tpu.wait_dma2 semaphore(%run_scoped3A : memref<!tpu.dma_semaphore, #tpu.memory_space<semaphore_mem>>) src(%arg11 : memref<125x64xf32, #tpu.memory_space<vmem>>) dst(%dma_wait3A_345 : memref<125x64xf32, #tpu.memory_space<vmem_shared>>)
      tpu.yield
    }) : () -> ()
    %add3A_77 = arith.constant 125 : i32
    %add3A_78 = arith.addi %mul3A_2, %add3A_77 : i32
    "tpu.region"() ({
      %run_scoped3A = tpu.sem_alloc : memref<!tpu.dma_semaphore, #tpu.memory_space<semaphore_mem>>
      %dma_start3A_338 = arith.constant 0 : i32
      %dma_start3A_339 = tpu.memref_slice %arg12[%add3A_78, %dma_start3A_338] : memref<10000x64xf32, #tpu.memory_space<vmem_shared>> -> memref<125x64xf32, #tpu.memory_space<vmem_shared>>
      %dma_start3A_340 = arith.constant 0 : i32
      %dma_start3A_341 = tpu.memref_slice %arg12[%add3A_78, %dma_start3A_340] : memref<10000x64xf32, #tpu.memory_space<vmem_shared>> -> memref<125x64xf32, #tpu.memory_space<vmem_shared>>
      tpu.enqueue_dma source(%arg11 : memref<125x64xf32, #tpu.memory_space<vmem>>) target(%dma_start3A_341 : memref<125x64xf32, #tpu.memory_space<vmem_shared>>) target_semaphore(%run_scoped3A : memref<!tpu.dma_semaphore, #tpu.memory_space<semaphore_mem>>)
      %dma_wait3A_342 = arith.constant 0 : i32
      %dma_wait3A_343 = tpu.memref_slice %arg12[%add3A_78, %dma_wait3A_342] : memref<10000x64xf32, #tpu.memory_space<vmem_shared>> -> memref<125x64xf32, #tpu.memory_space<vmem_shared>>
      %dma_wait3A_344 = arith.constant 0 : i32
      %dma_wait3A_345 = tpu.memref_slice %arg12[%add3A_78, %dma_wait3A_344] : memref<10000x64xf32, #tpu.memory_space<vmem_shared>> -> memref<125x64xf32, #tpu.memory_space<vmem_shared>>
      tpu.wait_dma2 semaphore(%run_scoped3A : memref<!tpu.dma_semaphore, #tpu.memory_space<semaphore_mem>>) src(%arg11 : memref<125x64xf32, #tpu.memory_space<vmem>>) dst(%dma_wait3A_345 : memref<125x64xf32, #tpu.memory_space<vmem_shared>>)
      tpu.yield
    }) : () -> ()
    %add3A_79 = arith.constant 250 : i32
    %add3A_80 = arith.addi %mul3A_2, %add3A_79 : i32
    "tpu.region"() ({
      %run_scoped3A = tpu.sem_alloc : memref<!tpu.dma_semaphore, #tpu.memory_space<semaphore_mem>>
      %dma_start3A_338 = arith.constant 0 : i32
      %dma_start3A_339 = tpu.memref_slice %arg12[%add3A_80, %dma_start3A_338] : memref<10000x64xf32, #tpu.memory_space<vmem_shared>> -> memref<125x64xf32, #tpu.memory_space<vmem_shared>>
      %dma_start3A_340 = arith.constant 0 : i32
      %dma_start3A_341 = tpu.memref_slice %arg12[%add3A_80, %dma_start3A_340] : memref<10000x64xf32, #tpu.memory_space<vmem_shared>> -> memref<125x64xf32, #tpu.memory_space<vmem_shared>>
      tpu.enqueue_dma source(%arg11 : memref<125x64xf32, #tpu.memory_space<vmem>>) target(%dma_start3A_341 : memref<125x64xf32, #tpu.memory_space<vmem_shared>>) target_semaphore(%run_scoped3A : memref<!tpu.dma_semaphore, #tpu.memory_space<semaphore_mem>>)
      %dma_wait3A_342 = arith.constant 0 : i32
      %dma_wait3A_343 = tpu.memref_slice %arg12[%add3A_80, %dma_wait3A_342] : memref<10000x64xf32, #tpu.memory_space<vmem_shared>> -> memref<125x64xf32, #tpu.memory_space<vmem_shared>>
      %dma_wait3A_344 = arith.constant 0 : i32
      %dma_wait3A_345 = tpu.memref_slice %arg12[%add3A_80, %dma_wait3A_344] : memref<10000x64xf32, #tpu.memory_space<vmem_shared>> -> memref<125x64xf32, #tpu.memory_space<vmem_shared>>
      tpu.wait_dma2 semaphore(%run_scoped3A : memref<!tpu.dma_semaphore, #tpu.memory_space<semaphore_mem>>) src(%arg11 : memref<125x64xf32, #tpu.memory_space<vmem>>) dst(%dma_wait3A_345 : memref<125x64xf32, #tpu.memory_space<vmem_shared>>)
      tpu.yield
    }) : () -> ()
    %add3A_81 = arith.constant 375 : i32
    %add3A_82 = arith.addi %mul3A_2, %add3A_81 : i32
    "tpu.region"() ({
      %run_scoped3A = tpu.sem_alloc : memref<!tpu.dma_semaphore, #tpu.memory_space<semaphore_mem>>
      %dma_start3A_338 = arith.constant 0 : i32
      %dma_start3A_339 = tpu.memref_slice %arg12[%add3A_82, %dma_start3A_338] : memref<10000x64xf32, #tpu.memory_space<vmem_shared>> -> memref<125x64xf32, #tpu.memory_space<vmem_shared>>
      %dma_start3A_340 = arith.constant 0 : i32
      %dma_start3A_341 = tpu.memref_slice %arg12[%add3A_82, %dma_start3A_340] : memref<10000x64xf32, #tpu.memory_space<vmem_shared>> -> memref<125x64xf32, #tpu.memory_space<vmem_shared>>
      tpu.enqueue_dma source(%arg11 : memref<125x64xf32, #tpu.memory_space<vmem>>) target(%dma_start3A_341 : memref<125x64xf32, #tpu.memory_space<vmem_shared>>) target_semaphore(%run_scoped3A : memref<!tpu.dma_semaphore, #tpu.memory_space<semaphore_mem>>)
      %dma_wait3A_342 = arith.constant 0 : i32
      %dma_wait3A_343 = tpu.memref_slice %arg12[%add3A_82, %dma_wait3A_342] : memref<10000x64xf32, #tpu.memory_space<vmem_shared>> -> memref<125x64xf32, #tpu.memory_space<vmem_shared>>
      %dma_wait3A_344 = arith.constant 0 : i32
      %dma_wait3A_345 = tpu.memref_slice %arg12[%add3A_82, %dma_wait3A_344] : memref<10000x64xf32, #tpu.memory_space<vmem_shared>> -> memref<125x64xf32, #tpu.memory_space<vmem_shared>>
      tpu.wait_dma2 semaphore(%run_scoped3A : memref<!tpu.dma_semaphore, #tpu.memory_space<semaphore_mem>>) src(%arg11 : memref<125x64xf32, #tpu.memory_space<vmem>>) dst(%dma_wait3A_345 : memref<125x64xf32, #tpu.memory_space<vmem_shared>>)
      tpu.yield
    }) : () -> ()
    %add3A_83 = arith.constant 500 : i32
    %add3A_84 = arith.addi %mul3A_2, %add3A_83 : i32
    "tpu.region"() ({
      %run_scoped3A = tpu.sem_alloc : memref<!tpu.dma_semaphore, #tpu.memory_space<semaphore_mem>>
      %dma_start3A_338 = arith.constant 0 : i32
      %dma_start3A_339 = tpu.memref_slice %arg12[%add3A_84, %dma_start3A_338] : memref<10000x64xf32, #tpu.memory_space<vmem_shared>> -> memref<125x64xf32, #tpu.memory_space<vmem_shared>>
      %dma_start3A_340 = arith.constant 0 : i32
      %dma_start3A_341 = tpu.memref_slice %arg12[%add3A_84, %dma_start3A_340] : memref<10000x64xf32, #tpu.memory_space<vmem_shared>> -> memref<125x64xf32, #tpu.memory_space<vmem_shared>>
      tpu.enqueue_dma source(%arg11 : memref<125x64xf32, #tpu.memory_space<vmem>>) target(%dma_start3A_341 : memref<125x64xf32, #tpu.memory_space<vmem_shared>>) target_semaphore(%run_scoped3A : memref<!tpu.dma_semaphore, #tpu.memory_space<semaphore_mem>>)
      %dma_wait3A_342 = arith.constant 0 : i32
      %dma_wait3A_343 = tpu.memref_slice %arg12[%add3A_84, %dma_wait3A_342] : memref<10000x64xf32, #tpu.memory_space<vmem_shared>> -> memref<125x64xf32, #tpu.memory_space<vmem_shared>>
      %dma_wait3A_344 = arith.constant 0 : i32
      %dma_wait3A_345 = tpu.memref_slice %arg12[%add3A_84, %dma_wait3A_344] : memref<10000x64xf32, #tpu.memory_space<vmem_shared>> -> memref<125x64xf32, #tpu.memory_space<vmem_shared>>
      tpu.wait_dma2 semaphore(%run_scoped3A : memref<!tpu.dma_semaphore, #tpu.memory_space<semaphore_mem>>) src(%arg11 : memref<125x64xf32, #tpu.memory_space<vmem>>) dst(%dma_wait3A_345 : memref<125x64xf32, #tpu.memory_space<vmem_shared>>)
      tpu.yield
    }) : () -> ()
    %barrier3A = arith.constant 0 : index
    tpu.barrier barrier_id(%barrier3A)
    %dma_start3A_85 = arith.constant 0 : i32
    %dma_start3A_86 = arith.constant 0 : i32
    %dma_start3A_87 = arith.constant 0 : i32
    %dma_start3A_88 = arith.constant 0 : i32
    %dma_start3A_89 = tpu.memref_slice %arg10[%dma_start3A_86, %dma_start3A_87, %dma_start3A_88] : memref<4x128x64xf32, #tpu.memory_space<vmem>> -> memref<1x128x64xf32, #tpu.memory_space<vmem>>
    %dma_start3A_90 = tpu.memref_squeeze %dma_start3A_89 : memref<1x128x64xf32, #tpu.memory_space<vmem>> -> memref<128x64xf32, #tpu.memory_space<vmem>>
    %dma_start3A_91 = arith.constant 0 : i32
    %dma_start3A_92 = tpu.memref_slice %arg8[%dma_start3A_85, %dma_start3A_91] : memref<157x128xi32, #tpu.memory_space<vmem>> -> memref<1x128xi32, #tpu.memory_space<vmem>>
    %dma_start3A_93 = tpu.memref_squeeze %dma_start3A_92 : memref<1x128xi32, #tpu.memory_space<vmem>> -> memref<128xi32, #tpu.memory_space<vmem>>
    %dma_start3A_94 = arith.constant 0 : i32
    %dma_start3A_95 = arith.constant 0 : i32
    %dma_start3A_96 = tpu.memref_slice %arg4[%arg0, %dma_start3A_94, %dma_start3A_95] : memref<2x10000x64xf32, #tpu.memory_space<hbm>> -> memref<1x10000x64xf32, #tpu.memory_space<hbm>>
    %dma_start3A_97 = tpu.memref_squeeze %dma_start3A_96 : memref<1x10000x64xf32, #tpu.memory_space<hbm>> -> memref<10000x64xf32, #tpu.memory_space<hbm>>
    %dma_start3A_98 = arith.constant 0 : i32
    %dma_start3A_99 = arith.constant 0 : i32
    %dma_start3A_100 = tpu.memref_slice %dma_start3A_97[%dma_start3A_98, %dma_start3A_99] : memref<10000x64xf32, #tpu.memory_space<hbm>> -> memref<10000x64xf32, #tpu.memory_space<hbm>>
    tpu.enqueue_indirect_dma source(%dma_start3A_100 : memref<10000x64xf32, #tpu.memory_space<hbm>>) target(%dma_start3A_90 : memref<128x64xf32, #tpu.memory_space<vmem>>) offsets(%dma_start3A_93 : memref<128xi32, #tpu.memory_space<vmem>>) semaphore(%arg13 : memref<!tpu.dma_semaphore, #tpu.memory_space<semaphore_mem>>)
    %dma_start3A_101 = arith.constant 1 : i32
    %dma_start3A_102 = arith.constant 1 : i32
    %dma_start3A_103 = arith.constant 0 : i32
    %dma_start3A_104 = arith.constant 0 : i32
    %dma_start3A_105 = tpu.memref_slice %arg10[%dma_start3A_102, %dma_start3A_103, %dma_start3A_104] : memref<4x128x64xf32, #tpu.memory_space<vmem>> -> memref<1x128x64xf32, #tpu.memory_space<vmem>>
    %dma_start3A_106 = tpu.memref_squeeze %dma_start3A_105 : memref<1x128x64xf32, #tpu.memory_space<vmem>> -> memref<128x64xf32, #tpu.memory_space<vmem>>
    %dma_start3A_107 = arith.constant 0 : i32
    %dma_start3A_108 = tpu.memref_slice %arg8[%dma_start3A_101, %dma_start3A_107] : memref<157x128xi32, #tpu.memory_space<vmem>> -> memref<1x128xi32, #tpu.memory_space<vmem>>
    %dma_start3A_109 = tpu.memref_squeeze %dma_start3A_108 : memref<1x128xi32, #tpu.memory_space<vmem>> -> memref<128xi32, #tpu.memory_space<vmem>>
    %dma_start3A_110 = arith.constant 0 : i32
    %dma_start3A_111 = arith.constant 0 : i32
    %dma_start3A_112 = tpu.memref_slice %arg4[%arg0, %dma_start3A_110, %dma_start3A_111] : memref<2x10000x64xf32, #tpu.memory_space<hbm>> -> memref<1x10000x64xf32, #tpu.memory_space<hbm>>
    %dma_start3A_113 = tpu.memref_squeeze %dma_start3A_112 : memref<1x10000x64xf32, #tpu.memory_space<hbm>> -> memref<10000x64xf32, #tpu.memory_space<hbm>>
    %dma_start3A_114 = arith.constant 0 : i32
    %dma_start3A_115 = arith.constant 0 : i32
    %dma_start3A_116 = tpu.memref_slice %dma_start3A_113[%dma_start3A_114, %dma_start3A_115] : memref<10000x64xf32, #tpu.memory_space<hbm>> -> memref<10000x64xf32, #tpu.memory_space<hbm>>
    tpu.enqueue_indirect_dma source(%dma_start3A_116 : memref<10000x64xf32, #tpu.memory_space<hbm>>) target(%dma_start3A_106 : memref<128x64xf32, #tpu.memory_space<vmem>>) offsets(%dma_start3A_109 : memref<128xi32, #tpu.memory_space<vmem>>) semaphore(%arg13 : memref<!tpu.dma_semaphore, #tpu.memory_space<semaphore_mem>>)
    %dma_start3A_117 = arith.constant 2 : i32
    %dma_start3A_118 = arith.constant 2 : i32
    %dma_start3A_119 = arith.constant 0 : i32
    %dma_start3A_120 = arith.constant 0 : i32
    %dma_start3A_121 = tpu.memref_slice %arg10[%dma_start3A_118, %dma_start3A_119, %dma_start3A_120] : memref<4x128x64xf32, #tpu.memory_space<vmem>> -> memref<1x128x64xf32, #tpu.memory_space<vmem>>
    %dma_start3A_122 = tpu.memref_squeeze %dma_start3A_121 : memref<1x128x64xf32, #tpu.memory_space<vmem>> -> memref<128x64xf32, #tpu.memory_space<vmem>>
    %dma_start3A_123 = arith.constant 0 : i32
    %dma_start3A_124 = tpu.memref_slice %arg8[%dma_start3A_117, %dma_start3A_123] : memref<157x128xi32, #tpu.memory_space<vmem>> -> memref<1x128xi32, #tpu.memory_space<vmem>>
    %dma_start3A_125 = tpu.memref_squeeze %dma_start3A_124 : memref<1x128xi32, #tpu.memory_space<vmem>> -> memref<128xi32, #tpu.memory_space<vmem>>
    %dma_start3A_126 = arith.constant 0 : i32
    %dma_start3A_127 = arith.constant 0 : i32
    %dma_start3A_128 = tpu.memref_slice %arg4[%arg0, %dma_start3A_126, %dma_start3A_127] : memref<2x10000x64xf32, #tpu.memory_space<hbm>> -> memref<1x10000x64xf32, #tpu.memory_space<hbm>>
    %dma_start3A_129 = tpu.memref_squeeze %dma_start3A_128 : memref<1x10000x64xf32, #tpu.memory_space<hbm>> -> memref<10000x64xf32, #tpu.memory_space<hbm>>
    %dma_start3A_130 = arith.constant 0 : i32
    %dma_start3A_131 = arith.constant 0 : i32
    %dma_start3A_132 = tpu.memref_slice %dma_start3A_129[%dma_start3A_130, %dma_start3A_131] : memref<10000x64xf32, #tpu.memory_space<hbm>> -> memref<10000x64xf32, #tpu.memory_space<hbm>>
    tpu.enqueue_indirect_dma source(%dma_start3A_132 : memref<10000x64xf32, #tpu.memory_space<hbm>>) target(%dma_start3A_122 : memref<128x64xf32, #tpu.memory_space<vmem>>) offsets(%dma_start3A_125 : memref<128xi32, #tpu.memory_space<vmem>>) semaphore(%arg13 : memref<!tpu.dma_semaphore, #tpu.memory_space<semaphore_mem>>)
    %dma_start3A_133 = arith.constant 3 : i32
    %dma_start3A_134 = arith.constant 3 : i32
    %dma_start3A_135 = arith.constant 0 : i32
    %dma_start3A_136 = arith.constant 0 : i32
    %dma_start3A_137 = tpu.memref_slice %arg10[%dma_start3A_134, %dma_start3A_135, %dma_start3A_136] : memref<4x128x64xf32, #tpu.memory_space<vmem>> -> memref<1x128x64xf32, #tpu.memory_space<vmem>>
    %dma_start3A_138 = tpu.memref_squeeze %dma_start3A_137 : memref<1x128x64xf32, #tpu.memory_space<vmem>> -> memref<128x64xf32, #tpu.memory_space<vmem>>
    %dma_start3A_139 = arith.constant 0 : i32
    %dma_start3A_140 = tpu.memref_slice %arg8[%dma_start3A_133, %dma_start3A_139] : memref<157x128xi32, #tpu.memory_space<vmem>> -> memref<1x128xi32, #tpu.memory_space<vmem>>
    %dma_start3A_141 = tpu.memref_squeeze %dma_start3A_140 : memref<1x128xi32, #tpu.memory_space<vmem>> -> memref<128xi32, #tpu.memory_space<vmem>>
    %dma_start3A_142 = arith.constant 0 : i32
    %dma_start3A_143 = arith.constant 0 : i32
    %dma_start3A_144 = tpu.memref_slice %arg4[%arg0, %dma_start3A_142, %dma_start3A_143] : memref<2x10000x64xf32, #tpu.memory_space<hbm>> -> memref<1x10000x64xf32, #tpu.memory_space<hbm>>
    %dma_start3A_145 = tpu.memref_squeeze %dma_start3A_144 : memref<1x10000x64xf32, #tpu.memory_space<hbm>> -> memref<10000x64xf32, #tpu.memory_space<hbm>>
    %dma_start3A_146 = arith.constant 0 : i32
    %dma_start3A_147 = arith.constant 0 : i32
    %dma_start3A_148 = tpu.memref_slice %dma_start3A_145[%dma_start3A_146, %dma_start3A_147] : memref<10000x64xf32, #tpu.memory_space<hbm>> -> memref<10000x64xf32, #tpu.memory_space<hbm>>
    tpu.enqueue_indirect_dma source(%dma_start3A_148 : memref<10000x64xf32, #tpu.memory_space<hbm>>) target(%dma_start3A_138 : memref<128x64xf32, #tpu.memory_space<vmem>>) offsets(%dma_start3A_141 : memref<128xi32, #tpu.memory_space<vmem>>) semaphore(%arg13 : memref<!tpu.dma_semaphore, #tpu.memory_space<semaphore_mem>>)
    %scan3A = arith.constant 0 : i32
    %scan3A_149 = arith.constant 0 : i32
    %scan3A_150 = arith.constant 39 : i32
    %scan3A_151 = arith.addi %scan3A_149, %scan3A_150 : i32
    %scan3A_152 = arith.constant 1 : i32
    %scan3A_153 = scf.for %scan3A_338 = %scan3A_149 to %scan3A_151 step %scan3A_152 iter_args(%scan3A_339 = %scan3A) -> (i32)  : i32 {
      %mul3A_340 = arith.constant 4 : i32
      %mul3A_341 = arith.muli %scan3A_338, %mul3A_340 : i32
      %add3A_342 = arith.constant 0 : i32
      %add3A_343 = arith.addi %mul3A_341, %add3A_342 : i32
      %dma_wait3A_344 = arith.constant 0 : i32
      %dma_wait3A_345 = arith.constant 0 : i32
      %dma_wait3A_346 = arith.constant 0 : i32
      %dma_wait3A_347 = tpu.memref_slice %arg10[%dma_wait3A_344, %dma_wait3A_345, %dma_wait3A_346] : memref<4x128x64xf32, #tpu.memory_space<vmem>> -> memref<1x128x64xf32, #tpu.memory_space<vmem>>
      %dma_wait3A_348 = tpu.memref_squeeze %dma_wait3A_347 : memref<1x128x64xf32, #tpu.memory_space<vmem>> -> memref<128x64xf32, #tpu.memory_space<vmem>>
      %dma_wait3A_349 = arith.constant 0 : i32
      %dma_wait3A_350 = arith.constant 0 : i32
      %dma_wait3A_351 = tpu.memref_slice %arg4[%arg0, %dma_wait3A_349, %dma_wait3A_350] : memref<2x10000x64xf32, #tpu.memory_space<hbm>> -> memref<1x10000x64xf32, #tpu.memory_space<hbm>>
      %dma_wait3A_352 = tpu.memref_squeeze %dma_wait3A_351 : memref<1x10000x64xf32, #tpu.memory_space<hbm>> -> memref<10000x64xf32, #tpu.memory_space<hbm>>
      %dma_wait3A_353 = arith.constant 0 : i32
      %dma_wait3A_354 = arith.constant 0 : i32
      %dma_wait3A_355 = tpu.memref_slice %dma_wait3A_352[%dma_wait3A_353, %dma_wait3A_354] : memref<10000x64xf32, #tpu.memory_space<hbm>> -> memref<128x64xf32, #tpu.memory_space<hbm>>
      %dma_wait3A_356 = arith.constant 0 : i32
      %dma_wait3A_357 = arith.constant 0 : i32
      %dma_wait3A_358 = tpu.memref_slice %arg10[%dma_wait3A_344, %dma_wait3A_356, %dma_wait3A_357] : memref<4x128x64xf32, #tpu.memory_space<vmem>> -> memref<1x128x64xf32, #tpu.memory_space<vmem>>
      %dma_wait3A_359 = tpu.memref_squeeze %dma_wait3A_358 : memref<1x128x64xf32, #tpu.memory_space<vmem>> -> memref<128x64xf32, #tpu.memory_space<vmem>>
      %dma_wait3A_360 = arith.constant 0 : i32
      %dma_wait3A_361 = arith.constant 0 : i32
      %dma_wait3A_362 = tpu.memref_slice %arg4[%arg0, %dma_wait3A_360, %dma_wait3A_361] : memref<2x10000x64xf32, #tpu.memory_space<hbm>> -> memref<1x10000x64xf32, #tpu.memory_space<hbm>>
      %dma_wait3A_363 = tpu.memref_squeeze %dma_wait3A_362 : memref<1x10000x64xf32, #tpu.memory_space<hbm>> -> memref<10000x64xf32, #tpu.memory_space<hbm>>
      %dma_wait3A_364 = arith.constant 0 : i32
      %dma_wait3A_365 = arith.constant 0 : i32
      %dma_wait3A_366 = tpu.memref_slice %dma_wait3A_363[%dma_wait3A_364, %dma_wait3A_365] : memref<10000x64xf32, #tpu.memory_space<hbm>> -> memref<128x64xf32, #tpu.memory_space<hbm>>
      tpu.wait_dma2 semaphore(%arg13 : memref<!tpu.dma_semaphore, #tpu.memory_space<semaphore_mem>>) src(%dma_wait3A_366 : memref<128x64xf32, #tpu.memory_space<hbm>>) dst(%dma_wait3A_359 : memref<128x64xf32, #tpu.memory_space<vmem>>)
      %run_scoped3A = arith.constant 0 : i32
      "tpu.region"() ({
        %run_scoped3A_480 = tpu.sem_alloc : memref<!tpu.dma_semaphore, #tpu.memory_space<semaphore_mem>>
        %dma_start3A_481 = arith.constant 0 : i32
        %dma_start3A_482 = arith.constant 0 : i32
        %dma_start3A_483 = tpu.memref_slice %arg10[%run_scoped3A, %dma_start3A_481, %dma_start3A_482] : memref<4x128x64xf32, #tpu.memory_space<vmem>> -> memref<1x128x64xf32, #tpu.memory_space<vmem>>
        %dma_start3A_484 = tpu.memref_squeeze %dma_start3A_483 : memref<1x128x64xf32, #tpu.memory_space<vmem>> -> memref<128x64xf32, #tpu.memory_space<vmem>>
        %dma_start3A_485 = arith.constant 0 : i32
        %dma_start3A_486 = tpu.memref_slice %arg9[%add3A_343, %dma_start3A_485] : memref<157x128xi32, #tpu.memory_space<vmem>> -> memref<1x128xi32, #tpu.memory_space<vmem>>
        %dma_start3A_487 = tpu.memref_squeeze %dma_start3A_486 : memref<1x128xi32, #tpu.memory_space<vmem>> -> memref<128xi32, #tpu.memory_space<vmem>>
        %dma_start3A_488 = arith.constant 0 : i32
        %dma_start3A_489 = arith.constant 0 : i32
        %dma_start3A_490 = tpu.memref_slice %arg12[%dma_start3A_488, %dma_start3A_489] : memref<10000x64xf32, #tpu.memory_space<vmem_shared>> -> memref<10000x64xf32, #tpu.memory_space<vmem_shared>>
        tpu.enqueue_indirect_dma source(%dma_start3A_484 : memref<128x64xf32, #tpu.memory_space<vmem>>) target(%dma_start3A_490 : memref<10000x64xf32, #tpu.memory_space<vmem_shared>>) offsets(%dma_start3A_487 : memref<128xi32, #tpu.memory_space<vmem>>) semaphore(%run_scoped3A_480 : memref<!tpu.dma_semaphore, #tpu.memory_space<semaphore_mem>>) {add = true}
        %dma_wait3A_491 = arith.constant 0 : i32
        %dma_wait3A_492 = arith.constant 0 : i32
        %dma_wait3A_493 = tpu.memref_slice %arg10[%run_scoped3A, %dma_wait3A_491, %dma_wait3A_492] : memref<4x128x64xf32, #tpu.memory_space<vmem>> -> memref<1x128x64xf32, #tpu.memory_space<vmem>>
        %dma_wait3A_494 = tpu.memref_squeeze %dma_wait3A_493 : memref<1x128x64xf32, #tpu.memory_space<vmem>> -> memref<128x64xf32, #tpu.memory_space<vmem>>
        %dma_wait3A_495 = arith.constant 0 : i32
        %dma_wait3A_496 = tpu.memref_slice %arg9[%add3A_343, %dma_wait3A_495] : memref<157x128xi32, #tpu.memory_space<vmem>> -> memref<1x128xi32, #tpu.memory_space<vmem>>
        %dma_wait3A_497 = tpu.memref_squeeze %dma_wait3A_496 : memref<1x128xi32, #tpu.memory_space<vmem>> -> memref<128xi32, #tpu.memory_space<vmem>>
        %dma_wait3A_498 = arith.constant 0 : i32
        %dma_wait3A_499 = arith.constant 0 : i32
        %dma_wait3A_500 = tpu.memref_slice %arg12[%dma_wait3A_498, %dma_wait3A_499] : memref<10000x64xf32, #tpu.memory_space<vmem_shared>> -> memref<10000x64xf32, #tpu.memory_space<vmem_shared>>
        tpu.wait_indirect_dma semaphore(%run_scoped3A_480 : memref<!tpu.dma_semaphore, #tpu.memory_space<semaphore_mem>>) src(%dma_wait3A_494 : memref<128x64xf32, #tpu.memory_space<vmem>>) dst(%dma_wait3A_500 : memref<10000x64xf32, #tpu.memory_space<vmem_shared>>)
        tpu.yield
      }) : () -> ()
      %add3A_367 = arith.constant 4 : i32
      %add3A_368 = arith.addi %add3A_343, %add3A_367 : i32
      %lt3A_369 = arith.constant 156 : i32
      %lt3A_370 = arith.cmpi slt, %add3A_368, %lt3A_369 : i32
      %convert_element_type3A_371 = arith.extui %lt3A_370 : i1 to i32
      %cond3A_372 = arith.constant 0 : i32
      %cond3A_373 = arith.cmpi ne, %convert_element_type3A_371, %cond3A_372 : i32
      scf.if %cond3A_373 {
        %add3A_480 = arith.constant 4 : i32
        %add3A_481 = arith.addi %add3A_343, %add3A_480 : i32
        %dma_start3A_482 = arith.constant 0 : i32
        %dma_start3A_483 = arith.constant 0 : i32
        %dma_start3A_484 = arith.constant 0 : i32
        %dma_start3A_485 = tpu.memref_slice %arg10[%dma_start3A_482, %dma_start3A_483, %dma_start3A_484] : memref<4x128x64xf32, #tpu.memory_space<vmem>> -> memref<1x128x64xf32, #tpu.memory_space<vmem>>
        %dma_start3A_486 = tpu.memref_squeeze %dma_start3A_485 : memref<1x128x64xf32, #tpu.memory_space<vmem>> -> memref<128x64xf32, #tpu.memory_space<vmem>>
        %dma_start3A_487 = arith.constant 0 : i32
        %dma_start3A_488 = tpu.memref_slice %arg8[%add3A_481, %dma_start3A_487] : memref<157x128xi32, #tpu.memory_space<vmem>> -> memref<1x128xi32, #tpu.memory_space<vmem>>
        %dma_start3A_489 = tpu.memref_squeeze %dma_start3A_488 : memref<1x128xi32, #tpu.memory_space<vmem>> -> memref<128xi32, #tpu.memory_space<vmem>>
        %dma_start3A_490 = arith.constant 0 : i32
        %dma_start3A_491 = arith.constant 0 : i32
        %dma_start3A_492 = tpu.memref_slice %arg4[%arg0, %dma_start3A_490, %dma_start3A_491] : memref<2x10000x64xf32, #tpu.memory_space<hbm>> -> memref<1x10000x64xf32, #tpu.memory_space<hbm>>
        %dma_start3A_493 = tpu.memref_squeeze %dma_start3A_492 : memref<1x10000x64xf32, #tpu.memory_space<hbm>> -> memref<10000x64xf32, #tpu.memory_space<hbm>>
        %dma_start3A_494 = arith.constant 0 : i32
        %dma_start3A_495 = arith.constant 0 : i32
        %dma_start3A_496 = tpu.memref_slice %dma_start3A_493[%dma_start3A_494, %dma_start3A_495] : memref<10000x64xf32, #tpu.memory_space<hbm>> -> memref<10000x64xf32, #tpu.memory_space<hbm>>
        tpu.enqueue_indirect_dma source(%dma_start3A_496 : memref<10000x64xf32, #tpu.memory_space<hbm>>) target(%dma_start3A_486 : memref<128x64xf32, #tpu.memory_space<vmem>>) offsets(%dma_start3A_489 : memref<128xi32, #tpu.memory_space<vmem>>) semaphore(%arg13 : memref<!tpu.dma_semaphore, #tpu.memory_space<semaphore_mem>>)
      } else {
      }
      %mul3A_374 = arith.constant 4 : i32
      %mul3A_375 = arith.muli %scan3A_338, %mul3A_374 : i32
      %add3A_376 = arith.constant 1 : i32
      %add3A_377 = arith.addi %mul3A_375, %add3A_376 : i32
      %dma_wait3A_378 = arith.constant 1 : i32
      %dma_wait3A_379 = arith.constant 0 : i32
      %dma_wait3A_380 = arith.constant 0 : i32
      %dma_wait3A_381 = tpu.memref_slice %arg10[%dma_wait3A_378, %dma_wait3A_379, %dma_wait3A_380] : memref<4x128x64xf32, #tpu.memory_space<vmem>> -> memref<1x128x64xf32, #tpu.memory_space<vmem>>
      %dma_wait3A_382 = tpu.memref_squeeze %dma_wait3A_381 : memref<1x128x64xf32, #tpu.memory_space<vmem>> -> memref<128x64xf32, #tpu.memory_space<vmem>>
      %dma_wait3A_383 = arith.constant 0 : i32
      %dma_wait3A_384 = arith.constant 0 : i32
      %dma_wait3A_385 = tpu.memref_slice %arg4[%arg0, %dma_wait3A_383, %dma_wait3A_384] : memref<2x10000x64xf32, #tpu.memory_space<hbm>> -> memref<1x10000x64xf32, #tpu.memory_space<hbm>>
      %dma_wait3A_386 = tpu.memref_squeeze %dma_wait3A_385 : memref<1x10000x64xf32, #tpu.memory_space<hbm>> -> memref<10000x64xf32, #tpu.memory_space<hbm>>
      %dma_wait3A_387 = arith.constant 0 : i32
      %dma_wait3A_388 = arith.constant 0 : i32
      %dma_wait3A_389 = tpu.memref_slice %dma_wait3A_386[%dma_wait3A_387, %dma_wait3A_388] : memref<10000x64xf32, #tpu.memory_space<hbm>> -> memref<128x64xf32, #tpu.memory_space<hbm>>
      %dma_wait3A_390 = arith.constant 0 : i32
      %dma_wait3A_391 = arith.constant 0 : i32
      %dma_wait3A_392 = tpu.memref_slice %arg10[%dma_wait3A_378, %dma_wait3A_390, %dma_wait3A_391] : memref<4x128x64xf32, #tpu.memory_space<vmem>> -> memref<1x128x64xf32, #tpu.memory_space<vmem>>
      %dma_wait3A_393 = tpu.memref_squeeze %dma_wait3A_392 : memref<1x128x64xf32, #tpu.memory_space<vmem>> -> memref<128x64xf32, #tpu.memory_space<vmem>>
      %dma_wait3A_394 = arith.constant 0 : i32
      %dma_wait3A_395 = arith.constant 0 : i32
      %dma_wait3A_396 = tpu.memref_slice %arg4[%arg0, %dma_wait3A_394, %dma_wait3A_395] : memref<2x10000x64xf32, #tpu.memory_space<hbm>> -> memref<1x10000x64xf32, #tpu.memory_space<hbm>>
      %dma_wait3A_397 = tpu.memref_squeeze %dma_wait3A_396 : memref<1x10000x64xf32, #tpu.memory_space<hbm>> -> memref<10000x64xf32, #tpu.memory_space<hbm>>
      %dma_wait3A_398 = arith.constant 0 : i32
      %dma_wait3A_399 = arith.constant 0 : i32
      %dma_wait3A_400 = tpu.memref_slice %dma_wait3A_397[%dma_wait3A_398, %dma_wait3A_399] : memref<10000x64xf32, #tpu.memory_space<hbm>> -> memref<128x64xf32, #tpu.memory_space<hbm>>
      tpu.wait_dma2 semaphore(%arg13 : memref<!tpu.dma_semaphore, #tpu.memory_space<semaphore_mem>>) src(%dma_wait3A_400 : memref<128x64xf32, #tpu.memory_space<hbm>>) dst(%dma_wait3A_393 : memref<128x64xf32, #tpu.memory_space<vmem>>)
      %run_scoped3A_401 = arith.constant 1 : i32
      "tpu.region"() ({
        %run_scoped3A_480 = tpu.sem_alloc : memref<!tpu.dma_semaphore, #tpu.memory_space<semaphore_mem>>
        %dma_start3A_481 = arith.constant 0 : i32
        %dma_start3A_482 = arith.constant 0 : i32
        %dma_start3A_483 = tpu.memref_slice %arg10[%run_scoped3A_401, %dma_start3A_481, %dma_start3A_482] : memref<4x128x64xf32, #tpu.memory_space<vmem>> -> memref<1x128x64xf32, #tpu.memory_space<vmem>>
        %dma_start3A_484 = tpu.memref_squeeze %dma_start3A_483 : memref<1x128x64xf32, #tpu.memory_space<vmem>> -> memref<128x64xf32, #tpu.memory_space<vmem>>
        %dma_start3A_485 = arith.constant 0 : i32
        %dma_start3A_486 = tpu.memref_slice %arg9[%add3A_377, %dma_start3A_485] : memref<157x128xi32, #tpu.memory_space<vmem>> -> memref<1x128xi32, #tpu.memory_space<vmem>>
        %dma_start3A_487 = tpu.memref_squeeze %dma_start3A_486 : memref<1x128xi32, #tpu.memory_space<vmem>> -> memref<128xi32, #tpu.memory_space<vmem>>
        %dma_start3A_488 = arith.constant 0 : i32
        %dma_start3A_489 = arith.constant 0 : i32
        %dma_start3A_490 = tpu.memref_slice %arg12[%dma_start3A_488, %dma_start3A_489] : memref<10000x64xf32, #tpu.memory_space<vmem_shared>> -> memref<10000x64xf32, #tpu.memory_space<vmem_shared>>
        tpu.enqueue_indirect_dma source(%dma_start3A_484 : memref<128x64xf32, #tpu.memory_space<vmem>>) target(%dma_start3A_490 : memref<10000x64xf32, #tpu.memory_space<vmem_shared>>) offsets(%dma_start3A_487 : memref<128xi32, #tpu.memory_space<vmem>>) semaphore(%run_scoped3A_480 : memref<!tpu.dma_semaphore, #tpu.memory_space<semaphore_mem>>) {add = true}
        %dma_wait3A_491 = arith.constant 0 : i32
        %dma_wait3A_492 = arith.constant 0 : i32
        %dma_wait3A_493 = tpu.memref_slice %arg10[%run_scoped3A_401, %dma_wait3A_491, %dma_wait3A_492] : memref<4x128x64xf32, #tpu.memory_space<vmem>> -> memref<1x128x64xf32, #tpu.memory_space<vmem>>
        %dma_wait3A_494 = tpu.memref_squeeze %dma_wait3A_493 : memref<1x128x64xf32, #tpu.memory_space<vmem>> -> memref<128x64xf32, #tpu.memory_space<vmem>>
        %dma_wait3A_495 = arith.constant 0 : i32
        %dma_wait3A_496 = tpu.memref_slice %arg9[%add3A_377, %dma_wait3A_495] : memref<157x128xi32, #tpu.memory_space<vmem>> -> memref<1x128xi32, #tpu.memory_space<vmem>>
        %dma_wait3A_497 = tpu.memref_squeeze %dma_wait3A_496 : memref<1x128xi32, #tpu.memory_space<vmem>> -> memref<128xi32, #tpu.memory_space<vmem>>
        %dma_wait3A_498 = arith.constant 0 : i32
        %dma_wait3A_499 = arith.constant 0 : i32
        %dma_wait3A_500 = tpu.memref_slice %arg12[%dma_wait3A_498, %dma_wait3A_499] : memref<10000x64xf32, #tpu.memory_space<vmem_shared>> -> memref<10000x64xf32, #tpu.memory_space<vmem_shared>>
        tpu.wait_indirect_dma semaphore(%run_scoped3A_480 : memref<!tpu.dma_semaphore, #tpu.memory_space<semaphore_mem>>) src(%dma_wait3A_494 : memref<128x64xf32, #tpu.memory_space<vmem>>) dst(%dma_wait3A_500 : memref<10000x64xf32, #tpu.memory_space<vmem_shared>>)
        tpu.yield
      }) : () -> ()
      %add3A_402 = arith.constant 4 : i32
      %add3A_403 = arith.addi %add3A_377, %add3A_402 : i32
      %lt3A_404 = arith.constant 156 : i32
      %lt3A_405 = arith.cmpi slt, %add3A_403, %lt3A_404 : i32
      %convert_element_type3A_406 = arith.extui %lt3A_405 : i1 to i32
      %cond3A_407 = arith.constant 0 : i32
      %cond3A_408 = arith.cmpi ne, %convert_element_type3A_406, %cond3A_407 : i32
      scf.if %cond3A_408 {
        %add3A_480 = arith.constant 4 : i32
        %add3A_481 = arith.addi %add3A_377, %add3A_480 : i32
        %dma_start3A_482 = arith.constant 1 : i32
        %dma_start3A_483 = arith.constant 0 : i32
        %dma_start3A_484 = arith.constant 0 : i32
        %dma_start3A_485 = tpu.memref_slice %arg10[%dma_start3A_482, %dma_start3A_483, %dma_start3A_484] : memref<4x128x64xf32, #tpu.memory_space<vmem>> -> memref<1x128x64xf32, #tpu.memory_space<vmem>>
        %dma_start3A_486 = tpu.memref_squeeze %dma_start3A_485 : memref<1x128x64xf32, #tpu.memory_space<vmem>> -> memref<128x64xf32, #tpu.memory_space<vmem>>
        %dma_start3A_487 = arith.constant 0 : i32
        %dma_start3A_488 = tpu.memref_slice %arg8[%add3A_481, %dma_start3A_487] : memref<157x128xi32, #tpu.memory_space<vmem>> -> memref<1x128xi32, #tpu.memory_space<vmem>>
        %dma_start3A_489 = tpu.memref_squeeze %dma_start3A_488 : memref<1x128xi32, #tpu.memory_space<vmem>> -> memref<128xi32, #tpu.memory_space<vmem>>
        %dma_start3A_490 = arith.constant 0 : i32
        %dma_start3A_491 = arith.constant 0 : i32
        %dma_start3A_492 = tpu.memref_slice %arg4[%arg0, %dma_start3A_490, %dma_start3A_491] : memref<2x10000x64xf32, #tpu.memory_space<hbm>> -> memref<1x10000x64xf32, #tpu.memory_space<hbm>>
        %dma_start3A_493 = tpu.memref_squeeze %dma_start3A_492 : memref<1x10000x64xf32, #tpu.memory_space<hbm>> -> memref<10000x64xf32, #tpu.memory_space<hbm>>
        %dma_start3A_494 = arith.constant 0 : i32
        %dma_start3A_495 = arith.constant 0 : i32
        %dma_start3A_496 = tpu.memref_slice %dma_start3A_493[%dma_start3A_494, %dma_start3A_495] : memref<10000x64xf32, #tpu.memory_space<hbm>> -> memref<10000x64xf32, #tpu.memory_space<hbm>>
        tpu.enqueue_indirect_dma source(%dma_start3A_496 : memref<10000x64xf32, #tpu.memory_space<hbm>>) target(%dma_start3A_486 : memref<128x64xf32, #tpu.memory_space<vmem>>) offsets(%dma_start3A_489 : memref<128xi32, #tpu.memory_space<vmem>>) semaphore(%arg13 : memref<!tpu.dma_semaphore, #tpu.memory_space<semaphore_mem>>)
      } else {
      }
      %mul3A_409 = arith.constant 4 : i32
      %mul3A_410 = arith.muli %scan3A_338, %mul3A_409 : i32
      %add3A_411 = arith.constant 2 : i32
      %add3A_412 = arith.addi %mul3A_410, %add3A_411 : i32
      %dma_wait3A_413 = arith.constant 2 : i32
      %dma_wait3A_414 = arith.constant 0 : i32
      %dma_wait3A_415 = arith.constant 0 : i32
      %dma_wait3A_416 = tpu.memref_slice %arg10[%dma_wait3A_413, %dma_wait3A_414, %dma_wait3A_415] : memref<4x128x64xf32, #tpu.memory_space<vmem>> -> memref<1x128x64xf32, #tpu.memory_space<vmem>>
      %dma_wait3A_417 = tpu.memref_squeeze %dma_wait3A_416 : memref<1x128x64xf32, #tpu.memory_space<vmem>> -> memref<128x64xf32, #tpu.memory_space<vmem>>
      %dma_wait3A_418 = arith.constant 0 : i32
      %dma_wait3A_419 = arith.constant 0 : i32
      %dma_wait3A_420 = tpu.memref_slice %arg4[%arg0, %dma_wait3A_418, %dma_wait3A_419] : memref<2x10000x64xf32, #tpu.memory_space<hbm>> -> memref<1x10000x64xf32, #tpu.memory_space<hbm>>
      %dma_wait3A_421 = tpu.memref_squeeze %dma_wait3A_420 : memref<1x10000x64xf32, #tpu.memory_space<hbm>> -> memref<10000x64xf32, #tpu.memory_space<hbm>>
      %dma_wait3A_422 = arith.constant 0 : i32
      %dma_wait3A_423 = arith.constant 0 : i32
      %dma_wait3A_424 = tpu.memref_slice %dma_wait3A_421[%dma_wait3A_422, %dma_wait3A_423] : memref<10000x64xf32, #tpu.memory_space<hbm>> -> memref<128x64xf32, #tpu.memory_space<hbm>>
      %dma_wait3A_425 = arith.constant 0 : i32
      %dma_wait3A_426 = arith.constant 0 : i32
      %dma_wait3A_427 = tpu.memref_slice %arg10[%dma_wait3A_413, %dma_wait3A_425, %dma_wait3A_426] : memref<4x128x64xf32, #tpu.memory_space<vmem>> -> memref<1x128x64xf32, #tpu.memory_space<vmem>>
      %dma_wait3A_428 = tpu.memref_squeeze %dma_wait3A_427 : memref<1x128x64xf32, #tpu.memory_space<vmem>> -> memref<128x64xf32, #tpu.memory_space<vmem>>
      %dma_wait3A_429 = arith.constant 0 : i32
      %dma_wait3A_430 = arith.constant 0 : i32
      %dma_wait3A_431 = tpu.memref_slice %arg4[%arg0, %dma_wait3A_429, %dma_wait3A_430] : memref<2x10000x64xf32, #tpu.memory_space<hbm>> -> memref<1x10000x64xf32, #tpu.memory_space<hbm>>
      %dma_wait3A_432 = tpu.memref_squeeze %dma_wait3A_431 : memref<1x10000x64xf32, #tpu.memory_space<hbm>> -> memref<10000x64xf32, #tpu.memory_space<hbm>>
      %dma_wait3A_433 = arith.constant 0 : i32
      %dma_wait3A_434 = arith.constant 0 : i32
      %dma_wait3A_435 = tpu.memref_slice %dma_wait3A_432[%dma_wait3A_433, %dma_wait3A_434] : memref<10000x64xf32, #tpu.memory_space<hbm>> -> memref<128x64xf32, #tpu.memory_space<hbm>>
      tpu.wait_dma2 semaphore(%arg13 : memref<!tpu.dma_semaphore, #tpu.memory_space<semaphore_mem>>) src(%dma_wait3A_435 : memref<128x64xf32, #tpu.memory_space<hbm>>) dst(%dma_wait3A_428 : memref<128x64xf32, #tpu.memory_space<vmem>>)
      %run_scoped3A_436 = arith.constant 2 : i32
      "tpu.region"() ({
        %run_scoped3A_480 = tpu.sem_alloc : memref<!tpu.dma_semaphore, #tpu.memory_space<semaphore_mem>>
        %dma_start3A_481 = arith.constant 0 : i32
        %dma_start3A_482 = arith.constant 0 : i32
        %dma_start3A_483 = tpu.memref_slice %arg10[%run_scoped3A_436, %dma_start3A_481, %dma_start3A_482] : memref<4x128x64xf32, #tpu.memory_space<vmem>> -> memref<1x128x64xf32, #tpu.memory_space<vmem>>
        %dma_start3A_484 = tpu.memref_squeeze %dma_start3A_483 : memref<1x128x64xf32, #tpu.memory_space<vmem>> -> memref<128x64xf32, #tpu.memory_space<vmem>>
        %dma_start3A_485 = arith.constant 0 : i32
        %dma_start3A_486 = tpu.memref_slice %arg9[%add3A_412, %dma_start3A_485] : memref<157x128xi32, #tpu.memory_space<vmem>> -> memref<1x128xi32, #tpu.memory_space<vmem>>
        %dma_start3A_487 = tpu.memref_squeeze %dma_start3A_486 : memref<1x128xi32, #tpu.memory_space<vmem>> -> memref<128xi32, #tpu.memory_space<vmem>>
        %dma_start3A_488 = arith.constant 0 : i32
        %dma_start3A_489 = arith.constant 0 : i32
        %dma_start3A_490 = tpu.memref_slice %arg12[%dma_start3A_488, %dma_start3A_489] : memref<10000x64xf32, #tpu.memory_space<vmem_shared>> -> memref<10000x64xf32, #tpu.memory_space<vmem_shared>>
        tpu.enqueue_indirect_dma source(%dma_start3A_484 : memref<128x64xf32, #tpu.memory_space<vmem>>) target(%dma_start3A_490 : memref<10000x64xf32, #tpu.memory_space<vmem_shared>>) offsets(%dma_start3A_487 : memref<128xi32, #tpu.memory_space<vmem>>) semaphore(%run_scoped3A_480 : memref<!tpu.dma_semaphore, #tpu.memory_space<semaphore_mem>>) {add = true}
        %dma_wait3A_491 = arith.constant 0 : i32
        %dma_wait3A_492 = arith.constant 0 : i32
        %dma_wait3A_493 = tpu.memref_slice %arg10[%run_scoped3A_436, %dma_wait3A_491, %dma_wait3A_492] : memref<4x128x64xf32, #tpu.memory_space<vmem>> -> memref<1x128x64xf32, #tpu.memory_space<vmem>>
        %dma_wait3A_494 = tpu.memref_squeeze %dma_wait3A_493 : memref<1x128x64xf32, #tpu.memory_space<vmem>> -> memref<128x64xf32, #tpu.memory_space<vmem>>
        %dma_wait3A_495 = arith.constant 0 : i32
        %dma_wait3A_496 = tpu.memref_slice %arg9[%add3A_412, %dma_wait3A_495] : memref<157x128xi32, #tpu.memory_space<vmem>> -> memref<1x128xi32, #tpu.memory_space<vmem>>
        %dma_wait3A_497 = tpu.memref_squeeze %dma_wait3A_496 : memref<1x128xi32, #tpu.memory_space<vmem>> -> memref<128xi32, #tpu.memory_space<vmem>>
        %dma_wait3A_498 = arith.constant 0 : i32
        %dma_wait3A_499 = arith.constant 0 : i32
        %dma_wait3A_500 = tpu.memref_slice %arg12[%dma_wait3A_498, %dma_wait3A_499] : memref<10000x64xf32, #tpu.memory_space<vmem_shared>> -> memref<10000x64xf32, #tpu.memory_space<vmem_shared>>
        tpu.wait_indirect_dma semaphore(%run_scoped3A_480 : memref<!tpu.dma_semaphore, #tpu.memory_space<semaphore_mem>>) src(%dma_wait3A_494 : memref<128x64xf32, #tpu.memory_space<vmem>>) dst(%dma_wait3A_500 : memref<10000x64xf32, #tpu.memory_space<vmem_shared>>)
        tpu.yield
      }) : () -> ()
      %add3A_437 = arith.constant 4 : i32
      %add3A_438 = arith.addi %add3A_412, %add3A_437 : i32
      %lt3A_439 = arith.constant 156 : i32
      %lt3A_440 = arith.cmpi slt, %add3A_438, %lt3A_439 : i32
      %convert_element_type3A_441 = arith.extui %lt3A_440 : i1 to i32
      %cond3A_442 = arith.constant 0 : i32
      %cond3A_443 = arith.cmpi ne, %convert_element_type3A_441, %cond3A_442 : i32
      scf.if %cond3A_443 {
        %add3A_480 = arith.constant 4 : i32
        %add3A_481 = arith.addi %add3A_412, %add3A_480 : i32
        %dma_start3A_482 = arith.constant 2 : i32
        %dma_start3A_483 = arith.constant 0 : i32
        %dma_start3A_484 = arith.constant 0 : i32
        %dma_start3A_485 = tpu.memref_slice %arg10[%dma_start3A_482, %dma_start3A_483, %dma_start3A_484] : memref<4x128x64xf32, #tpu.memory_space<vmem>> -> memref<1x128x64xf32, #tpu.memory_space<vmem>>
        %dma_start3A_486 = tpu.memref_squeeze %dma_start3A_485 : memref<1x128x64xf32, #tpu.memory_space<vmem>> -> memref<128x64xf32, #tpu.memory_space<vmem>>
        %dma_start3A_487 = arith.constant 0 : i32
        %dma_start3A_488 = tpu.memref_slice %arg8[%add3A_481, %dma_start3A_487] : memref<157x128xi32, #tpu.memory_space<vmem>> -> memref<1x128xi32, #tpu.memory_space<vmem>>
        %dma_start3A_489 = tpu.memref_squeeze %dma_start3A_488 : memref<1x128xi32, #tpu.memory_space<vmem>> -> memref<128xi32, #tpu.memory_space<vmem>>
        %dma_start3A_490 = arith.constant 0 : i32
        %dma_start3A_491 = arith.constant 0 : i32
        %dma_start3A_492 = tpu.memref_slice %arg4[%arg0, %dma_start3A_490, %dma_start3A_491] : memref<2x10000x64xf32, #tpu.memory_space<hbm>> -> memref<1x10000x64xf32, #tpu.memory_space<hbm>>
        %dma_start3A_493 = tpu.memref_squeeze %dma_start3A_492 : memref<1x10000x64xf32, #tpu.memory_space<hbm>> -> memref<10000x64xf32, #tpu.memory_space<hbm>>
        %dma_start3A_494 = arith.constant 0 : i32
        %dma_start3A_495 = arith.constant 0 : i32
        %dma_start3A_496 = tpu.memref_slice %dma_start3A_493[%dma_start3A_494, %dma_start3A_495] : memref<10000x64xf32, #tpu.memory_space<hbm>> -> memref<10000x64xf32, #tpu.memory_space<hbm>>
        tpu.enqueue_indirect_dma source(%dma_start3A_496 : memref<10000x64xf32, #tpu.memory_space<hbm>>) target(%dma_start3A_486 : memref<128x64xf32, #tpu.memory_space<vmem>>) offsets(%dma_start3A_489 : memref<128xi32, #tpu.memory_space<vmem>>) semaphore(%arg13 : memref<!tpu.dma_semaphore, #tpu.memory_space<semaphore_mem>>)
      } else {
      }
      %mul3A_444 = arith.constant 4 : i32
      %mul3A_445 = arith.muli %scan3A_338, %mul3A_444 : i32
      %add3A_446 = arith.constant 3 : i32
      %add3A_447 = arith.addi %mul3A_445, %add3A_446 : i32
      %dma_wait3A_448 = arith.constant 3 : i32
      %dma_wait3A_449 = arith.constant 0 : i32
      %dma_wait3A_450 = arith.constant 0 : i32
      %dma_wait3A_451 = tpu.memref_slice %arg10[%dma_wait3A_448, %dma_wait3A_449, %dma_wait3A_450] : memref<4x128x64xf32, #tpu.memory_space<vmem>> -> memref<1x128x64xf32, #tpu.memory_space<vmem>>
      %dma_wait3A_452 = tpu.memref_squeeze %dma_wait3A_451 : memref<1x128x64xf32, #tpu.memory_space<vmem>> -> memref<128x64xf32, #tpu.memory_space<vmem>>
      %dma_wait3A_453 = arith.constant 0 : i32
      %dma_wait3A_454 = arith.constant 0 : i32
      %dma_wait3A_455 = tpu.memref_slice %arg4[%arg0, %dma_wait3A_453, %dma_wait3A_454] : memref<2x10000x64xf32, #tpu.memory_space<hbm>> -> memref<1x10000x64xf32, #tpu.memory_space<hbm>>
      %dma_wait3A_456 = tpu.memref_squeeze %dma_wait3A_455 : memref<1x10000x64xf32, #tpu.memory_space<hbm>> -> memref<10000x64xf32, #tpu.memory_space<hbm>>
      %dma_wait3A_457 = arith.constant 0 : i32
      %dma_wait3A_458 = arith.constant 0 : i32
      %dma_wait3A_459 = tpu.memref_slice %dma_wait3A_456[%dma_wait3A_457, %dma_wait3A_458] : memref<10000x64xf32, #tpu.memory_space<hbm>> -> memref<128x64xf32, #tpu.memory_space<hbm>>
      %dma_wait3A_460 = arith.constant 0 : i32
      %dma_wait3A_461 = arith.constant 0 : i32
      %dma_wait3A_462 = tpu.memref_slice %arg10[%dma_wait3A_448, %dma_wait3A_460, %dma_wait3A_461] : memref<4x128x64xf32, #tpu.memory_space<vmem>> -> memref<1x128x64xf32, #tpu.memory_space<vmem>>
      %dma_wait3A_463 = tpu.memref_squeeze %dma_wait3A_462 : memref<1x128x64xf32, #tpu.memory_space<vmem>> -> memref<128x64xf32, #tpu.memory_space<vmem>>
      %dma_wait3A_464 = arith.constant 0 : i32
      %dma_wait3A_465 = arith.constant 0 : i32
      %dma_wait3A_466 = tpu.memref_slice %arg4[%arg0, %dma_wait3A_464, %dma_wait3A_465] : memref<2x10000x64xf32, #tpu.memory_space<hbm>> -> memref<1x10000x64xf32, #tpu.memory_space<hbm>>
      %dma_wait3A_467 = tpu.memref_squeeze %dma_wait3A_466 : memref<1x10000x64xf32, #tpu.memory_space<hbm>> -> memref<10000x64xf32, #tpu.memory_space<hbm>>
      %dma_wait3A_468 = arith.constant 0 : i32
      %dma_wait3A_469 = arith.constant 0 : i32
      %dma_wait3A_470 = tpu.memref_slice %dma_wait3A_467[%dma_wait3A_468, %dma_wait3A_469] : memref<10000x64xf32, #tpu.memory_space<hbm>> -> memref<128x64xf32, #tpu.memory_space<hbm>>
      tpu.wait_dma2 semaphore(%arg13 : memref<!tpu.dma_semaphore, #tpu.memory_space<semaphore_mem>>) src(%dma_wait3A_470 : memref<128x64xf32, #tpu.memory_space<hbm>>) dst(%dma_wait3A_463 : memref<128x64xf32, #tpu.memory_space<vmem>>)
      %run_scoped3A_471 = arith.constant 3 : i32
      "tpu.region"() ({
        %run_scoped3A_480 = tpu.sem_alloc : memref<!tpu.dma_semaphore, #tpu.memory_space<semaphore_mem>>
        %dma_start3A_481 = arith.constant 0 : i32
        %dma_start3A_482 = arith.constant 0 : i32
        %dma_start3A_483 = tpu.memref_slice %arg10[%run_scoped3A_471, %dma_start3A_481, %dma_start3A_482] : memref<4x128x64xf32, #tpu.memory_space<vmem>> -> memref<1x128x64xf32, #tpu.memory_space<vmem>>
        %dma_start3A_484 = tpu.memref_squeeze %dma_start3A_483 : memref<1x128x64xf32, #tpu.memory_space<vmem>> -> memref<128x64xf32, #tpu.memory_space<vmem>>
        %dma_start3A_485 = arith.constant 0 : i32
        %dma_start3A_486 = tpu.memref_slice %arg9[%add3A_447, %dma_start3A_485] : memref<157x128xi32, #tpu.memory_space<vmem>> -> memref<1x128xi32, #tpu.memory_space<vmem>>
        %dma_start3A_487 = tpu.memref_squeeze %dma_start3A_486 : memref<1x128xi32, #tpu.memory_space<vmem>> -> memref<128xi32, #tpu.memory_space<vmem>>
        %dma_start3A_488 = arith.constant 0 : i32
        %dma_start3A_489 = arith.constant 0 : i32
        %dma_start3A_490 = tpu.memref_slice %arg12[%dma_start3A_488, %dma_start3A_489] : memref<10000x64xf32, #tpu.memory_space<vmem_shared>> -> memref<10000x64xf32, #tpu.memory_space<vmem_shared>>
        tpu.enqueue_indirect_dma source(%dma_start3A_484 : memref<128x64xf32, #tpu.memory_space<vmem>>) target(%dma_start3A_490 : memref<10000x64xf32, #tpu.memory_space<vmem_shared>>) offsets(%dma_start3A_487 : memref<128xi32, #tpu.memory_space<vmem>>) semaphore(%run_scoped3A_480 : memref<!tpu.dma_semaphore, #tpu.memory_space<semaphore_mem>>) {add = true}
        %dma_wait3A_491 = arith.constant 0 : i32
        %dma_wait3A_492 = arith.constant 0 : i32
        %dma_wait3A_493 = tpu.memref_slice %arg10[%run_scoped3A_471, %dma_wait3A_491, %dma_wait3A_492] : memref<4x128x64xf32, #tpu.memory_space<vmem>> -> memref<1x128x64xf32, #tpu.memory_space<vmem>>
        %dma_wait3A_494 = tpu.memref_squeeze %dma_wait3A_493 : memref<1x128x64xf32, #tpu.memory_space<vmem>> -> memref<128x64xf32, #tpu.memory_space<vmem>>
        %dma_wait3A_495 = arith.constant 0 : i32
        %dma_wait3A_496 = tpu.memref_slice %arg9[%add3A_447, %dma_wait3A_495] : memref<157x128xi32, #tpu.memory_space<vmem>> -> memref<1x128xi32, #tpu.memory_space<vmem>>
        %dma_wait3A_497 = tpu.memref_squeeze %dma_wait3A_496 : memref<1x128xi32, #tpu.memory_space<vmem>> -> memref<128xi32, #tpu.memory_space<vmem>>
        %dma_wait3A_498 = arith.constant 0 : i32
        %dma_wait3A_499 = arith.constant 0 : i32
        %dma_wait3A_500 = tpu.memref_slice %arg12[%dma_wait3A_498, %dma_wait3A_499] : memref<10000x64xf32, #tpu.memory_space<vmem_shared>> -> memref<10000x64xf32, #tpu.memory_space<vmem_shared>>
        tpu.wait_indirect_dma semaphore(%run_scoped3A_480 : memref<!tpu.dma_semaphore, #tpu.memory_space<semaphore_mem>>) src(%dma_wait3A_494 : memref<128x64xf32, #tpu.memory_space<vmem>>) dst(%dma_wait3A_500 : memref<10000x64xf32, #tpu.memory_space<vmem_shared>>)
        tpu.yield
      }) : () -> ()
      %add3A_472 = arith.constant 4 : i32
      %add3A_473 = arith.addi %add3A_447, %add3A_472 : i32
      %lt3A_474 = arith.constant 156 : i32
      %lt3A_475 = arith.cmpi slt, %add3A_473, %lt3A_474 : i32
      %convert_element_type3A_476 = arith.extui %lt3A_475 : i1 to i32
      %cond3A_477 = arith.constant 0 : i32
      %cond3A_478 = arith.cmpi ne, %convert_element_type3A_476, %cond3A_477 : i32
      scf.if %cond3A_478 {
        %add3A_480 = arith.constant 4 : i32
        %add3A_481 = arith.addi %add3A_447, %add3A_480 : i32
        %dma_start3A_482 = arith.constant 3 : i32
        %dma_start3A_483 = arith.constant 0 : i32
        %dma_start3A_484 = arith.constant 0 : i32
        %dma_start3A_485 = tpu.memref_slice %arg10[%dma_start3A_482, %dma_start3A_483, %dma_start3A_484] : memref<4x128x64xf32, #tpu.memory_space<vmem>> -> memref<1x128x64xf32, #tpu.memory_space<vmem>>
        %dma_start3A_486 = tpu.memref_squeeze %dma_start3A_485 : memref<1x128x64xf32, #tpu.memory_space<vmem>> -> memref<128x64xf32, #tpu.memory_space<vmem>>
        %dma_start3A_487 = arith.constant 0 : i32
        %dma_start3A_488 = tpu.memref_slice %arg8[%add3A_481, %dma_start3A_487] : memref<157x128xi32, #tpu.memory_space<vmem>> -> memref<1x128xi32, #tpu.memory_space<vmem>>
        %dma_start3A_489 = tpu.memref_squeeze %dma_start3A_488 : memref<1x128xi32, #tpu.memory_space<vmem>> -> memref<128xi32, #tpu.memory_space<vmem>>
        %dma_start3A_490 = arith.constant 0 : i32
        %dma_start3A_491 = arith.constant 0 : i32
        %dma_start3A_492 = tpu.memref_slice %arg4[%arg0, %dma_start3A_490, %dma_start3A_491] : memref<2x10000x64xf32, #tpu.memory_space<hbm>> -> memref<1x10000x64xf32, #tpu.memory_space<hbm>>
        %dma_start3A_493 = tpu.memref_squeeze %dma_start3A_492 : memref<1x10000x64xf32, #tpu.memory_space<hbm>> -> memref<10000x64xf32, #tpu.memory_space<hbm>>
        %dma_start3A_494 = arith.constant 0 : i32
        %dma_start3A_495 = arith.constant 0 : i32
        %dma_start3A_496 = tpu.memref_slice %dma_start3A_493[%dma_start3A_494, %dma_start3A_495] : memref<10000x64xf32, #tpu.memory_space<hbm>> -> memref<10000x64xf32, #tpu.memory_space<hbm>>
        tpu.enqueue_indirect_dma source(%dma_start3A_496 : memref<10000x64xf32, #tpu.memory_space<hbm>>) target(%dma_start3A_486 : memref<128x64xf32, #tpu.memory_space<vmem>>) offsets(%dma_start3A_489 : memref<128xi32, #tpu.memory_space<vmem>>) semaphore(%arg13 : memref<!tpu.dma_semaphore, #tpu.memory_space<semaphore_mem>>)
      } else {
      }
      %scan3A_479 = arith.constant 0 : i32
      scf.yield %scan3A_479 : i32
    }
    %scan3A_154 = arith.constant 39 : i32
    %lt3A_155 = arith.constant 4 : i32
    %lt3A_156 = arith.cmpi slt, %arg1, %lt3A_155 : i32
    %convert_element_type3A_157 = arith.extui %lt3A_156 : i1 to i32
    %cond3A_158 = arith.constant 0 : i32
    %cond3A_159 = arith.cmpi ne, %convert_element_type3A_157, %cond3A_158 : i32
    scf.if %cond3A_159 {
      %dma_start3A_338 = arith.constant 156 : i32
      %dma_start3A_339 = arith.constant 0 : i32
      %dma_start3A_340 = arith.constant 0 : i32
      %dma_start3A_341 = arith.constant 0 : i32
      %dma_start3A_342 = tpu.memref_slice %arg10[%dma_start3A_339, %dma_start3A_340, %dma_start3A_341] : memref<4x128x64xf32, #tpu.memory_space<vmem>> -> memref<1x128x64xf32, #tpu.memory_space<vmem>>
      %dma_start3A_343 = tpu.memref_squeeze %dma_start3A_342 : memref<1x128x64xf32, #tpu.memory_space<vmem>> -> memref<128x64xf32, #tpu.memory_space<vmem>>
      %dma_start3A_344 = arith.constant 0 : i32
      %dma_start3A_345 = tpu.memref_slice %arg8[%dma_start3A_338, %dma_start3A_344] : memref<157x128xi32, #tpu.memory_space<vmem>> -> memref<1x128xi32, #tpu.memory_space<vmem>>
      %dma_start3A_346 = tpu.memref_squeeze %dma_start3A_345 : memref<1x128xi32, #tpu.memory_space<vmem>> -> memref<128xi32, #tpu.memory_space<vmem>>
      %dma_start3A_347 = arith.constant 0 : i32
      %dma_start3A_348 = arith.constant 0 : i32
      %dma_start3A_349 = tpu.memref_slice %arg4[%arg0, %dma_start3A_347, %dma_start3A_348] : memref<2x10000x64xf32, #tpu.memory_space<hbm>> -> memref<1x10000x64xf32, #tpu.memory_space<hbm>>
      %dma_start3A_350 = tpu.memref_squeeze %dma_start3A_349 : memref<1x10000x64xf32, #tpu.memory_space<hbm>> -> memref<10000x64xf32, #tpu.memory_space<hbm>>
      %dma_start3A_351 = arith.constant 0 : i32
      %dma_start3A_352 = arith.constant 0 : i32
      %dma_start3A_353 = tpu.memref_slice %dma_start3A_350[%dma_start3A_351, %dma_start3A_352] : memref<10000x64xf32, #tpu.memory_space<hbm>> -> memref<10000x64xf32, #tpu.memory_space<hbm>>
      tpu.enqueue_indirect_dma source(%dma_start3A_353 : memref<10000x64xf32, #tpu.memory_space<hbm>>) target(%dma_start3A_343 : memref<128x64xf32, #tpu.memory_space<vmem>>) offsets(%dma_start3A_346 : memref<128xi32, #tpu.memory_space<vmem>>) semaphore(%arg13 : memref<!tpu.dma_semaphore, #tpu.memory_space<semaphore_mem>>)
      %dma_wait3A_354 = arith.constant 156 : i32
      %dma_wait3A_355 = arith.constant 0 : i32
      %dma_wait3A_356 = arith.constant 0 : i32
      %dma_wait3A_357 = arith.constant 0 : i32
      %dma_wait3A_358 = tpu.memref_slice %arg10[%dma_wait3A_355, %dma_wait3A_356, %dma_wait3A_357] : memref<4x128x64xf32, #tpu.memory_space<vmem>> -> memref<1x128x64xf32, #tpu.memory_space<vmem>>
      %dma_wait3A_359 = tpu.memref_squeeze %dma_wait3A_358 : memref<1x128x64xf32, #tpu.memory_space<vmem>> -> memref<128x64xf32, #tpu.memory_space<vmem>>
      %dma_wait3A_360 = arith.constant 0 : i32
      %dma_wait3A_361 = tpu.memref_slice %arg8[%dma_wait3A_354, %dma_wait3A_360] : memref<157x128xi32, #tpu.memory_space<vmem>> -> memref<1x128xi32, #tpu.memory_space<vmem>>
      %dma_wait3A_362 = tpu.memref_squeeze %dma_wait3A_361 : memref<1x128xi32, #tpu.memory_space<vmem>> -> memref<128xi32, #tpu.memory_space<vmem>>
      %dma_wait3A_363 = arith.constant 0 : i32
      %dma_wait3A_364 = arith.constant 0 : i32
      %dma_wait3A_365 = tpu.memref_slice %arg4[%arg0, %dma_wait3A_363, %dma_wait3A_364] : memref<2x10000x64xf32, #tpu.memory_space<hbm>> -> memref<1x10000x64xf32, #tpu.memory_space<hbm>>
      %dma_wait3A_366 = tpu.memref_squeeze %dma_wait3A_365 : memref<1x10000x64xf32, #tpu.memory_space<hbm>> -> memref<10000x64xf32, #tpu.memory_space<hbm>>
      %dma_wait3A_367 = arith.constant 0 : i32
      %dma_wait3A_368 = arith.constant 0 : i32
      %dma_wait3A_369 = tpu.memref_slice %dma_wait3A_366[%dma_wait3A_367, %dma_wait3A_368] : memref<10000x64xf32, #tpu.memory_space<hbm>> -> memref<10000x64xf32, #tpu.memory_space<hbm>>
      tpu.wait_indirect_dma semaphore(%arg13 : memref<!tpu.dma_semaphore, #tpu.memory_space<semaphore_mem>>) src(%dma_wait3A_369 : memref<10000x64xf32, #tpu.memory_space<hbm>>) dst(%dma_wait3A_359 : memref<128x64xf32, #tpu.memory_space<vmem>>)
      %run_scoped3A = arith.constant 0 : i32
      %run_scoped3A_370 = arith.constant 156 : i32
      "tpu.region"() ({
        %run_scoped3A_371 = tpu.sem_alloc : memref<!tpu.dma_semaphore, #tpu.memory_space<semaphore_mem>>
        %dma_start3A_372 = arith.constant 0 : i32
        %dma_start3A_373 = arith.constant 0 : i32
        %dma_start3A_374 = tpu.memref_slice %arg10[%run_scoped3A, %dma_start3A_372, %dma_start3A_373] : memref<4x128x64xf32, #tpu.memory_space<vmem>> -> memref<1x128x64xf32, #tpu.memory_space<vmem>>
        %dma_start3A_375 = tpu.memref_squeeze %dma_start3A_374 : memref<1x128x64xf32, #tpu.memory_space<vmem>> -> memref<128x64xf32, #tpu.memory_space<vmem>>
        %dma_start3A_376 = arith.constant 0 : i32
        %dma_start3A_377 = tpu.memref_slice %arg9[%run_scoped3A_370, %dma_start3A_376] : memref<157x128xi32, #tpu.memory_space<vmem>> -> memref<1x128xi32, #tpu.memory_space<vmem>>
        %dma_start3A_378 = tpu.memref_squeeze %dma_start3A_377 : memref<1x128xi32, #tpu.memory_space<vmem>> -> memref<128xi32, #tpu.memory_space<vmem>>
        %dma_start3A_379 = arith.constant 0 : i32
        %dma_start3A_380 = arith.constant 0 : i32
        %dma_start3A_381 = tpu.memref_slice %arg12[%dma_start3A_379, %dma_start3A_380] : memref<10000x64xf32, #tpu.memory_space<vmem_shared>> -> memref<10000x64xf32, #tpu.memory_space<vmem_shared>>
        tpu.enqueue_indirect_dma source(%dma_start3A_375 : memref<128x64xf32, #tpu.memory_space<vmem>>) target(%dma_start3A_381 : memref<10000x64xf32, #tpu.memory_space<vmem_shared>>) offsets(%dma_start3A_378 : memref<128xi32, #tpu.memory_space<vmem>>) semaphore(%run_scoped3A_371 : memref<!tpu.dma_semaphore, #tpu.memory_space<semaphore_mem>>) {add = true}
        %dma_wait3A_382 = arith.constant 0 : i32
        %dma_wait3A_383 = arith.constant 0 : i32
        %dma_wait3A_384 = tpu.memref_slice %arg10[%run_scoped3A, %dma_wait3A_382, %dma_wait3A_383] : memref<4x128x64xf32, #tpu.memory_space<vmem>> -> memref<1x128x64xf32, #tpu.memory_space<vmem>>
        %dma_wait3A_385 = tpu.memref_squeeze %dma_wait3A_384 : memref<1x128x64xf32, #tpu.memory_space<vmem>> -> memref<128x64xf32, #tpu.memory_space<vmem>>
        %dma_wait3A_386 = arith.constant 0 : i32
        %dma_wait3A_387 = tpu.memref_slice %arg9[%run_scoped3A_370, %dma_wait3A_386] : memref<157x128xi32, #tpu.memory_space<vmem>> -> memref<1x128xi32, #tpu.memory_space<vmem>>
        %dma_wait3A_388 = tpu.memref_squeeze %dma_wait3A_387 : memref<1x128xi32, #tpu.memory_space<vmem>> -> memref<128xi32, #tpu.memory_space<vmem>>
        %dma_wait3A_389 = arith.constant 0 : i32
        %dma_wait3A_390 = arith.constant 0 : i32
        %dma_wait3A_391 = tpu.memref_slice %arg12[%dma_wait3A_389, %dma_wait3A_390] : memref<10000x64xf32, #tpu.memory_space<vmem_shared>> -> memref<10000x64xf32, #tpu.memory_space<vmem_shared>>
        tpu.wait_indirect_dma semaphore(%run_scoped3A_371 : memref<!tpu.dma_semaphore, #tpu.memory_space<semaphore_mem>>) src(%dma_wait3A_385 : memref<128x64xf32, #tpu.memory_space<vmem>>) dst(%dma_wait3A_391 : memref<10000x64xf32, #tpu.memory_space<vmem_shared>>)
        tpu.yield
      }) : () -> ()
    } else {
    }
    %barrier3A_160 = arith.constant 0 : index
    tpu.barrier barrier_id(%barrier3A_160)
    "tpu.region"() ({
      %run_scoped3A = tpu.sem_alloc : memref<!tpu.dma_semaphore, #tpu.memory_space<semaphore_mem>>
      %dma_start3A_338 = arith.constant 0 : i32
      %dma_start3A_339 = tpu.memref_slice %arg5[%arg0, %mul3A_2, %dma_start3A_338] : memref<2x10000x64xf32, #tpu.memory_space<hbm>> -> memref<1x625x64xf32, #tpu.memory_space<hbm>>
      %dma_start3A_340 = tpu.memref_squeeze %dma_start3A_339 : memref<1x625x64xf32, #tpu.memory_space<hbm>> -> memref<625x64xf32, #tpu.memory_space<hbm>>
      %dma_start3A_341 = arith.constant 0 : i32
      %dma_start3A_342 = tpu.memref_slice %arg12[%mul3A_2, %dma_start3A_341] : memref<10000x64xf32, #tpu.memory_space<vmem_shared>> -> memref<625x64xf32, #tpu.memory_space<vmem_shared>>
      tpu.enqueue_dma source(%dma_start3A_342 : memref<625x64xf32, #tpu.memory_space<vmem_shared>>) target(%dma_start3A_340 : memref<625x64xf32, #tpu.memory_space<hbm>>) target_semaphore(%run_scoped3A : memref<!tpu.dma_semaphore, #tpu.memory_space<semaphore_mem>>)
      %dma_wait3A_343 = arith.constant 0 : i32
      %dma_wait3A_344 = tpu.memref_slice %arg5[%arg0, %mul3A_2, %dma_wait3A_343] : memref<2x10000x64xf32, #tpu.memory_space<hbm>> -> memref<1x625x64xf32, #tpu.memory_space<hbm>>
      %dma_wait3A_345 = tpu.memref_squeeze %dma_wait3A_344 : memref<1x625x64xf32, #tpu.memory_space<hbm>> -> memref<625x64xf32, #tpu.memory_space<hbm>>
      %dma_wait3A_346 = arith.constant 0 : i32
      %dma_wait3A_347 = tpu.memref_slice %arg12[%mul3A_2, %dma_wait3A_346] : memref<10000x64xf32, #tpu.memory_space<vmem_shared>> -> memref<625x64xf32, #tpu.memory_space<vmem_shared>>
      tpu.wait_dma2 semaphore(%run_scoped3A : memref<!tpu.dma_semaphore, #tpu.memory_space<semaphore_mem>>) src(%dma_wait3A_347 : memref<625x64xf32, #tpu.memory_space<vmem_shared>>) dst(%dma_wait3A_345 : memref<625x64xf32, #tpu.memory_space<hbm>>)
      tpu.yield
    }) : () -> ()
    %add3A_161 = arith.constant 0 : i32
    %add3A_162 = arith.addi %mul3A_2, %add3A_161 : i32
    "tpu.region"() ({
      %run_scoped3A = tpu.sem_alloc : memref<!tpu.dma_semaphore, #tpu.memory_space<semaphore_mem>>
      %dma_start3A_338 = arith.constant 0 : i32
      %dma_start3A_339 = tpu.memref_slice %arg12[%add3A_162, %dma_start3A_338] : memref<10000x64xf32, #tpu.memory_space<vmem_shared>> -> memref<125x64xf32, #tpu.memory_space<vmem_shared>>
      %dma_start3A_340 = arith.constant 0 : i32
      %dma_start3A_341 = tpu.memref_slice %arg12[%add3A_162, %dma_start3A_340] : memref<10000x64xf32, #tpu.memory_space<vmem_shared>> -> memref<125x64xf32, #tpu.memory_space<vmem_shared>>
      tpu.enqueue_dma source(%arg11 : memref<125x64xf32, #tpu.memory_space<vmem>>) target(%dma_start3A_341 : memref<125x64xf32, #tpu.memory_space<vmem_shared>>) target_semaphore(%run_scoped3A : memref<!tpu.dma_semaphore, #tpu.memory_space<semaphore_mem>>)
      %dma_wait3A_342 = arith.constant 0 : i32
      %dma_wait3A_343 = tpu.memref_slice %arg12[%add3A_162, %dma_wait3A_342] : memref<10000x64xf32, #tpu.memory_space<vmem_shared>> -> memref<125x64xf32, #tpu.memory_space<vmem_shared>>
      %dma_wait3A_344 = arith.constant 0 : i32
      %dma_wait3A_345 = tpu.memref_slice %arg12[%add3A_162, %dma_wait3A_344] : memref<10000x64xf32, #tpu.memory_space<vmem_shared>> -> memref<125x64xf32, #tpu.memory_space<vmem_shared>>
      tpu.wait_dma2 semaphore(%run_scoped3A : memref<!tpu.dma_semaphore, #tpu.memory_space<semaphore_mem>>) src(%arg11 : memref<125x64xf32, #tpu.memory_space<vmem>>) dst(%dma_wait3A_345 : memref<125x64xf32, #tpu.memory_space<vmem_shared>>)
      tpu.yield
    }) : () -> ()
    %add3A_163 = arith.constant 125 : i32
    %add3A_164 = arith.addi %mul3A_2, %add3A_163 : i32
    "tpu.region"() ({
      %run_scoped3A = tpu.sem_alloc : memref<!tpu.dma_semaphore, #tpu.memory_space<semaphore_mem>>
      %dma_start3A_338 = arith.constant 0 : i32
      %dma_start3A_339 = tpu.memref_slice %arg12[%add3A_164, %dma_start3A_338] : memref<10000x64xf32, #tpu.memory_space<vmem_shared>> -> memref<125x64xf32, #tpu.memory_space<vmem_shared>>
      %dma_start3A_340 = arith.constant 0 : i32
      %dma_start3A_341 = tpu.memref_slice %arg12[%add3A_164, %dma_start3A_340] : memref<10000x64xf32, #tpu.memory_space<vmem_shared>> -> memref<125x64xf32, #tpu.memory_space<vmem_shared>>
      tpu.enqueue_dma source(%arg11 : memref<125x64xf32, #tpu.memory_space<vmem>>) target(%dma_start3A_341 : memref<125x64xf32, #tpu.memory_space<vmem_shared>>) target_semaphore(%run_scoped3A : memref<!tpu.dma_semaphore, #tpu.memory_space<semaphore_mem>>)
      %dma_wait3A_342 = arith.constant 0 : i32
      %dma_wait3A_343 = tpu.memref_slice %arg12[%add3A_164, %dma_wait3A_342] : memref<10000x64xf32, #tpu.memory_space<vmem_shared>> -> memref<125x64xf32, #tpu.memory_space<vmem_shared>>
      %dma_wait3A_344 = arith.constant 0 : i32
      %dma_wait3A_345 = tpu.memref_slice %arg12[%add3A_164, %dma_wait3A_344] : memref<10000x64xf32, #tpu.memory_space<vmem_shared>> -> memref<125x64xf32, #tpu.memory_space<vmem_shared>>
      tpu.wait_dma2 semaphore(%run_scoped3A : memref<!tpu.dma_semaphore, #tpu.memory_space<semaphore_mem>>) src(%arg11 : memref<125x64xf32, #tpu.memory_space<vmem>>) dst(%dma_wait3A_345 : memref<125x64xf32, #tpu.memory_space<vmem_shared>>)
      tpu.yield
    }) : () -> ()
    %add3A_165 = arith.constant 250 : i32
    %add3A_166 = arith.addi %mul3A_2, %add3A_165 : i32
    "tpu.region"() ({
      %run_scoped3A = tpu.sem_alloc : memref<!tpu.dma_semaphore, #tpu.memory_space<semaphore_mem>>
      %dma_start3A_338 = arith.constant 0 : i32
      %dma_start3A_339 = tpu.memref_slice %arg12[%add3A_166, %dma_start3A_338] : memref<10000x64xf32, #tpu.memory_space<vmem_shared>> -> memref<125x64xf32, #tpu.memory_space<vmem_shared>>
      %dma_start3A_340 = arith.constant 0 : i32
      %dma_start3A_341 = tpu.memref_slice %arg12[%add3A_166, %dma_start3A_340] : memref<10000x64xf32, #tpu.memory_space<vmem_shared>> -> memref<125x64xf32, #tpu.memory_space<vmem_shared>>
      tpu.enqueue_dma source(%arg11 : memref<125x64xf32, #tpu.memory_space<vmem>>) target(%dma_start3A_341 : memref<125x64xf32, #tpu.memory_space<vmem_shared>>) target_semaphore(%run_scoped3A : memref<!tpu.dma_semaphore, #tpu.memory_space<semaphore_mem>>)
      %dma_wait3A_342 = arith.constant 0 : i32
      %dma_wait3A_343 = tpu.memref_slice %arg12[%add3A_166, %dma_wait3A_342] : memref<10000x64xf32, #tpu.memory_space<vmem_shared>> -> memref<125x64xf32, #tpu.memory_space<vmem_shared>>
      %dma_wait3A_344 = arith.constant 0 : i32
      %dma_wait3A_345 = tpu.memref_slice %arg12[%add3A_166, %dma_wait3A_344] : memref<10000x64xf32, #tpu.memory_space<vmem_shared>> -> memref<125x64xf32, #tpu.memory_space<vmem_shared>>
      tpu.wait_dma2 semaphore(%run_scoped3A : memref<!tpu.dma_semaphore, #tpu.memory_space<semaphore_mem>>) src(%arg11 : memref<125x64xf32, #tpu.memory_space<vmem>>) dst(%dma_wait3A_345 : memref<125x64xf32, #tpu.memory_space<vmem_shared>>)
      tpu.yield
    }) : () -> ()
    %add3A_167 = arith.constant 375 : i32
    %add3A_168 = arith.addi %mul3A_2, %add3A_167 : i32
    "tpu.region"() ({
      %run_scoped3A = tpu.sem_alloc : memref<!tpu.dma_semaphore, #tpu.memory_space<semaphore_mem>>
      %dma_start3A_338 = arith.constant 0 : i32
      %dma_start3A_339 = tpu.memref_slice %arg12[%add3A_168, %dma_start3A_338] : memref<10000x64xf32, #tpu.memory_space<vmem_shared>> -> memref<125x64xf32, #tpu.memory_space<vmem_shared>>
      %dma_start3A_340 = arith.constant 0 : i32
      %dma_start3A_341 = tpu.memref_slice %arg12[%add3A_168, %dma_start3A_340] : memref<10000x64xf32, #tpu.memory_space<vmem_shared>> -> memref<125x64xf32, #tpu.memory_space<vmem_shared>>
      tpu.enqueue_dma source(%arg11 : memref<125x64xf32, #tpu.memory_space<vmem>>) target(%dma_start3A_341 : memref<125x64xf32, #tpu.memory_space<vmem_shared>>) target_semaphore(%run_scoped3A : memref<!tpu.dma_semaphore, #tpu.memory_space<semaphore_mem>>)
      %dma_wait3A_342 = arith.constant 0 : i32
      %dma_wait3A_343 = tpu.memref_slice %arg12[%add3A_168, %dma_wait3A_342] : memref<10000x64xf32, #tpu.memory_space<vmem_shared>> -> memref<125x64xf32, #tpu.memory_space<vmem_shared>>
      %dma_wait3A_344 = arith.constant 0 : i32
      %dma_wait3A_345 = tpu.memref_slice %arg12[%add3A_168, %dma_wait3A_344] : memref<10000x64xf32, #tpu.memory_space<vmem_shared>> -> memref<125x64xf32, #tpu.memory_space<vmem_shared>>
      tpu.wait_dma2 semaphore(%run_scoped3A : memref<!tpu.dma_semaphore, #tpu.memory_space<semaphore_mem>>) src(%arg11 : memref<125x64xf32, #tpu.memory_space<vmem>>) dst(%dma_wait3A_345 : memref<125x64xf32, #tpu.memory_space<vmem_shared>>)
      tpu.yield
    }) : () -> ()
    %add3A_169 = arith.constant 500 : i32
    %add3A_170 = arith.addi %mul3A_2, %add3A_169 : i32
    "tpu.region"() ({
      %run_scoped3A = tpu.sem_alloc : memref<!tpu.dma_semaphore, #tpu.memory_space<semaphore_mem>>
      %dma_start3A_338 = arith.constant 0 : i32
      %dma_start3A_339 = tpu.memref_slice %arg12[%add3A_170, %dma_start3A_338] : memref<10000x64xf32, #tpu.memory_space<vmem_shared>> -> memref<125x64xf32, #tpu.memory_space<vmem_shared>>
      %dma_start3A_340 = arith.constant 0 : i32
      %dma_start3A_341 = tpu.memref_slice %arg12[%add3A_170, %dma_start3A_340] : memref<10000x64xf32, #tpu.memory_space<vmem_shared>> -> memref<125x64xf32, #tpu.memory_space<vmem_shared>>
      tpu.enqueue_dma source(%arg11 : memref<125x64xf32, #tpu.memory_space<vmem>>) target(%dma_start3A_341 : memref<125x64xf32, #tpu.memory_space<vmem_shared>>) target_semaphore(%run_scoped3A : memref<!tpu.dma_semaphore, #tpu.memory_space<semaphore_mem>>)
      %dma_wait3A_342 = arith.constant 0 : i32
      %dma_wait3A_343 = tpu.memref_slice %arg12[%add3A_170, %dma_wait3A_342] : memref<10000x64xf32, #tpu.memory_space<vmem_shared>> -> memref<125x64xf32, #tpu.memory_space<vmem_shared>>
      %dma_wait3A_344 = arith.constant 0 : i32
      %dma_wait3A_345 = tpu.memref_slice %arg12[%add3A_170, %dma_wait3A_344] : memref<10000x64xf32, #tpu.memory_space<vmem_shared>> -> memref<125x64xf32, #tpu.memory_space<vmem_shared>>
      tpu.wait_dma2 semaphore(%run_scoped3A : memref<!tpu.dma_semaphore, #tpu.memory_space<semaphore_mem>>) src(%arg11 : memref<125x64xf32, #tpu.memory_space<vmem>>) dst(%dma_wait3A_345 : memref<125x64xf32, #tpu.memory_space<vmem_shared>>)
      tpu.yield
    }) : () -> ()
    %barrier3A_171 = arith.constant 0 : index
    tpu.barrier barrier_id(%barrier3A_171)
    %dma_start3A_172 = arith.constant 0 : i32
    %dma_start3A_173 = arith.constant 0 : i32
    %dma_start3A_174 = arith.constant 0 : i32
    %dma_start3A_175 = arith.constant 0 : i32
    %dma_start3A_176 = tpu.memref_slice %arg10[%dma_start3A_173, %dma_start3A_174, %dma_start3A_175] : memref<4x128x64xf32, #tpu.memory_space<vmem>> -> memref<1x128x64xf32, #tpu.memory_space<vmem>>
    %dma_start3A_177 = tpu.memref_squeeze %dma_start3A_176 : memref<1x128x64xf32, #tpu.memory_space<vmem>> -> memref<128x64xf32, #tpu.memory_space<vmem>>
    %dma_start3A_178 = arith.constant 0 : i32
    %dma_start3A_179 = tpu.memref_slice %arg8[%dma_start3A_172, %dma_start3A_178] : memref<157x128xi32, #tpu.memory_space<vmem>> -> memref<1x128xi32, #tpu.memory_space<vmem>>
    %dma_start3A_180 = tpu.memref_squeeze %dma_start3A_179 : memref<1x128xi32, #tpu.memory_space<vmem>> -> memref<128xi32, #tpu.memory_space<vmem>>
    %dma_start3A_181 = arith.constant 0 : i32
    %dma_start3A_182 = arith.constant 0 : i32
    %dma_start3A_183 = tpu.memref_slice %arg5[%arg0, %dma_start3A_181, %dma_start3A_182] : memref<2x10000x64xf32, #tpu.memory_space<hbm>> -> memref<1x10000x64xf32, #tpu.memory_space<hbm>>
    %dma_start3A_184 = tpu.memref_squeeze %dma_start3A_183 : memref<1x10000x64xf32, #tpu.memory_space<hbm>> -> memref<10000x64xf32, #tpu.memory_space<hbm>>
    %dma_start3A_185 = arith.constant 0 : i32
    %dma_start3A_186 = arith.constant 0 : i32
    %dma_start3A_187 = tpu.memref_slice %dma_start3A_184[%dma_start3A_185, %dma_start3A_186] : memref<10000x64xf32, #tpu.memory_space<hbm>> -> memref<10000x64xf32, #tpu.memory_space<hbm>>
    tpu.enqueue_indirect_dma source(%dma_start3A_187 : memref<10000x64xf32, #tpu.memory_space<hbm>>) target(%dma_start3A_177 : memref<128x64xf32, #tpu.memory_space<vmem>>) offsets(%dma_start3A_180 : memref<128xi32, #tpu.memory_space<vmem>>) semaphore(%arg13 : memref<!tpu.dma_semaphore, #tpu.memory_space<semaphore_mem>>)
    %dma_start3A_188 = arith.constant 1 : i32
    %dma_start3A_189 = arith.constant 1 : i32
    %dma_start3A_190 = arith.constant 0 : i32
    %dma_start3A_191 = arith.constant 0 : i32
    %dma_start3A_192 = tpu.memref_slice %arg10[%dma_start3A_189, %dma_start3A_190, %dma_start3A_191] : memref<4x128x64xf32, #tpu.memory_space<vmem>> -> memref<1x128x64xf32, #tpu.memory_space<vmem>>
    %dma_start3A_193 = tpu.memref_squeeze %dma_start3A_192 : memref<1x128x64xf32, #tpu.memory_space<vmem>> -> memref<128x64xf32, #tpu.memory_space<vmem>>
    %dma_start3A_194 = arith.constant 0 : i32
    %dma_start3A_195 = tpu.memref_slice %arg8[%dma_start3A_188, %dma_start3A_194] : memref<157x128xi32, #tpu.memory_space<vmem>> -> memref<1x128xi32, #tpu.memory_space<vmem>>
    %dma_start3A_196 = tpu.memref_squeeze %dma_start3A_195 : memref<1x128xi32, #tpu.memory_space<vmem>> -> memref<128xi32, #tpu.memory_space<vmem>>
    %dma_start3A_197 = arith.constant 0 : i32
    %dma_start3A_198 = arith.constant 0 : i32
    %dma_start3A_199 = tpu.memref_slice %arg5[%arg0, %dma_start3A_197, %dma_start3A_198] : memref<2x10000x64xf32, #tpu.memory_space<hbm>> -> memref<1x10000x64xf32, #tpu.memory_space<hbm>>
    %dma_start3A_200 = tpu.memref_squeeze %dma_start3A_199 : memref<1x10000x64xf32, #tpu.memory_space<hbm>> -> memref<10000x64xf32, #tpu.memory_space<hbm>>
    %dma_start3A_201 = arith.constant 0 : i32
    %dma_start3A_202 = arith.constant 0 : i32
    %dma_start3A_203 = tpu.memref_slice %dma_start3A_200[%dma_start3A_201, %dma_start3A_202] : memref<10000x64xf32, #tpu.memory_space<hbm>> -> memref<10000x64xf32, #tpu.memory_space<hbm>>
    tpu.enqueue_indirect_dma source(%dma_start3A_203 : memref<10000x64xf32, #tpu.memory_space<hbm>>) target(%dma_start3A_193 : memref<128x64xf32, #tpu.memory_space<vmem>>) offsets(%dma_start3A_196 : memref<128xi32, #tpu.memory_space<vmem>>) semaphore(%arg13 : memref<!tpu.dma_semaphore, #tpu.memory_space<semaphore_mem>>)
    %dma_start3A_204 = arith.constant 2 : i32
    %dma_start3A_205 = arith.constant 2 : i32
    %dma_start3A_206 = arith.constant 0 : i32
    %dma_start3A_207 = arith.constant 0 : i32
    %dma_start3A_208 = tpu.memref_slice %arg10[%dma_start3A_205, %dma_start3A_206, %dma_start3A_207] : memref<4x128x64xf32, #tpu.memory_space<vmem>> -> memref<1x128x64xf32, #tpu.memory_space<vmem>>
    %dma_start3A_209 = tpu.memref_squeeze %dma_start3A_208 : memref<1x128x64xf32, #tpu.memory_space<vmem>> -> memref<128x64xf32, #tpu.memory_space<vmem>>
    %dma_start3A_210 = arith.constant 0 : i32
    %dma_start3A_211 = tpu.memref_slice %arg8[%dma_start3A_204, %dma_start3A_210] : memref<157x128xi32, #tpu.memory_space<vmem>> -> memref<1x128xi32, #tpu.memory_space<vmem>>
    %dma_start3A_212 = tpu.memref_squeeze %dma_start3A_211 : memref<1x128xi32, #tpu.memory_space<vmem>> -> memref<128xi32, #tpu.memory_space<vmem>>
    %dma_start3A_213 = arith.constant 0 : i32
    %dma_start3A_214 = arith.constant 0 : i32
    %dma_start3A_215 = tpu.memref_slice %arg5[%arg0, %dma_start3A_213, %dma_start3A_214] : memref<2x10000x64xf32, #tpu.memory_space<hbm>> -> memref<1x10000x64xf32, #tpu.memory_space<hbm>>
    %dma_start3A_216 = tpu.memref_squeeze %dma_start3A_215 : memref<1x10000x64xf32, #tpu.memory_space<hbm>> -> memref<10000x64xf32, #tpu.memory_space<hbm>>
    %dma_start3A_217 = arith.constant 0 : i32
    %dma_start3A_218 = arith.constant 0 : i32
    %dma_start3A_219 = tpu.memref_slice %dma_start3A_216[%dma_start3A_217, %dma_start3A_218] : memref<10000x64xf32, #tpu.memory_space<hbm>> -> memref<10000x64xf32, #tpu.memory_space<hbm>>
    tpu.enqueue_indirect_dma source(%dma_start3A_219 : memref<10000x64xf32, #tpu.memory_space<hbm>>) target(%dma_start3A_209 : memref<128x64xf32, #tpu.memory_space<vmem>>) offsets(%dma_start3A_212 : memref<128xi32, #tpu.memory_space<vmem>>) semaphore(%arg13 : memref<!tpu.dma_semaphore, #tpu.memory_space<semaphore_mem>>)
    %dma_start3A_220 = arith.constant 3 : i32
    %dma_start3A_221 = arith.constant 3 : i32
    %dma_start3A_222 = arith.constant 0 : i32
    %dma_start3A_223 = arith.constant 0 : i32
    %dma_start3A_224 = tpu.memref_slice %arg10[%dma_start3A_221, %dma_start3A_222, %dma_start3A_223] : memref<4x128x64xf32, #tpu.memory_space<vmem>> -> memref<1x128x64xf32, #tpu.memory_space<vmem>>
    %dma_start3A_225 = tpu.memref_squeeze %dma_start3A_224 : memref<1x128x64xf32, #tpu.memory_space<vmem>> -> memref<128x64xf32, #tpu.memory_space<vmem>>
    %dma_start3A_226 = arith.constant 0 : i32
    %dma_start3A_227 = tpu.memref_slice %arg8[%dma_start3A_220, %dma_start3A_226] : memref<157x128xi32, #tpu.memory_space<vmem>> -> memref<1x128xi32, #tpu.memory_space<vmem>>
    %dma_start3A_228 = tpu.memref_squeeze %dma_start3A_227 : memref<1x128xi32, #tpu.memory_space<vmem>> -> memref<128xi32, #tpu.memory_space<vmem>>
    %dma_start3A_229 = arith.constant 0 : i32
    %dma_start3A_230 = arith.constant 0 : i32
    %dma_start3A_231 = tpu.memref_slice %arg5[%arg0, %dma_start3A_229, %dma_start3A_230] : memref<2x10000x64xf32, #tpu.memory_space<hbm>> -> memref<1x10000x64xf32, #tpu.memory_space<hbm>>
    %dma_start3A_232 = tpu.memref_squeeze %dma_start3A_231 : memref<1x10000x64xf32, #tpu.memory_space<hbm>> -> memref<10000x64xf32, #tpu.memory_space<hbm>>
    %dma_start3A_233 = arith.constant 0 : i32
    %dma_start3A_234 = arith.constant 0 : i32
    %dma_start3A_235 = tpu.memref_slice %dma_start3A_232[%dma_start3A_233, %dma_start3A_234] : memref<10000x64xf32, #tpu.memory_space<hbm>> -> memref<10000x64xf32, #tpu.memory_space<hbm>>
    tpu.enqueue_indirect_dma source(%dma_start3A_235 : memref<10000x64xf32, #tpu.memory_space<hbm>>) target(%dma_start3A_225 : memref<128x64xf32, #tpu.memory_space<vmem>>) offsets(%dma_start3A_228 : memref<128xi32, #tpu.memory_space<vmem>>) semaphore(%arg13 : memref<!tpu.dma_semaphore, #tpu.memory_space<semaphore_mem>>)
    %scan3A_236 = arith.constant 0 : i32
    %scan3A_237 = arith.constant 0 : i32
    %scan3A_238 = arith.constant 39 : i32
    %scan3A_239 = arith.addi %scan3A_237, %scan3A_238 : i32
    %scan3A_240 = arith.constant 1 : i32
    %scan3A_241 = scf.for %scan3A_338 = %scan3A_237 to %scan3A_239 step %scan3A_240 iter_args(%scan3A_339 = %scan3A_236) -> (i32)  : i32 {
      %mul3A_340 = arith.constant 4 : i32
      %mul3A_341 = arith.muli %scan3A_338, %mul3A_340 : i32
      %add3A_342 = arith.constant 0 : i32
      %add3A_343 = arith.addi %mul3A_341, %add3A_342 : i32
      %dma_wait3A_344 = arith.constant 0 : i32
      %dma_wait3A_345 = arith.constant 0 : i32
      %dma_wait3A_346 = arith.constant 0 : i32
      %dma_wait3A_347 = tpu.memref_slice %arg10[%dma_wait3A_344, %dma_wait3A_345, %dma_wait3A_346] : memref<4x128x64xf32, #tpu.memory_space<vmem>> -> memref<1x128x64xf32, #tpu.memory_space<vmem>>
      %dma_wait3A_348 = tpu.memref_squeeze %dma_wait3A_347 : memref<1x128x64xf32, #tpu.memory_space<vmem>> -> memref<128x64xf32, #tpu.memory_space<vmem>>
      %dma_wait3A_349 = arith.constant 0 : i32
      %dma_wait3A_350 = arith.constant 0 : i32
      %dma_wait3A_351 = tpu.memref_slice %arg5[%arg0, %dma_wait3A_349, %dma_wait3A_350] : memref<2x10000x64xf32, #tpu.memory_space<hbm>> -> memref<1x10000x64xf32, #tpu.memory_space<hbm>>
      %dma_wait3A_352 = tpu.memref_squeeze %dma_wait3A_351 : memref<1x10000x64xf32, #tpu.memory_space<hbm>> -> memref<10000x64xf32, #tpu.memory_space<hbm>>
      %dma_wait3A_353 = arith.constant 0 : i32
      %dma_wait3A_354 = arith.constant 0 : i32
      %dma_wait3A_355 = tpu.memref_slice %dma_wait3A_352[%dma_wait3A_353, %dma_wait3A_354] : memref<10000x64xf32, #tpu.memory_space<hbm>> -> memref<128x64xf32, #tpu.memory_space<hbm>>
      %dma_wait3A_356 = arith.constant 0 : i32
      %dma_wait3A_357 = arith.constant 0 : i32
      %dma_wait3A_358 = tpu.memref_slice %arg10[%dma_wait3A_344, %dma_wait3A_356, %dma_wait3A_357] : memref<4x128x64xf32, #tpu.memory_space<vmem>> -> memref<1x128x64xf32, #tpu.memory_space<vmem>>
      %dma_wait3A_359 = tpu.memref_squeeze %dma_wait3A_358 : memref<1x128x64xf32, #tpu.memory_space<vmem>> -> memref<128x64xf32, #tpu.memory_space<vmem>>
      %dma_wait3A_360 = arith.constant 0 : i32
      %dma_wait3A_361 = arith.constant 0 : i32
      %dma_wait3A_362 = tpu.memref_slice %arg5[%arg0, %dma_wait3A_360, %dma_wait3A_361] : memref<2x10000x64xf32, #tpu.memory_space<hbm>> -> memref<1x10000x64xf32, #tpu.memory_space<hbm>>
      %dma_wait3A_363 = tpu.memref_squeeze %dma_wait3A_362 : memref<1x10000x64xf32, #tpu.memory_space<hbm>> -> memref<10000x64xf32, #tpu.memory_space<hbm>>
      %dma_wait3A_364 = arith.constant 0 : i32
      %dma_wait3A_365 = arith.constant 0 : i32
      %dma_wait3A_366 = tpu.memref_slice %dma_wait3A_363[%dma_wait3A_364, %dma_wait3A_365] : memref<10000x64xf32, #tpu.memory_space<hbm>> -> memref<128x64xf32, #tpu.memory_space<hbm>>
      tpu.wait_dma2 semaphore(%arg13 : memref<!tpu.dma_semaphore, #tpu.memory_space<semaphore_mem>>) src(%dma_wait3A_366 : memref<128x64xf32, #tpu.memory_space<hbm>>) dst(%dma_wait3A_359 : memref<128x64xf32, #tpu.memory_space<vmem>>)
      %run_scoped3A = arith.constant 0 : i32
      "tpu.region"() ({
        %run_scoped3A_480 = tpu.sem_alloc : memref<!tpu.dma_semaphore, #tpu.memory_space<semaphore_mem>>
        %dma_start3A_481 = arith.constant 0 : i32
        %dma_start3A_482 = arith.constant 0 : i32
        %dma_start3A_483 = tpu.memref_slice %arg10[%run_scoped3A, %dma_start3A_481, %dma_start3A_482] : memref<4x128x64xf32, #tpu.memory_space<vmem>> -> memref<1x128x64xf32, #tpu.memory_space<vmem>>
        %dma_start3A_484 = tpu.memref_squeeze %dma_start3A_483 : memref<1x128x64xf32, #tpu.memory_space<vmem>> -> memref<128x64xf32, #tpu.memory_space<vmem>>
        %dma_start3A_485 = arith.constant 0 : i32
        %dma_start3A_486 = tpu.memref_slice %arg9[%add3A_343, %dma_start3A_485] : memref<157x128xi32, #tpu.memory_space<vmem>> -> memref<1x128xi32, #tpu.memory_space<vmem>>
        %dma_start3A_487 = tpu.memref_squeeze %dma_start3A_486 : memref<1x128xi32, #tpu.memory_space<vmem>> -> memref<128xi32, #tpu.memory_space<vmem>>
        %dma_start3A_488 = arith.constant 0 : i32
        %dma_start3A_489 = arith.constant 0 : i32
        %dma_start3A_490 = tpu.memref_slice %arg12[%dma_start3A_488, %dma_start3A_489] : memref<10000x64xf32, #tpu.memory_space<vmem_shared>> -> memref<10000x64xf32, #tpu.memory_space<vmem_shared>>
        tpu.enqueue_indirect_dma source(%dma_start3A_484 : memref<128x64xf32, #tpu.memory_space<vmem>>) target(%dma_start3A_490 : memref<10000x64xf32, #tpu.memory_space<vmem_shared>>) offsets(%dma_start3A_487 : memref<128xi32, #tpu.memory_space<vmem>>) semaphore(%run_scoped3A_480 : memref<!tpu.dma_semaphore, #tpu.memory_space<semaphore_mem>>) {add = true}
        %dma_wait3A_491 = arith.constant 0 : i32
        %dma_wait3A_492 = arith.constant 0 : i32
        %dma_wait3A_493 = tpu.memref_slice %arg10[%run_scoped3A, %dma_wait3A_491, %dma_wait3A_492] : memref<4x128x64xf32, #tpu.memory_space<vmem>> -> memref<1x128x64xf32, #tpu.memory_space<vmem>>
        %dma_wait3A_494 = tpu.memref_squeeze %dma_wait3A_493 : memref<1x128x64xf32, #tpu.memory_space<vmem>> -> memref<128x64xf32, #tpu.memory_space<vmem>>
        %dma_wait3A_495 = arith.constant 0 : i32
        %dma_wait3A_496 = tpu.memref_slice %arg9[%add3A_343, %dma_wait3A_495] : memref<157x128xi32, #tpu.memory_space<vmem>> -> memref<1x128xi32, #tpu.memory_space<vmem>>
        %dma_wait3A_497 = tpu.memref_squeeze %dma_wait3A_496 : memref<1x128xi32, #tpu.memory_space<vmem>> -> memref<128xi32, #tpu.memory_space<vmem>>
        %dma_wait3A_498 = arith.constant 0 : i32
        %dma_wait3A_499 = arith.constant 0 : i32
        %dma_wait3A_500 = tpu.memref_slice %arg12[%dma_wait3A_498, %dma_wait3A_499] : memref<10000x64xf32, #tpu.memory_space<vmem_shared>> -> memref<10000x64xf32, #tpu.memory_space<vmem_shared>>
        tpu.wait_indirect_dma semaphore(%run_scoped3A_480 : memref<!tpu.dma_semaphore, #tpu.memory_space<semaphore_mem>>) src(%dma_wait3A_494 : memref<128x64xf32, #tpu.memory_space<vmem>>) dst(%dma_wait3A_500 : memref<10000x64xf32, #tpu.memory_space<vmem_shared>>)
        tpu.yield
      }) : () -> ()
      %add3A_367 = arith.constant 4 : i32
      %add3A_368 = arith.addi %add3A_343, %add3A_367 : i32
      %lt3A_369 = arith.constant 156 : i32
      %lt3A_370 = arith.cmpi slt, %add3A_368, %lt3A_369 : i32
      %convert_element_type3A_371 = arith.extui %lt3A_370 : i1 to i32
      %cond3A_372 = arith.constant 0 : i32
      %cond3A_373 = arith.cmpi ne, %convert_element_type3A_371, %cond3A_372 : i32
      scf.if %cond3A_373 {
        %add3A_480 = arith.constant 4 : i32
        %add3A_481 = arith.addi %add3A_343, %add3A_480 : i32
        %dma_start3A_482 = arith.constant 0 : i32
        %dma_start3A_483 = arith.constant 0 : i32
        %dma_start3A_484 = arith.constant 0 : i32
        %dma_start3A_485 = tpu.memref_slice %arg10[%dma_start3A_482, %dma_start3A_483, %dma_start3A_484] : memref<4x128x64xf32, #tpu.memory_space<vmem>> -> memref<1x128x64xf32, #tpu.memory_space<vmem>>
        %dma_start3A_486 = tpu.memref_squeeze %dma_start3A_485 : memref<1x128x64xf32, #tpu.memory_space<vmem>> -> memref<128x64xf32, #tpu.memory_space<vmem>>
        %dma_start3A_487 = arith.constant 0 : i32
        %dma_start3A_488 = tpu.memref_slice %arg8[%add3A_481, %dma_start3A_487] : memref<157x128xi32, #tpu.memory_space<vmem>> -> memref<1x128xi32, #tpu.memory_space<vmem>>
        %dma_start3A_489 = tpu.memref_squeeze %dma_start3A_488 : memref<1x128xi32, #tpu.memory_space<vmem>> -> memref<128xi32, #tpu.memory_space<vmem>>
        %dma_start3A_490 = arith.constant 0 : i32
        %dma_start3A_491 = arith.constant 0 : i32
        %dma_start3A_492 = tpu.memref_slice %arg5[%arg0, %dma_start3A_490, %dma_start3A_491] : memref<2x10000x64xf32, #tpu.memory_space<hbm>> -> memref<1x10000x64xf32, #tpu.memory_space<hbm>>
        %dma_start3A_493 = tpu.memref_squeeze %dma_start3A_492 : memref<1x10000x64xf32, #tpu.memory_space<hbm>> -> memref<10000x64xf32, #tpu.memory_space<hbm>>
        %dma_start3A_494 = arith.constant 0 : i32
        %dma_start3A_495 = arith.constant 0 : i32
        %dma_start3A_496 = tpu.memref_slice %dma_start3A_493[%dma_start3A_494, %dma_start3A_495] : memref<10000x64xf32, #tpu.memory_space<hbm>> -> memref<10000x64xf32, #tpu.memory_space<hbm>>
        tpu.enqueue_indirect_dma source(%dma_start3A_496 : memref<10000x64xf32, #tpu.memory_space<hbm>>) target(%dma_start3A_486 : memref<128x64xf32, #tpu.memory_space<vmem>>) offsets(%dma_start3A_489 : memref<128xi32, #tpu.memory_space<vmem>>) semaphore(%arg13 : memref<!tpu.dma_semaphore, #tpu.memory_space<semaphore_mem>>)
      } else {
      }
      %mul3A_374 = arith.constant 4 : i32
      %mul3A_375 = arith.muli %scan3A_338, %mul3A_374 : i32
      %add3A_376 = arith.constant 1 : i32
      %add3A_377 = arith.addi %mul3A_375, %add3A_376 : i32
      %dma_wait3A_378 = arith.constant 1 : i32
      %dma_wait3A_379 = arith.constant 0 : i32
      %dma_wait3A_380 = arith.constant 0 : i32
      %dma_wait3A_381 = tpu.memref_slice %arg10[%dma_wait3A_378, %dma_wait3A_379, %dma_wait3A_380] : memref<4x128x64xf32, #tpu.memory_space<vmem>> -> memref<1x128x64xf32, #tpu.memory_space<vmem>>
      %dma_wait3A_382 = tpu.memref_squeeze %dma_wait3A_381 : memref<1x128x64xf32, #tpu.memory_space<vmem>> -> memref<128x64xf32, #tpu.memory_space<vmem>>
      %dma_wait3A_383 = arith.constant 0 : i32
      %dma_wait3A_384 = arith.constant 0 : i32
      %dma_wait3A_385 = tpu.memref_slice %arg5[%arg0, %dma_wait3A_383, %dma_wait3A_384] : memref<2x10000x64xf32, #tpu.memory_space<hbm>> -> memref<1x10000x64xf32, #tpu.memory_space<hbm>>
      %dma_wait3A_386 = tpu.memref_squeeze %dma_wait3A_385 : memref<1x10000x64xf32, #tpu.memory_space<hbm>> -> memref<10000x64xf32, #tpu.memory_space<hbm>>
      %dma_wait3A_387 = arith.constant 0 : i32
      %dma_wait3A_388 = arith.constant 0 : i32
      %dma_wait3A_389 = tpu.memref_slice %dma_wait3A_386[%dma_wait3A_387, %dma_wait3A_388] : memref<10000x64xf32, #tpu.memory_space<hbm>> -> memref<128x64xf32, #tpu.memory_space<hbm>>
      %dma_wait3A_390 = arith.constant 0 : i32
      %dma_wait3A_391 = arith.constant 0 : i32
      %dma_wait3A_392 = tpu.memref_slice %arg10[%dma_wait3A_378, %dma_wait3A_390, %dma_wait3A_391] : memref<4x128x64xf32, #tpu.memory_space<vmem>> -> memref<1x128x64xf32, #tpu.memory_space<vmem>>
      %dma_wait3A_393 = tpu.memref_squeeze %dma_wait3A_392 : memref<1x128x64xf32, #tpu.memory_space<vmem>> -> memref<128x64xf32, #tpu.memory_space<vmem>>
      %dma_wait3A_394 = arith.constant 0 : i32
      %dma_wait3A_395 = arith.constant 0 : i32
      %dma_wait3A_396 = tpu.memref_slice %arg5[%arg0, %dma_wait3A_394, %dma_wait3A_395] : memref<2x10000x64xf32, #tpu.memory_space<hbm>> -> memref<1x10000x64xf32, #tpu.memory_space<hbm>>
      %dma_wait3A_397 = tpu.memref_squeeze %dma_wait3A_396 : memref<1x10000x64xf32, #tpu.memory_space<hbm>> -> memref<10000x64xf32, #tpu.memory_space<hbm>>
      %dma_wait3A_398 = arith.constant 0 : i32
      %dma_wait3A_399 = arith.constant 0 : i32
      %dma_wait3A_400 = tpu.memref_slice %dma_wait3A_397[%dma_wait3A_398, %dma_wait3A_399] : memref<10000x64xf32, #tpu.memory_space<hbm>> -> memref<128x64xf32, #tpu.memory_space<hbm>>
      tpu.wait_dma2 semaphore(%arg13 : memref<!tpu.dma_semaphore, #tpu.memory_space<semaphore_mem>>) src(%dma_wait3A_400 : memref<128x64xf32, #tpu.memory_space<hbm>>) dst(%dma_wait3A_393 : memref<128x64xf32, #tpu.memory_space<vmem>>)
      %run_scoped3A_401 = arith.constant 1 : i32
      "tpu.region"() ({
        %run_scoped3A_480 = tpu.sem_alloc : memref<!tpu.dma_semaphore, #tpu.memory_space<semaphore_mem>>
        %dma_start3A_481 = arith.constant 0 : i32
        %dma_start3A_482 = arith.constant 0 : i32
        %dma_start3A_483 = tpu.memref_slice %arg10[%run_scoped3A_401, %dma_start3A_481, %dma_start3A_482] : memref<4x128x64xf32, #tpu.memory_space<vmem>> -> memref<1x128x64xf32, #tpu.memory_space<vmem>>
        %dma_start3A_484 = tpu.memref_squeeze %dma_start3A_483 : memref<1x128x64xf32, #tpu.memory_space<vmem>> -> memref<128x64xf32, #tpu.memory_space<vmem>>
        %dma_start3A_485 = arith.constant 0 : i32
        %dma_start3A_486 = tpu.memref_slice %arg9[%add3A_377, %dma_start3A_485] : memref<157x128xi32, #tpu.memory_space<vmem>> -> memref<1x128xi32, #tpu.memory_space<vmem>>
        %dma_start3A_487 = tpu.memref_squeeze %dma_start3A_486 : memref<1x128xi32, #tpu.memory_space<vmem>> -> memref<128xi32, #tpu.memory_space<vmem>>
        %dma_start3A_488 = arith.constant 0 : i32
        %dma_start3A_489 = arith.constant 0 : i32
        %dma_start3A_490 = tpu.memref_slice %arg12[%dma_start3A_488, %dma_start3A_489] : memref<10000x64xf32, #tpu.memory_space<vmem_shared>> -> memref<10000x64xf32, #tpu.memory_space<vmem_shared>>
        tpu.enqueue_indirect_dma source(%dma_start3A_484 : memref<128x64xf32, #tpu.memory_space<vmem>>) target(%dma_start3A_490 : memref<10000x64xf32, #tpu.memory_space<vmem_shared>>) offsets(%dma_start3A_487 : memref<128xi32, #tpu.memory_space<vmem>>) semaphore(%run_scoped3A_480 : memref<!tpu.dma_semaphore, #tpu.memory_space<semaphore_mem>>) {add = true}
        %dma_wait3A_491 = arith.constant 0 : i32
        %dma_wait3A_492 = arith.constant 0 : i32
        %dma_wait3A_493 = tpu.memref_slice %arg10[%run_scoped3A_401, %dma_wait3A_491, %dma_wait3A_492] : memref<4x128x64xf32, #tpu.memory_space<vmem>> -> memref<1x128x64xf32, #tpu.memory_space<vmem>>
        %dma_wait3A_494 = tpu.memref_squeeze %dma_wait3A_493 : memref<1x128x64xf32, #tpu.memory_space<vmem>> -> memref<128x64xf32, #tpu.memory_space<vmem>>
        %dma_wait3A_495 = arith.constant 0 : i32
        %dma_wait3A_496 = tpu.memref_slice %arg9[%add3A_377, %dma_wait3A_495] : memref<157x128xi32, #tpu.memory_space<vmem>> -> memref<1x128xi32, #tpu.memory_space<vmem>>
        %dma_wait3A_497 = tpu.memref_squeeze %dma_wait3A_496 : memref<1x128xi32, #tpu.memory_space<vmem>> -> memref<128xi32, #tpu.memory_space<vmem>>
        %dma_wait3A_498 = arith.constant 0 : i32
        %dma_wait3A_499 = arith.constant 0 : i32
        %dma_wait3A_500 = tpu.memref_slice %arg12[%dma_wait3A_498, %dma_wait3A_499] : memref<10000x64xf32, #tpu.memory_space<vmem_shared>> -> memref<10000x64xf32, #tpu.memory_space<vmem_shared>>
        tpu.wait_indirect_dma semaphore(%run_scoped3A_480 : memref<!tpu.dma_semaphore, #tpu.memory_space<semaphore_mem>>) src(%dma_wait3A_494 : memref<128x64xf32, #tpu.memory_space<vmem>>) dst(%dma_wait3A_500 : memref<10000x64xf32, #tpu.memory_space<vmem_shared>>)
        tpu.yield
      }) : () -> ()
      %add3A_402 = arith.constant 4 : i32
      %add3A_403 = arith.addi %add3A_377, %add3A_402 : i32
      %lt3A_404 = arith.constant 156 : i32
      %lt3A_405 = arith.cmpi slt, %add3A_403, %lt3A_404 : i32
      %convert_element_type3A_406 = arith.extui %lt3A_405 : i1 to i32
      %cond3A_407 = arith.constant 0 : i32
      %cond3A_408 = arith.cmpi ne, %convert_element_type3A_406, %cond3A_407 : i32
      scf.if %cond3A_408 {
        %add3A_480 = arith.constant 4 : i32
        %add3A_481 = arith.addi %add3A_377, %add3A_480 : i32
        %dma_start3A_482 = arith.constant 1 : i32
        %dma_start3A_483 = arith.constant 0 : i32
        %dma_start3A_484 = arith.constant 0 : i32
        %dma_start3A_485 = tpu.memref_slice %arg10[%dma_start3A_482, %dma_start3A_483, %dma_start3A_484] : memref<4x128x64xf32, #tpu.memory_space<vmem>> -> memref<1x128x64xf32, #tpu.memory_space<vmem>>
        %dma_start3A_486 = tpu.memref_squeeze %dma_start3A_485 : memref<1x128x64xf32, #tpu.memory_space<vmem>> -> memref<128x64xf32, #tpu.memory_space<vmem>>
        %dma_start3A_487 = arith.constant 0 : i32
        %dma_start3A_488 = tpu.memref_slice %arg8[%add3A_481, %dma_start3A_487] : memref<157x128xi32, #tpu.memory_space<vmem>> -> memref<1x128xi32, #tpu.memory_space<vmem>>
        %dma_start3A_489 = tpu.memref_squeeze %dma_start3A_488 : memref<1x128xi32, #tpu.memory_space<vmem>> -> memref<128xi32, #tpu.memory_space<vmem>>
        %dma_start3A_490 = arith.constant 0 : i32
        %dma_start3A_491 = arith.constant 0 : i32
        %dma_start3A_492 = tpu.memref_slice %arg5[%arg0, %dma_start3A_490, %dma_start3A_491] : memref<2x10000x64xf32, #tpu.memory_space<hbm>> -> memref<1x10000x64xf32, #tpu.memory_space<hbm>>
        %dma_start3A_493 = tpu.memref_squeeze %dma_start3A_492 : memref<1x10000x64xf32, #tpu.memory_space<hbm>> -> memref<10000x64xf32, #tpu.memory_space<hbm>>
        %dma_start3A_494 = arith.constant 0 : i32
        %dma_start3A_495 = arith.constant 0 : i32
        %dma_start3A_496 = tpu.memref_slice %dma_start3A_493[%dma_start3A_494, %dma_start3A_495] : memref<10000x64xf32, #tpu.memory_space<hbm>> -> memref<10000x64xf32, #tpu.memory_space<hbm>>
        tpu.enqueue_indirect_dma source(%dma_start3A_496 : memref<10000x64xf32, #tpu.memory_space<hbm>>) target(%dma_start3A_486 : memref<128x64xf32, #tpu.memory_space<vmem>>) offsets(%dma_start3A_489 : memref<128xi32, #tpu.memory_space<vmem>>) semaphore(%arg13 : memref<!tpu.dma_semaphore, #tpu.memory_space<semaphore_mem>>)
      } else {
      }
      %mul3A_409 = arith.constant 4 : i32
      %mul3A_410 = arith.muli %scan3A_338, %mul3A_409 : i32
      %add3A_411 = arith.constant 2 : i32
      %add3A_412 = arith.addi %mul3A_410, %add3A_411 : i32
      %dma_wait3A_413 = arith.constant 2 : i32
      %dma_wait3A_414 = arith.constant 0 : i32
      %dma_wait3A_415 = arith.constant 0 : i32
      %dma_wait3A_416 = tpu.memref_slice %arg10[%dma_wait3A_413, %dma_wait3A_414, %dma_wait3A_415] : memref<4x128x64xf32, #tpu.memory_space<vmem>> -> memref<1x128x64xf32, #tpu.memory_space<vmem>>
      %dma_wait3A_417 = tpu.memref_squeeze %dma_wait3A_416 : memref<1x128x64xf32, #tpu.memory_space<vmem>> -> memref<128x64xf32, #tpu.memory_space<vmem>>
      %dma_wait3A_418 = arith.constant 0 : i32
      %dma_wait3A_419 = arith.constant 0 : i32
      %dma_wait3A_420 = tpu.memref_slice %arg5[%arg0, %dma_wait3A_418, %dma_wait3A_419] : memref<2x10000x64xf32, #tpu.memory_space<hbm>> -> memref<1x10000x64xf32, #tpu.memory_space<hbm>>
      %dma_wait3A_421 = tpu.memref_squeeze %dma_wait3A_420 : memref<1x10000x64xf32, #tpu.memory_space<hbm>> -> memref<10000x64xf32, #tpu.memory_space<hbm>>
      %dma_wait3A_422 = arith.constant 0 : i32
      %dma_wait3A_423 = arith.constant 0 : i32
      %dma_wait3A_424 = tpu.memref_slice %dma_wait3A_421[%dma_wait3A_422, %dma_wait3A_423] : memref<10000x64xf32, #tpu.memory_space<hbm>> -> memref<128x64xf32, #tpu.memory_space<hbm>>
      %dma_wait3A_425 = arith.constant 0 : i32
      %dma_wait3A_426 = arith.constant 0 : i32
      %dma_wait3A_427 = tpu.memref_slice %arg10[%dma_wait3A_413, %dma_wait3A_425, %dma_wait3A_426] : memref<4x128x64xf32, #tpu.memory_space<vmem>> -> memref<1x128x64xf32, #tpu.memory_space<vmem>>
      %dma_wait3A_428 = tpu.memref_squeeze %dma_wait3A_427 : memref<1x128x64xf32, #tpu.memory_space<vmem>> -> memref<128x64xf32, #tpu.memory_space<vmem>>
      %dma_wait3A_429 = arith.constant 0 : i32
      %dma_wait3A_430 = arith.constant 0 : i32
      %dma_wait3A_431 = tpu.memref_slice %arg5[%arg0, %dma_wait3A_429, %dma_wait3A_430] : memref<2x10000x64xf32, #tpu.memory_space<hbm>> -> memref<1x10000x64xf32, #tpu.memory_space<hbm>>
      %dma_wait3A_432 = tpu.memref_squeeze %dma_wait3A_431 : memref<1x10000x64xf32, #tpu.memory_space<hbm>> -> memref<10000x64xf32, #tpu.memory_space<hbm>>
      %dma_wait3A_433 = arith.constant 0 : i32
      %dma_wait3A_434 = arith.constant 0 : i32
      %dma_wait3A_435 = tpu.memref_slice %dma_wait3A_432[%dma_wait3A_433, %dma_wait3A_434] : memref<10000x64xf32, #tpu.memory_space<hbm>> -> memref<128x64xf32, #tpu.memory_space<hbm>>
      tpu.wait_dma2 semaphore(%arg13 : memref<!tpu.dma_semaphore, #tpu.memory_space<semaphore_mem>>) src(%dma_wait3A_435 : memref<128x64xf32, #tpu.memory_space<hbm>>) dst(%dma_wait3A_428 : memref<128x64xf32, #tpu.memory_space<vmem>>)
      %run_scoped3A_436 = arith.constant 2 : i32
      "tpu.region"() ({
        %run_scoped3A_480 = tpu.sem_alloc : memref<!tpu.dma_semaphore, #tpu.memory_space<semaphore_mem>>
        %dma_start3A_481 = arith.constant 0 : i32
        %dma_start3A_482 = arith.constant 0 : i32
        %dma_start3A_483 = tpu.memref_slice %arg10[%run_scoped3A_436, %dma_start3A_481, %dma_start3A_482] : memref<4x128x64xf32, #tpu.memory_space<vmem>> -> memref<1x128x64xf32, #tpu.memory_space<vmem>>
        %dma_start3A_484 = tpu.memref_squeeze %dma_start3A_483 : memref<1x128x64xf32, #tpu.memory_space<vmem>> -> memref<128x64xf32, #tpu.memory_space<vmem>>
        %dma_start3A_485 = arith.constant 0 : i32
        %dma_start3A_486 = tpu.memref_slice %arg9[%add3A_412, %dma_start3A_485] : memref<157x128xi32, #tpu.memory_space<vmem>> -> memref<1x128xi32, #tpu.memory_space<vmem>>
        %dma_start3A_487 = tpu.memref_squeeze %dma_start3A_486 : memref<1x128xi32, #tpu.memory_space<vmem>> -> memref<128xi32, #tpu.memory_space<vmem>>
        %dma_start3A_488 = arith.constant 0 : i32
        %dma_start3A_489 = arith.constant 0 : i32
        %dma_start3A_490 = tpu.memref_slice %arg12[%dma_start3A_488, %dma_start3A_489] : memref<10000x64xf32, #tpu.memory_space<vmem_shared>> -> memref<10000x64xf32, #tpu.memory_space<vmem_shared>>
        tpu.enqueue_indirect_dma source(%dma_start3A_484 : memref<128x64xf32, #tpu.memory_space<vmem>>) target(%dma_start3A_490 : memref<10000x64xf32, #tpu.memory_space<vmem_shared>>) offsets(%dma_start3A_487 : memref<128xi32, #tpu.memory_space<vmem>>) semaphore(%run_scoped3A_480 : memref<!tpu.dma_semaphore, #tpu.memory_space<semaphore_mem>>) {add = true}
        %dma_wait3A_491 = arith.constant 0 : i32
        %dma_wait3A_492 = arith.constant 0 : i32
        %dma_wait3A_493 = tpu.memref_slice %arg10[%run_scoped3A_436, %dma_wait3A_491, %dma_wait3A_492] : memref<4x128x64xf32, #tpu.memory_space<vmem>> -> memref<1x128x64xf32, #tpu.memory_space<vmem>>
        %dma_wait3A_494 = tpu.memref_squeeze %dma_wait3A_493 : memref<1x128x64xf32, #tpu.memory_space<vmem>> -> memref<128x64xf32, #tpu.memory_space<vmem>>
        %dma_wait3A_495 = arith.constant 0 : i32
        %dma_wait3A_496 = tpu.memref_slice %arg9[%add3A_412, %dma_wait3A_495] : memref<157x128xi32, #tpu.memory_space<vmem>> -> memref<1x128xi32, #tpu.memory_space<vmem>>
        %dma_wait3A_497 = tpu.memref_squeeze %dma_wait3A_496 : memref<1x128xi32, #tpu.memory_space<vmem>> -> memref<128xi32, #tpu.memory_space<vmem>>
        %dma_wait3A_498 = arith.constant 0 : i32
        %dma_wait3A_499 = arith.constant 0 : i32
        %dma_wait3A_500 = tpu.memref_slice %arg12[%dma_wait3A_498, %dma_wait3A_499] : memref<10000x64xf32, #tpu.memory_space<vmem_shared>> -> memref<10000x64xf32, #tpu.memory_space<vmem_shared>>
        tpu.wait_indirect_dma semaphore(%run_scoped3A_480 : memref<!tpu.dma_semaphore, #tpu.memory_space<semaphore_mem>>) src(%dma_wait3A_494 : memref<128x64xf32, #tpu.memory_space<vmem>>) dst(%dma_wait3A_500 : memref<10000x64xf32, #tpu.memory_space<vmem_shared>>)
        tpu.yield
      }) : () -> ()
      %add3A_437 = arith.constant 4 : i32
      %add3A_438 = arith.addi %add3A_412, %add3A_437 : i32
      %lt3A_439 = arith.constant 156 : i32
      %lt3A_440 = arith.cmpi slt, %add3A_438, %lt3A_439 : i32
      %convert_element_type3A_441 = arith.extui %lt3A_440 : i1 to i32
      %cond3A_442 = arith.constant 0 : i32
      %cond3A_443 = arith.cmpi ne, %convert_element_type3A_441, %cond3A_442 : i32
      scf.if %cond3A_443 {
        %add3A_480 = arith.constant 4 : i32
        %add3A_481 = arith.addi %add3A_412, %add3A_480 : i32
        %dma_start3A_482 = arith.constant 2 : i32
        %dma_start3A_483 = arith.constant 0 : i32
        %dma_start3A_484 = arith.constant 0 : i32
        %dma_start3A_485 = tpu.memref_slice %arg10[%dma_start3A_482, %dma_start3A_483, %dma_start3A_484] : memref<4x128x64xf32, #tpu.memory_space<vmem>> -> memref<1x128x64xf32, #tpu.memory_space<vmem>>
        %dma_start3A_486 = tpu.memref_squeeze %dma_start3A_485 : memref<1x128x64xf32, #tpu.memory_space<vmem>> -> memref<128x64xf32, #tpu.memory_space<vmem>>
        %dma_start3A_487 = arith.constant 0 : i32
        %dma_start3A_488 = tpu.memref_slice %arg8[%add3A_481, %dma_start3A_487] : memref<157x128xi32, #tpu.memory_space<vmem>> -> memref<1x128xi32, #tpu.memory_space<vmem>>
        %dma_start3A_489 = tpu.memref_squeeze %dma_start3A_488 : memref<1x128xi32, #tpu.memory_space<vmem>> -> memref<128xi32, #tpu.memory_space<vmem>>
        %dma_start3A_490 = arith.constant 0 : i32
        %dma_start3A_491 = arith.constant 0 : i32
        %dma_start3A_492 = tpu.memref_slice %arg5[%arg0, %dma_start3A_490, %dma_start3A_491] : memref<2x10000x64xf32, #tpu.memory_space<hbm>> -> memref<1x10000x64xf32, #tpu.memory_space<hbm>>
        %dma_start3A_493 = tpu.memref_squeeze %dma_start3A_492 : memref<1x10000x64xf32, #tpu.memory_space<hbm>> -> memref<10000x64xf32, #tpu.memory_space<hbm>>
        %dma_start3A_494 = arith.constant 0 : i32
        %dma_start3A_495 = arith.constant 0 : i32
        %dma_start3A_496 = tpu.memref_slice %dma_start3A_493[%dma_start3A_494, %dma_start3A_495] : memref<10000x64xf32, #tpu.memory_space<hbm>> -> memref<10000x64xf32, #tpu.memory_space<hbm>>
        tpu.enqueue_indirect_dma source(%dma_start3A_496 : memref<10000x64xf32, #tpu.memory_space<hbm>>) target(%dma_start3A_486 : memref<128x64xf32, #tpu.memory_space<vmem>>) offsets(%dma_start3A_489 : memref<128xi32, #tpu.memory_space<vmem>>) semaphore(%arg13 : memref<!tpu.dma_semaphore, #tpu.memory_space<semaphore_mem>>)
      } else {
      }
      %mul3A_444 = arith.constant 4 : i32
      %mul3A_445 = arith.muli %scan3A_338, %mul3A_444 : i32
      %add3A_446 = arith.constant 3 : i32
      %add3A_447 = arith.addi %mul3A_445, %add3A_446 : i32
      %dma_wait3A_448 = arith.constant 3 : i32
      %dma_wait3A_449 = arith.constant 0 : i32
      %dma_wait3A_450 = arith.constant 0 : i32
      %dma_wait3A_451 = tpu.memref_slice %arg10[%dma_wait3A_448, %dma_wait3A_449, %dma_wait3A_450] : memref<4x128x64xf32, #tpu.memory_space<vmem>> -> memref<1x128x64xf32, #tpu.memory_space<vmem>>
      %dma_wait3A_452 = tpu.memref_squeeze %dma_wait3A_451 : memref<1x128x64xf32, #tpu.memory_space<vmem>> -> memref<128x64xf32, #tpu.memory_space<vmem>>
      %dma_wait3A_453 = arith.constant 0 : i32
      %dma_wait3A_454 = arith.constant 0 : i32
      %dma_wait3A_455 = tpu.memref_slice %arg5[%arg0, %dma_wait3A_453, %dma_wait3A_454] : memref<2x10000x64xf32, #tpu.memory_space<hbm>> -> memref<1x10000x64xf32, #tpu.memory_space<hbm>>
      %dma_wait3A_456 = tpu.memref_squeeze %dma_wait3A_455 : memref<1x10000x64xf32, #tpu.memory_space<hbm>> -> memref<10000x64xf32, #tpu.memory_space<hbm>>
      %dma_wait3A_457 = arith.constant 0 : i32
      %dma_wait3A_458 = arith.constant 0 : i32
      %dma_wait3A_459 = tpu.memref_slice %dma_wait3A_456[%dma_wait3A_457, %dma_wait3A_458] : memref<10000x64xf32, #tpu.memory_space<hbm>> -> memref<128x64xf32, #tpu.memory_space<hbm>>
      %dma_wait3A_460 = arith.constant 0 : i32
      %dma_wait3A_461 = arith.constant 0 : i32
      %dma_wait3A_462 = tpu.memref_slice %arg10[%dma_wait3A_448, %dma_wait3A_460, %dma_wait3A_461] : memref<4x128x64xf32, #tpu.memory_space<vmem>> -> memref<1x128x64xf32, #tpu.memory_space<vmem>>
      %dma_wait3A_463 = tpu.memref_squeeze %dma_wait3A_462 : memref<1x128x64xf32, #tpu.memory_space<vmem>> -> memref<128x64xf32, #tpu.memory_space<vmem>>
      %dma_wait3A_464 = arith.constant 0 : i32
      %dma_wait3A_465 = arith.constant 0 : i32
      %dma_wait3A_466 = tpu.memref_slice %arg5[%arg0, %dma_wait3A_464, %dma_wait3A_465] : memref<2x10000x64xf32, #tpu.memory_space<hbm>> -> memref<1x10000x64xf32, #tpu.memory_space<hbm>>
      %dma_wait3A_467 = tpu.memref_squeeze %dma_wait3A_466 : memref<1x10000x64xf32, #tpu.memory_space<hbm>> -> memref<10000x64xf32, #tpu.memory_space<hbm>>
      %dma_wait3A_468 = arith.constant 0 : i32
      %dma_wait3A_469 = arith.constant 0 : i32
      %dma_wait3A_470 = tpu.memref_slice %dma_wait3A_467[%dma_wait3A_468, %dma_wait3A_469] : memref<10000x64xf32, #tpu.memory_space<hbm>> -> memref<128x64xf32, #tpu.memory_space<hbm>>
      tpu.wait_dma2 semaphore(%arg13 : memref<!tpu.dma_semaphore, #tpu.memory_space<semaphore_mem>>) src(%dma_wait3A_470 : memref<128x64xf32, #tpu.memory_space<hbm>>) dst(%dma_wait3A_463 : memref<128x64xf32, #tpu.memory_space<vmem>>)
      %run_scoped3A_471 = arith.constant 3 : i32
      "tpu.region"() ({
        %run_scoped3A_480 = tpu.sem_alloc : memref<!tpu.dma_semaphore, #tpu.memory_space<semaphore_mem>>
        %dma_start3A_481 = arith.constant 0 : i32
        %dma_start3A_482 = arith.constant 0 : i32
        %dma_start3A_483 = tpu.memref_slice %arg10[%run_scoped3A_471, %dma_start3A_481, %dma_start3A_482] : memref<4x128x64xf32, #tpu.memory_space<vmem>> -> memref<1x128x64xf32, #tpu.memory_space<vmem>>
        %dma_start3A_484 = tpu.memref_squeeze %dma_start3A_483 : memref<1x128x64xf32, #tpu.memory_space<vmem>> -> memref<128x64xf32, #tpu.memory_space<vmem>>
        %dma_start3A_485 = arith.constant 0 : i32
        %dma_start3A_486 = tpu.memref_slice %arg9[%add3A_447, %dma_start3A_485] : memref<157x128xi32, #tpu.memory_space<vmem>> -> memref<1x128xi32, #tpu.memory_space<vmem>>
        %dma_start3A_487 = tpu.memref_squeeze %dma_start3A_486 : memref<1x128xi32, #tpu.memory_space<vmem>> -> memref<128xi32, #tpu.memory_space<vmem>>
        %dma_start3A_488 = arith.constant 0 : i32
        %dma_start3A_489 = arith.constant 0 : i32
        %dma_start3A_490 = tpu.memref_slice %arg12[%dma_start3A_488, %dma_start3A_489] : memref<10000x64xf32, #tpu.memory_space<vmem_shared>> -> memref<10000x64xf32, #tpu.memory_space<vmem_shared>>
        tpu.enqueue_indirect_dma source(%dma_start3A_484 : memref<128x64xf32, #tpu.memory_space<vmem>>) target(%dma_start3A_490 : memref<10000x64xf32, #tpu.memory_space<vmem_shared>>) offsets(%dma_start3A_487 : memref<128xi32, #tpu.memory_space<vmem>>) semaphore(%run_scoped3A_480 : memref<!tpu.dma_semaphore, #tpu.memory_space<semaphore_mem>>) {add = true}
        %dma_wait3A_491 = arith.constant 0 : i32
        %dma_wait3A_492 = arith.constant 0 : i32
        %dma_wait3A_493 = tpu.memref_slice %arg10[%run_scoped3A_471, %dma_wait3A_491, %dma_wait3A_492] : memref<4x128x64xf32, #tpu.memory_space<vmem>> -> memref<1x128x64xf32, #tpu.memory_space<vmem>>
        %dma_wait3A_494 = tpu.memref_squeeze %dma_wait3A_493 : memref<1x128x64xf32, #tpu.memory_space<vmem>> -> memref<128x64xf32, #tpu.memory_space<vmem>>
        %dma_wait3A_495 = arith.constant 0 : i32
        %dma_wait3A_496 = tpu.memref_slice %arg9[%add3A_447, %dma_wait3A_495] : memref<157x128xi32, #tpu.memory_space<vmem>> -> memref<1x128xi32, #tpu.memory_space<vmem>>
        %dma_wait3A_497 = tpu.memref_squeeze %dma_wait3A_496 : memref<1x128xi32, #tpu.memory_space<vmem>> -> memref<128xi32, #tpu.memory_space<vmem>>
        %dma_wait3A_498 = arith.constant 0 : i32
        %dma_wait3A_499 = arith.constant 0 : i32
        %dma_wait3A_500 = tpu.memref_slice %arg12[%dma_wait3A_498, %dma_wait3A_499] : memref<10000x64xf32, #tpu.memory_space<vmem_shared>> -> memref<10000x64xf32, #tpu.memory_space<vmem_shared>>
        tpu.wait_indirect_dma semaphore(%run_scoped3A_480 : memref<!tpu.dma_semaphore, #tpu.memory_space<semaphore_mem>>) src(%dma_wait3A_494 : memref<128x64xf32, #tpu.memory_space<vmem>>) dst(%dma_wait3A_500 : memref<10000x64xf32, #tpu.memory_space<vmem_shared>>)
        tpu.yield
      }) : () -> ()
      %add3A_472 = arith.constant 4 : i32
      %add3A_473 = arith.addi %add3A_447, %add3A_472 : i32
      %lt3A_474 = arith.constant 156 : i32
      %lt3A_475 = arith.cmpi slt, %add3A_473, %lt3A_474 : i32
      %convert_element_type3A_476 = arith.extui %lt3A_475 : i1 to i32
      %cond3A_477 = arith.constant 0 : i32
      %cond3A_478 = arith.cmpi ne, %convert_element_type3A_476, %cond3A_477 : i32
      scf.if %cond3A_478 {
        %add3A_480 = arith.constant 4 : i32
        %add3A_481 = arith.addi %add3A_447, %add3A_480 : i32
        %dma_start3A_482 = arith.constant 3 : i32
        %dma_start3A_483 = arith.constant 0 : i32
        %dma_start3A_484 = arith.constant 0 : i32
        %dma_start3A_485 = tpu.memref_slice %arg10[%dma_start3A_482, %dma_start3A_483, %dma_start3A_484] : memref<4x128x64xf32, #tpu.memory_space<vmem>> -> memref<1x128x64xf32, #tpu.memory_space<vmem>>
        %dma_start3A_486 = tpu.memref_squeeze %dma_start3A_485 : memref<1x128x64xf32, #tpu.memory_space<vmem>> -> memref<128x64xf32, #tpu.memory_space<vmem>>
        %dma_start3A_487 = arith.constant 0 : i32
        %dma_start3A_488 = tpu.memref_slice %arg8[%add3A_481, %dma_start3A_487] : memref<157x128xi32, #tpu.memory_space<vmem>> -> memref<1x128xi32, #tpu.memory_space<vmem>>
        %dma_start3A_489 = tpu.memref_squeeze %dma_start3A_488 : memref<1x128xi32, #tpu.memory_space<vmem>> -> memref<128xi32, #tpu.memory_space<vmem>>
        %dma_start3A_490 = arith.constant 0 : i32
        %dma_start3A_491 = arith.constant 0 : i32
        %dma_start3A_492 = tpu.memref_slice %arg5[%arg0, %dma_start3A_490, %dma_start3A_491] : memref<2x10000x64xf32, #tpu.memory_space<hbm>> -> memref<1x10000x64xf32, #tpu.memory_space<hbm>>
        %dma_start3A_493 = tpu.memref_squeeze %dma_start3A_492 : memref<1x10000x64xf32, #tpu.memory_space<hbm>> -> memref<10000x64xf32, #tpu.memory_space<hbm>>
        %dma_start3A_494 = arith.constant 0 : i32
        %dma_start3A_495 = arith.constant 0 : i32
        %dma_start3A_496 = tpu.memref_slice %dma_start3A_493[%dma_start3A_494, %dma_start3A_495] : memref<10000x64xf32, #tpu.memory_space<hbm>> -> memref<10000x64xf32, #tpu.memory_space<hbm>>
        tpu.enqueue_indirect_dma source(%dma_start3A_496 : memref<10000x64xf32, #tpu.memory_space<hbm>>) target(%dma_start3A_486 : memref<128x64xf32, #tpu.memory_space<vmem>>) offsets(%dma_start3A_489 : memref<128xi32, #tpu.memory_space<vmem>>) semaphore(%arg13 : memref<!tpu.dma_semaphore, #tpu.memory_space<semaphore_mem>>)
      } else {
      }
      %scan3A_479 = arith.constant 0 : i32
      scf.yield %scan3A_479 : i32
    }
    %scan3A_242 = arith.constant 39 : i32
    %lt3A_243 = arith.constant 4 : i32
    %lt3A_244 = arith.cmpi slt, %arg1, %lt3A_243 : i32
    %convert_element_type3A_245 = arith.extui %lt3A_244 : i1 to i32
    %cond3A_246 = arith.constant 0 : i32
    %cond3A_247 = arith.cmpi ne, %convert_element_type3A_245, %cond3A_246 : i32
    scf.if %cond3A_247 {
      %dma_start3A_338 = arith.constant 156 : i32
      %dma_start3A_339 = arith.constant 0 : i32
      %dma_start3A_340 = arith.constant 0 : i32
      %dma_start3A_341 = arith.constant 0 : i32
      %dma_start3A_342 = tpu.memref_slice %arg10[%dma_start3A_339, %dma_start3A_340, %dma_start3A_341] : memref<4x128x64xf32, #tpu.memory_space<vmem>> -> memref<1x128x64xf32, #tpu.memory_space<vmem>>
      %dma_start3A_343 = tpu.memref_squeeze %dma_start3A_342 : memref<1x128x64xf32, #tpu.memory_space<vmem>> -> memref<128x64xf32, #tpu.memory_space<vmem>>
      %dma_start3A_344 = arith.constant 0 : i32
      %dma_start3A_345 = tpu.memref_slice %arg8[%dma_start3A_338, %dma_start3A_344] : memref<157x128xi32, #tpu.memory_space<vmem>> -> memref<1x128xi32, #tpu.memory_space<vmem>>
      %dma_start3A_346 = tpu.memref_squeeze %dma_start3A_345 : memref<1x128xi32, #tpu.memory_space<vmem>> -> memref<128xi32, #tpu.memory_space<vmem>>
      %dma_start3A_347 = arith.constant 0 : i32
      %dma_start3A_348 = arith.constant 0 : i32
      %dma_start3A_349 = tpu.memref_slice %arg5[%arg0, %dma_start3A_347, %dma_start3A_348] : memref<2x10000x64xf32, #tpu.memory_space<hbm>> -> memref<1x10000x64xf32, #tpu.memory_space<hbm>>
      %dma_start3A_350 = tpu.memref_squeeze %dma_start3A_349 : memref<1x10000x64xf32, #tpu.memory_space<hbm>> -> memref<10000x64xf32, #tpu.memory_space<hbm>>
      %dma_start3A_351 = arith.constant 0 : i32
      %dma_start3A_352 = arith.constant 0 : i32
      %dma_start3A_353 = tpu.memref_slice %dma_start3A_350[%dma_start3A_351, %dma_start3A_352] : memref<10000x64xf32, #tpu.memory_space<hbm>> -> memref<10000x64xf32, #tpu.memory_space<hbm>>
      tpu.enqueue_indirect_dma source(%dma_start3A_353 : memref<10000x64xf32, #tpu.memory_space<hbm>>) target(%dma_start3A_343 : memref<128x64xf32, #tpu.memory_space<vmem>>) offsets(%dma_start3A_346 : memref<128xi32, #tpu.memory_space<vmem>>) semaphore(%arg13 : memref<!tpu.dma_semaphore, #tpu.memory_space<semaphore_mem>>)
      %dma_wait3A_354 = arith.constant 156 : i32
      %dma_wait3A_355 = arith.constant 0 : i32
      %dma_wait3A_356 = arith.constant 0 : i32
      %dma_wait3A_357 = arith.constant 0 : i32
      %dma_wait3A_358 = tpu.memref_slice %arg10[%dma_wait3A_355, %dma_wait3A_356, %dma_wait3A_357] : memref<4x128x64xf32, #tpu.memory_space<vmem>> -> memref<1x128x64xf32, #tpu.memory_space<vmem>>
      %dma_wait3A_359 = tpu.memref_squeeze %dma_wait3A_358 : memref<1x128x64xf32, #tpu.memory_space<vmem>> -> memref<128x64xf32, #tpu.memory_space<vmem>>
      %dma_wait3A_360 = arith.constant 0 : i32
      %dma_wait3A_361 = tpu.memref_slice %arg8[%dma_wait3A_354, %dma_wait3A_360] : memref<157x128xi32, #tpu.memory_space<vmem>> -> memref<1x128xi32, #tpu.memory_space<vmem>>
      %dma_wait3A_362 = tpu.memref_squeeze %dma_wait3A_361 : memref<1x128xi32, #tpu.memory_space<vmem>> -> memref<128xi32, #tpu.memory_space<vmem>>
      %dma_wait3A_363 = arith.constant 0 : i32
      %dma_wait3A_364 = arith.constant 0 : i32
      %dma_wait3A_365 = tpu.memref_slice %arg5[%arg0, %dma_wait3A_363, %dma_wait3A_364] : memref<2x10000x64xf32, #tpu.memory_space<hbm>> -> memref<1x10000x64xf32, #tpu.memory_space<hbm>>
      %dma_wait3A_366 = tpu.memref_squeeze %dma_wait3A_365 : memref<1x10000x64xf32, #tpu.memory_space<hbm>> -> memref<10000x64xf32, #tpu.memory_space<hbm>>
      %dma_wait3A_367 = arith.constant 0 : i32
      %dma_wait3A_368 = arith.constant 0 : i32
      %dma_wait3A_369 = tpu.memref_slice %dma_wait3A_366[%dma_wait3A_367, %dma_wait3A_368] : memref<10000x64xf32, #tpu.memory_space<hbm>> -> memref<10000x64xf32, #tpu.memory_space<hbm>>
      tpu.wait_indirect_dma semaphore(%arg13 : memref<!tpu.dma_semaphore, #tpu.memory_space<semaphore_mem>>) src(%dma_wait3A_369 : memref<10000x64xf32, #tpu.memory_space<hbm>>) dst(%dma_wait3A_359 : memref<128x64xf32, #tpu.memory_space<vmem>>)
      %run_scoped3A = arith.constant 0 : i32
      %run_scoped3A_370 = arith.constant 156 : i32
      "tpu.region"() ({
        %run_scoped3A_371 = tpu.sem_alloc : memref<!tpu.dma_semaphore, #tpu.memory_space<semaphore_mem>>
        %dma_start3A_372 = arith.constant 0 : i32
        %dma_start3A_373 = arith.constant 0 : i32
        %dma_start3A_374 = tpu.memref_slice %arg10[%run_scoped3A, %dma_start3A_372, %dma_start3A_373] : memref<4x128x64xf32, #tpu.memory_space<vmem>> -> memref<1x128x64xf32, #tpu.memory_space<vmem>>
        %dma_start3A_375 = tpu.memref_squeeze %dma_start3A_374 : memref<1x128x64xf32, #tpu.memory_space<vmem>> -> memref<128x64xf32, #tpu.memory_space<vmem>>
        %dma_start3A_376 = arith.constant 0 : i32
        %dma_start3A_377 = tpu.memref_slice %arg9[%run_scoped3A_370, %dma_start3A_376] : memref<157x128xi32, #tpu.memory_space<vmem>> -> memref<1x128xi32, #tpu.memory_space<vmem>>
        %dma_start3A_378 = tpu.memref_squeeze %dma_start3A_377 : memref<1x128xi32, #tpu.memory_space<vmem>> -> memref<128xi32, #tpu.memory_space<vmem>>
        %dma_start3A_379 = arith.constant 0 : i32
        %dma_start3A_380 = arith.constant 0 : i32
        %dma_start3A_381 = tpu.memref_slice %arg12[%dma_start3A_379, %dma_start3A_380] : memref<10000x64xf32, #tpu.memory_space<vmem_shared>> -> memref<10000x64xf32, #tpu.memory_space<vmem_shared>>
        tpu.enqueue_indirect_dma source(%dma_start3A_375 : memref<128x64xf32, #tpu.memory_space<vmem>>) target(%dma_start3A_381 : memref<10000x64xf32, #tpu.memory_space<vmem_shared>>) offsets(%dma_start3A_378 : memref<128xi32, #tpu.memory_space<vmem>>) semaphore(%run_scoped3A_371 : memref<!tpu.dma_semaphore, #tpu.memory_space<semaphore_mem>>) {add = true}
        %dma_wait3A_382 = arith.constant 0 : i32
        %dma_wait3A_383 = arith.constant 0 : i32
        %dma_wait3A_384 = tpu.memref_slice %arg10[%run_scoped3A, %dma_wait3A_382, %dma_wait3A_383] : memref<4x128x64xf32, #tpu.memory_space<vmem>> -> memref<1x128x64xf32, #tpu.memory_space<vmem>>
        %dma_wait3A_385 = tpu.memref_squeeze %dma_wait3A_384 : memref<1x128x64xf32, #tpu.memory_space<vmem>> -> memref<128x64xf32, #tpu.memory_space<vmem>>
        %dma_wait3A_386 = arith.constant 0 : i32
        %dma_wait3A_387 = tpu.memref_slice %arg9[%run_scoped3A_370, %dma_wait3A_386] : memref<157x128xi32, #tpu.memory_space<vmem>> -> memref<1x128xi32, #tpu.memory_space<vmem>>
        %dma_wait3A_388 = tpu.memref_squeeze %dma_wait3A_387 : memref<1x128xi32, #tpu.memory_space<vmem>> -> memref<128xi32, #tpu.memory_space<vmem>>
        %dma_wait3A_389 = arith.constant 0 : i32
        %dma_wait3A_390 = arith.constant 0 : i32
        %dma_wait3A_391 = tpu.memref_slice %arg12[%dma_wait3A_389, %dma_wait3A_390] : memref<10000x64xf32, #tpu.memory_space<vmem_shared>> -> memref<10000x64xf32, #tpu.memory_space<vmem_shared>>
        tpu.wait_indirect_dma semaphore(%run_scoped3A_371 : memref<!tpu.dma_semaphore, #tpu.memory_space<semaphore_mem>>) src(%dma_wait3A_385 : memref<128x64xf32, #tpu.memory_space<vmem>>) dst(%dma_wait3A_391 : memref<10000x64xf32, #tpu.memory_space<vmem_shared>>)
        tpu.yield
      }) : () -> ()
    } else {
    }
    %barrier3A_248 = arith.constant 0 : index
    tpu.barrier barrier_id(%barrier3A_248)
    "tpu.region"() ({
      %run_scoped3A = tpu.sem_alloc : memref<!tpu.dma_semaphore, #tpu.memory_space<semaphore_mem>>
      %dma_start3A_338 = arith.constant 0 : i32
      %dma_start3A_339 = tpu.memref_slice %arg6[%arg0, %mul3A_2, %dma_start3A_338] : memref<2x10000x64xf32, #tpu.memory_space<hbm>> -> memref<1x625x64xf32, #tpu.memory_space<hbm>>
      %dma_start3A_340 = tpu.memref_squeeze %dma_start3A_339 : memref<1x625x64xf32, #tpu.memory_space<hbm>> -> memref<625x64xf32, #tpu.memory_space<hbm>>
      %dma_start3A_341 = arith.constant 0 : i32
      %dma_start3A_342 = tpu.memref_slice %arg12[%mul3A_2, %dma_start3A_341] : memref<10000x64xf32, #tpu.memory_space<vmem_shared>> -> memref<625x64xf32, #tpu.memory_space<vmem_shared>>
      tpu.enqueue_dma source(%dma_start3A_342 : memref<625x64xf32, #tpu.memory_space<vmem_shared>>) target(%dma_start3A_340 : memref<625x64xf32, #tpu.memory_space<hbm>>) target_semaphore(%run_scoped3A : memref<!tpu.dma_semaphore, #tpu.memory_space<semaphore_mem>>)
      %dma_wait3A_343 = arith.constant 0 : i32
      %dma_wait3A_344 = tpu.memref_slice %arg6[%arg0, %mul3A_2, %dma_wait3A_343] : memref<2x10000x64xf32, #tpu.memory_space<hbm>> -> memref<1x625x64xf32, #tpu.memory_space<hbm>>
      %dma_wait3A_345 = tpu.memref_squeeze %dma_wait3A_344 : memref<1x625x64xf32, #tpu.memory_space<hbm>> -> memref<625x64xf32, #tpu.memory_space<hbm>>
      %dma_wait3A_346 = arith.constant 0 : i32
      %dma_wait3A_347 = tpu.memref_slice %arg12[%mul3A_2, %dma_wait3A_346] : memref<10000x64xf32, #tpu.memory_space<vmem_shared>> -> memref<625x64xf32, #tpu.memory_space<vmem_shared>>
      tpu.wait_dma2 semaphore(%run_scoped3A : memref<!tpu.dma_semaphore, #tpu.memory_space<semaphore_mem>>) src(%dma_wait3A_347 : memref<625x64xf32, #tpu.memory_space<vmem_shared>>) dst(%dma_wait3A_345 : memref<625x64xf32, #tpu.memory_space<hbm>>)
      tpu.yield
    }) : () -> ()
    %add3A_249 = arith.constant 0 : i32
    %add3A_250 = arith.addi %mul3A_2, %add3A_249 : i32
    "tpu.region"() ({
      %run_scoped3A = tpu.sem_alloc : memref<!tpu.dma_semaphore, #tpu.memory_space<semaphore_mem>>
      %dma_start3A_338 = arith.constant 0 : i32
      %dma_start3A_339 = tpu.memref_slice %arg12[%add3A_250, %dma_start3A_338] : memref<10000x64xf32, #tpu.memory_space<vmem_shared>> -> memref<125x64xf32, #tpu.memory_space<vmem_shared>>
      %dma_start3A_340 = arith.constant 0 : i32
      %dma_start3A_341 = tpu.memref_slice %arg12[%add3A_250, %dma_start3A_340] : memref<10000x64xf32, #tpu.memory_space<vmem_shared>> -> memref<125x64xf32, #tpu.memory_space<vmem_shared>>
      tpu.enqueue_dma source(%arg11 : memref<125x64xf32, #tpu.memory_space<vmem>>) target(%dma_start3A_341 : memref<125x64xf32, #tpu.memory_space<vmem_shared>>) target_semaphore(%run_scoped3A : memref<!tpu.dma_semaphore, #tpu.memory_space<semaphore_mem>>)
      %dma_wait3A_342 = arith.constant 0 : i32
      %dma_wait3A_343 = tpu.memref_slice %arg12[%add3A_250, %dma_wait3A_342] : memref<10000x64xf32, #tpu.memory_space<vmem_shared>> -> memref<125x64xf32, #tpu.memory_space<vmem_shared>>
      %dma_wait3A_344 = arith.constant 0 : i32
      %dma_wait3A_345 = tpu.memref_slice %arg12[%add3A_250, %dma_wait3A_344] : memref<10000x64xf32, #tpu.memory_space<vmem_shared>> -> memref<125x64xf32, #tpu.memory_space<vmem_shared>>
      tpu.wait_dma2 semaphore(%run_scoped3A : memref<!tpu.dma_semaphore, #tpu.memory_space<semaphore_mem>>) src(%arg11 : memref<125x64xf32, #tpu.memory_space<vmem>>) dst(%dma_wait3A_345 : memref<125x64xf32, #tpu.memory_space<vmem_shared>>)
      tpu.yield
    }) : () -> ()
    %add3A_251 = arith.constant 125 : i32
    %add3A_252 = arith.addi %mul3A_2, %add3A_251 : i32
    "tpu.region"() ({
      %run_scoped3A = tpu.sem_alloc : memref<!tpu.dma_semaphore, #tpu.memory_space<semaphore_mem>>
      %dma_start3A_338 = arith.constant 0 : i32
      %dma_start3A_339 = tpu.memref_slice %arg12[%add3A_252, %dma_start3A_338] : memref<10000x64xf32, #tpu.memory_space<vmem_shared>> -> memref<125x64xf32, #tpu.memory_space<vmem_shared>>
      %dma_start3A_340 = arith.constant 0 : i32
      %dma_start3A_341 = tpu.memref_slice %arg12[%add3A_252, %dma_start3A_340] : memref<10000x64xf32, #tpu.memory_space<vmem_shared>> -> memref<125x64xf32, #tpu.memory_space<vmem_shared>>
      tpu.enqueue_dma source(%arg11 : memref<125x64xf32, #tpu.memory_space<vmem>>) target(%dma_start3A_341 : memref<125x64xf32, #tpu.memory_space<vmem_shared>>) target_semaphore(%run_scoped3A : memref<!tpu.dma_semaphore, #tpu.memory_space<semaphore_mem>>)
      %dma_wait3A_342 = arith.constant 0 : i32
      %dma_wait3A_343 = tpu.memref_slice %arg12[%add3A_252, %dma_wait3A_342] : memref<10000x64xf32, #tpu.memory_space<vmem_shared>> -> memref<125x64xf32, #tpu.memory_space<vmem_shared>>
      %dma_wait3A_344 = arith.constant 0 : i32
      %dma_wait3A_345 = tpu.memref_slice %arg12[%add3A_252, %dma_wait3A_344] : memref<10000x64xf32, #tpu.memory_space<vmem_shared>> -> memref<125x64xf32, #tpu.memory_space<vmem_shared>>
      tpu.wait_dma2 semaphore(%run_scoped3A : memref<!tpu.dma_semaphore, #tpu.memory_space<semaphore_mem>>) src(%arg11 : memref<125x64xf32, #tpu.memory_space<vmem>>) dst(%dma_wait3A_345 : memref<125x64xf32, #tpu.memory_space<vmem_shared>>)
      tpu.yield
    }) : () -> ()
    %add3A_253 = arith.constant 250 : i32
    %add3A_254 = arith.addi %mul3A_2, %add3A_253 : i32
    "tpu.region"() ({
      %run_scoped3A = tpu.sem_alloc : memref<!tpu.dma_semaphore, #tpu.memory_space<semaphore_mem>>
      %dma_start3A_338 = arith.constant 0 : i32
      %dma_start3A_339 = tpu.memref_slice %arg12[%add3A_254, %dma_start3A_338] : memref<10000x64xf32, #tpu.memory_space<vmem_shared>> -> memref<125x64xf32, #tpu.memory_space<vmem_shared>>
      %dma_start3A_340 = arith.constant 0 : i32
      %dma_start3A_341 = tpu.memref_slice %arg12[%add3A_254, %dma_start3A_340] : memref<10000x64xf32, #tpu.memory_space<vmem_shared>> -> memref<125x64xf32, #tpu.memory_space<vmem_shared>>
      tpu.enqueue_dma source(%arg11 : memref<125x64xf32, #tpu.memory_space<vmem>>) target(%dma_start3A_341 : memref<125x64xf32, #tpu.memory_space<vmem_shared>>) target_semaphore(%run_scoped3A : memref<!tpu.dma_semaphore, #tpu.memory_space<semaphore_mem>>)
      %dma_wait3A_342 = arith.constant 0 : i32
      %dma_wait3A_343 = tpu.memref_slice %arg12[%add3A_254, %dma_wait3A_342] : memref<10000x64xf32, #tpu.memory_space<vmem_shared>> -> memref<125x64xf32, #tpu.memory_space<vmem_shared>>
      %dma_wait3A_344 = arith.constant 0 : i32
      %dma_wait3A_345 = tpu.memref_slice %arg12[%add3A_254, %dma_wait3A_344] : memref<10000x64xf32, #tpu.memory_space<vmem_shared>> -> memref<125x64xf32, #tpu.memory_space<vmem_shared>>
      tpu.wait_dma2 semaphore(%run_scoped3A : memref<!tpu.dma_semaphore, #tpu.memory_space<semaphore_mem>>) src(%arg11 : memref<125x64xf32, #tpu.memory_space<vmem>>) dst(%dma_wait3A_345 : memref<125x64xf32, #tpu.memory_space<vmem_shared>>)
      tpu.yield
    }) : () -> ()
    %add3A_255 = arith.constant 375 : i32
    %add3A_256 = arith.addi %mul3A_2, %add3A_255 : i32
    "tpu.region"() ({
      %run_scoped3A = tpu.sem_alloc : memref<!tpu.dma_semaphore, #tpu.memory_space<semaphore_mem>>
      %dma_start3A_338 = arith.constant 0 : i32
      %dma_start3A_339 = tpu.memref_slice %arg12[%add3A_256, %dma_start3A_338] : memref<10000x64xf32, #tpu.memory_space<vmem_shared>> -> memref<125x64xf32, #tpu.memory_space<vmem_shared>>
      %dma_start3A_340 = arith.constant 0 : i32
      %dma_start3A_341 = tpu.memref_slice %arg12[%add3A_256, %dma_start3A_340] : memref<10000x64xf32, #tpu.memory_space<vmem_shared>> -> memref<125x64xf32, #tpu.memory_space<vmem_shared>>
      tpu.enqueue_dma source(%arg11 : memref<125x64xf32, #tpu.memory_space<vmem>>) target(%dma_start3A_341 : memref<125x64xf32, #tpu.memory_space<vmem_shared>>) target_semaphore(%run_scoped3A : memref<!tpu.dma_semaphore, #tpu.memory_space<semaphore_mem>>)
      %dma_wait3A_342 = arith.constant 0 : i32
      %dma_wait3A_343 = tpu.memref_slice %arg12[%add3A_256, %dma_wait3A_342] : memref<10000x64xf32, #tpu.memory_space<vmem_shared>> -> memref<125x64xf32, #tpu.memory_space<vmem_shared>>
      %dma_wait3A_344 = arith.constant 0 : i32
      %dma_wait3A_345 = tpu.memref_slice %arg12[%add3A_256, %dma_wait3A_344] : memref<10000x64xf32, #tpu.memory_space<vmem_shared>> -> memref<125x64xf32, #tpu.memory_space<vmem_shared>>
      tpu.wait_dma2 semaphore(%run_scoped3A : memref<!tpu.dma_semaphore, #tpu.memory_space<semaphore_mem>>) src(%arg11 : memref<125x64xf32, #tpu.memory_space<vmem>>) dst(%dma_wait3A_345 : memref<125x64xf32, #tpu.memory_space<vmem_shared>>)
      tpu.yield
    }) : () -> ()
    %add3A_257 = arith.constant 500 : i32
    %add3A_258 = arith.addi %mul3A_2, %add3A_257 : i32
    "tpu.region"() ({
      %run_scoped3A = tpu.sem_alloc : memref<!tpu.dma_semaphore, #tpu.memory_space<semaphore_mem>>
      %dma_start3A_338 = arith.constant 0 : i32
      %dma_start3A_339 = tpu.memref_slice %arg12[%add3A_258, %dma_start3A_338] : memref<10000x64xf32, #tpu.memory_space<vmem_shared>> -> memref<125x64xf32, #tpu.memory_space<vmem_shared>>
      %dma_start3A_340 = arith.constant 0 : i32
      %dma_start3A_341 = tpu.memref_slice %arg12[%add3A_258, %dma_start3A_340] : memref<10000x64xf32, #tpu.memory_space<vmem_shared>> -> memref<125x64xf32, #tpu.memory_space<vmem_shared>>
      tpu.enqueue_dma source(%arg11 : memref<125x64xf32, #tpu.memory_space<vmem>>) target(%dma_start3A_341 : memref<125x64xf32, #tpu.memory_space<vmem_shared>>) target_semaphore(%run_scoped3A : memref<!tpu.dma_semaphore, #tpu.memory_space<semaphore_mem>>)
      %dma_wait3A_342 = arith.constant 0 : i32
      %dma_wait3A_343 = tpu.memref_slice %arg12[%add3A_258, %dma_wait3A_342] : memref<10000x64xf32, #tpu.memory_space<vmem_shared>> -> memref<125x64xf32, #tpu.memory_space<vmem_shared>>
      %dma_wait3A_344 = arith.constant 0 : i32
      %dma_wait3A_345 = tpu.memref_slice %arg12[%add3A_258, %dma_wait3A_344] : memref<10000x64xf32, #tpu.memory_space<vmem_shared>> -> memref<125x64xf32, #tpu.memory_space<vmem_shared>>
      tpu.wait_dma2 semaphore(%run_scoped3A : memref<!tpu.dma_semaphore, #tpu.memory_space<semaphore_mem>>) src(%arg11 : memref<125x64xf32, #tpu.memory_space<vmem>>) dst(%dma_wait3A_345 : memref<125x64xf32, #tpu.memory_space<vmem_shared>>)
      tpu.yield
    }) : () -> ()
    %barrier3A_259 = arith.constant 0 : index
    tpu.barrier barrier_id(%barrier3A_259)
    %dma_start3A_260 = arith.constant 0 : i32
    %dma_start3A_261 = arith.constant 0 : i32
    %dma_start3A_262 = arith.constant 0 : i32
    %dma_start3A_263 = arith.constant 0 : i32
    %dma_start3A_264 = tpu.memref_slice %arg10[%dma_start3A_261, %dma_start3A_262, %dma_start3A_263] : memref<4x128x64xf32, #tpu.memory_space<vmem>> -> memref<1x128x64xf32, #tpu.memory_space<vmem>>
    %dma_start3A_265 = tpu.memref_squeeze %dma_start3A_264 : memref<1x128x64xf32, #tpu.memory_space<vmem>> -> memref<128x64xf32, #tpu.memory_space<vmem>>
    %dma_start3A_266 = arith.constant 0 : i32
    %dma_start3A_267 = tpu.memref_slice %arg8[%dma_start3A_260, %dma_start3A_266] : memref<157x128xi32, #tpu.memory_space<vmem>> -> memref<1x128xi32, #tpu.memory_space<vmem>>
    %dma_start3A_268 = tpu.memref_squeeze %dma_start3A_267 : memref<1x128xi32, #tpu.memory_space<vmem>> -> memref<128xi32, #tpu.memory_space<vmem>>
    %dma_start3A_269 = arith.constant 0 : i32
    %dma_start3A_270 = arith.constant 0 : i32
    %dma_start3A_271 = tpu.memref_slice %arg6[%arg0, %dma_start3A_269, %dma_start3A_270] : memref<2x10000x64xf32, #tpu.memory_space<hbm>> -> memref<1x10000x64xf32, #tpu.memory_space<hbm>>
    %dma_start3A_272 = tpu.memref_squeeze %dma_start3A_271 : memref<1x10000x64xf32, #tpu.memory_space<hbm>> -> memref<10000x64xf32, #tpu.memory_space<hbm>>
    %dma_start3A_273 = arith.constant 0 : i32
    %dma_start3A_274 = arith.constant 0 : i32
    %dma_start3A_275 = tpu.memref_slice %dma_start3A_272[%dma_start3A_273, %dma_start3A_274] : memref<10000x64xf32, #tpu.memory_space<hbm>> -> memref<10000x64xf32, #tpu.memory_space<hbm>>
    tpu.enqueue_indirect_dma source(%dma_start3A_275 : memref<10000x64xf32, #tpu.memory_space<hbm>>) target(%dma_start3A_265 : memref<128x64xf32, #tpu.memory_space<vmem>>) offsets(%dma_start3A_268 : memref<128xi32, #tpu.memory_space<vmem>>) semaphore(%arg13 : memref<!tpu.dma_semaphore, #tpu.memory_space<semaphore_mem>>)
    %dma_start3A_276 = arith.constant 1 : i32
    %dma_start3A_277 = arith.constant 1 : i32
    %dma_start3A_278 = arith.constant 0 : i32
    %dma_start3A_279 = arith.constant 0 : i32
    %dma_start3A_280 = tpu.memref_slice %arg10[%dma_start3A_277, %dma_start3A_278, %dma_start3A_279] : memref<4x128x64xf32, #tpu.memory_space<vmem>> -> memref<1x128x64xf32, #tpu.memory_space<vmem>>
    %dma_start3A_281 = tpu.memref_squeeze %dma_start3A_280 : memref<1x128x64xf32, #tpu.memory_space<vmem>> -> memref<128x64xf32, #tpu.memory_space<vmem>>
    %dma_start3A_282 = arith.constant 0 : i32
    %dma_start3A_283 = tpu.memref_slice %arg8[%dma_start3A_276, %dma_start3A_282] : memref<157x128xi32, #tpu.memory_space<vmem>> -> memref<1x128xi32, #tpu.memory_space<vmem>>
    %dma_start3A_284 = tpu.memref_squeeze %dma_start3A_283 : memref<1x128xi32, #tpu.memory_space<vmem>> -> memref<128xi32, #tpu.memory_space<vmem>>
    %dma_start3A_285 = arith.constant 0 : i32
    %dma_start3A_286 = arith.constant 0 : i32
    %dma_start3A_287 = tpu.memref_slice %arg6[%arg0, %dma_start3A_285, %dma_start3A_286] : memref<2x10000x64xf32, #tpu.memory_space<hbm>> -> memref<1x10000x64xf32, #tpu.memory_space<hbm>>
    %dma_start3A_288 = tpu.memref_squeeze %dma_start3A_287 : memref<1x10000x64xf32, #tpu.memory_space<hbm>> -> memref<10000x64xf32, #tpu.memory_space<hbm>>
    %dma_start3A_289 = arith.constant 0 : i32
    %dma_start3A_290 = arith.constant 0 : i32
    %dma_start3A_291 = tpu.memref_slice %dma_start3A_288[%dma_start3A_289, %dma_start3A_290] : memref<10000x64xf32, #tpu.memory_space<hbm>> -> memref<10000x64xf32, #tpu.memory_space<hbm>>
    tpu.enqueue_indirect_dma source(%dma_start3A_291 : memref<10000x64xf32, #tpu.memory_space<hbm>>) target(%dma_start3A_281 : memref<128x64xf32, #tpu.memory_space<vmem>>) offsets(%dma_start3A_284 : memref<128xi32, #tpu.memory_space<vmem>>) semaphore(%arg13 : memref<!tpu.dma_semaphore, #tpu.memory_space<semaphore_mem>>)
    %dma_start3A_292 = arith.constant 2 : i32
    %dma_start3A_293 = arith.constant 2 : i32
    %dma_start3A_294 = arith.constant 0 : i32
    %dma_start3A_295 = arith.constant 0 : i32
    %dma_start3A_296 = tpu.memref_slice %arg10[%dma_start3A_293, %dma_start3A_294, %dma_start3A_295] : memref<4x128x64xf32, #tpu.memory_space<vmem>> -> memref<1x128x64xf32, #tpu.memory_space<vmem>>
    %dma_start3A_297 = tpu.memref_squeeze %dma_start3A_296 : memref<1x128x64xf32, #tpu.memory_space<vmem>> -> memref<128x64xf32, #tpu.memory_space<vmem>>
    %dma_start3A_298 = arith.constant 0 : i32
    %dma_start3A_299 = tpu.memref_slice %arg8[%dma_start3A_292, %dma_start3A_298] : memref<157x128xi32, #tpu.memory_space<vmem>> -> memref<1x128xi32, #tpu.memory_space<vmem>>
    %dma_start3A_300 = tpu.memref_squeeze %dma_start3A_299 : memref<1x128xi32, #tpu.memory_space<vmem>> -> memref<128xi32, #tpu.memory_space<vmem>>
    %dma_start3A_301 = arith.constant 0 : i32
    %dma_start3A_302 = arith.constant 0 : i32
    %dma_start3A_303 = tpu.memref_slice %arg6[%arg0, %dma_start3A_301, %dma_start3A_302] : memref<2x10000x64xf32, #tpu.memory_space<hbm>> -> memref<1x10000x64xf32, #tpu.memory_space<hbm>>
    %dma_start3A_304 = tpu.memref_squeeze %dma_start3A_303 : memref<1x10000x64xf32, #tpu.memory_space<hbm>> -> memref<10000x64xf32, #tpu.memory_space<hbm>>
    %dma_start3A_305 = arith.constant 0 : i32
    %dma_start3A_306 = arith.constant 0 : i32
    %dma_start3A_307 = tpu.memref_slice %dma_start3A_304[%dma_start3A_305, %dma_start3A_306] : memref<10000x64xf32, #tpu.memory_space<hbm>> -> memref<10000x64xf32, #tpu.memory_space<hbm>>
    tpu.enqueue_indirect_dma source(%dma_start3A_307 : memref<10000x64xf32, #tpu.memory_space<hbm>>) target(%dma_start3A_297 : memref<128x64xf32, #tpu.memory_space<vmem>>) offsets(%dma_start3A_300 : memref<128xi32, #tpu.memory_space<vmem>>) semaphore(%arg13 : memref<!tpu.dma_semaphore, #tpu.memory_space<semaphore_mem>>)
    %dma_start3A_308 = arith.constant 3 : i32
    %dma_start3A_309 = arith.constant 3 : i32
    %dma_start3A_310 = arith.constant 0 : i32
    %dma_start3A_311 = arith.constant 0 : i32
    %dma_start3A_312 = tpu.memref_slice %arg10[%dma_start3A_309, %dma_start3A_310, %dma_start3A_311] : memref<4x128x64xf32, #tpu.memory_space<vmem>> -> memref<1x128x64xf32, #tpu.memory_space<vmem>>
    %dma_start3A_313 = tpu.memref_squeeze %dma_start3A_312 : memref<1x128x64xf32, #tpu.memory_space<vmem>> -> memref<128x64xf32, #tpu.memory_space<vmem>>
    %dma_start3A_314 = arith.constant 0 : i32
    %dma_start3A_315 = tpu.memref_slice %arg8[%dma_start3A_308, %dma_start3A_314] : memref<157x128xi32, #tpu.memory_space<vmem>> -> memref<1x128xi32, #tpu.memory_space<vmem>>
    %dma_start3A_316 = tpu.memref_squeeze %dma_start3A_315 : memref<1x128xi32, #tpu.memory_space<vmem>> -> memref<128xi32, #tpu.memory_space<vmem>>
    %dma_start3A_317 = arith.constant 0 : i32
    %dma_start3A_318 = arith.constant 0 : i32
    %dma_start3A_319 = tpu.memref_slice %arg6[%arg0, %dma_start3A_317, %dma_start3A_318] : memref<2x10000x64xf32, #tpu.memory_space<hbm>> -> memref<1x10000x64xf32, #tpu.memory_space<hbm>>
    %dma_start3A_320 = tpu.memref_squeeze %dma_start3A_319 : memref<1x10000x64xf32, #tpu.memory_space<hbm>> -> memref<10000x64xf32, #tpu.memory_space<hbm>>
    %dma_start3A_321 = arith.constant 0 : i32
    %dma_start3A_322 = arith.constant 0 : i32
    %dma_start3A_323 = tpu.memref_slice %dma_start3A_320[%dma_start3A_321, %dma_start3A_322] : memref<10000x64xf32, #tpu.memory_space<hbm>> -> memref<10000x64xf32, #tpu.memory_space<hbm>>
    tpu.enqueue_indirect_dma source(%dma_start3A_323 : memref<10000x64xf32, #tpu.memory_space<hbm>>) target(%dma_start3A_313 : memref<128x64xf32, #tpu.memory_space<vmem>>) offsets(%dma_start3A_316 : memref<128xi32, #tpu.memory_space<vmem>>) semaphore(%arg13 : memref<!tpu.dma_semaphore, #tpu.memory_space<semaphore_mem>>)
    %scan3A_324 = arith.constant 0 : i32
    %scan3A_325 = arith.constant 0 : i32
    %scan3A_326 = arith.constant 39 : i32
    %scan3A_327 = arith.addi %scan3A_325, %scan3A_326 : i32
    %scan3A_328 = arith.constant 1 : i32
    %scan3A_329 = scf.for %scan3A_338 = %scan3A_325 to %scan3A_327 step %scan3A_328 iter_args(%scan3A_339 = %scan3A_324) -> (i32)  : i32 {
      %mul3A_340 = arith.constant 4 : i32
      %mul3A_341 = arith.muli %scan3A_338, %mul3A_340 : i32
      %add3A_342 = arith.constant 0 : i32
      %add3A_343 = arith.addi %mul3A_341, %add3A_342 : i32
      %dma_wait3A_344 = arith.constant 0 : i32
      %dma_wait3A_345 = arith.constant 0 : i32
      %dma_wait3A_346 = arith.constant 0 : i32
      %dma_wait3A_347 = tpu.memref_slice %arg10[%dma_wait3A_344, %dma_wait3A_345, %dma_wait3A_346] : memref<4x128x64xf32, #tpu.memory_space<vmem>> -> memref<1x128x64xf32, #tpu.memory_space<vmem>>
      %dma_wait3A_348 = tpu.memref_squeeze %dma_wait3A_347 : memref<1x128x64xf32, #tpu.memory_space<vmem>> -> memref<128x64xf32, #tpu.memory_space<vmem>>
      %dma_wait3A_349 = arith.constant 0 : i32
      %dma_wait3A_350 = arith.constant 0 : i32
      %dma_wait3A_351 = tpu.memref_slice %arg6[%arg0, %dma_wait3A_349, %dma_wait3A_350] : memref<2x10000x64xf32, #tpu.memory_space<hbm>> -> memref<1x10000x64xf32, #tpu.memory_space<hbm>>
      %dma_wait3A_352 = tpu.memref_squeeze %dma_wait3A_351 : memref<1x10000x64xf32, #tpu.memory_space<hbm>> -> memref<10000x64xf32, #tpu.memory_space<hbm>>
      %dma_wait3A_353 = arith.constant 0 : i32
      %dma_wait3A_354 = arith.constant 0 : i32
      %dma_wait3A_355 = tpu.memref_slice %dma_wait3A_352[%dma_wait3A_353, %dma_wait3A_354] : memref<10000x64xf32, #tpu.memory_space<hbm>> -> memref<128x64xf32, #tpu.memory_space<hbm>>
      %dma_wait3A_356 = arith.constant 0 : i32
      %dma_wait3A_357 = arith.constant 0 : i32
      %dma_wait3A_358 = tpu.memref_slice %arg10[%dma_wait3A_344, %dma_wait3A_356, %dma_wait3A_357] : memref<4x128x64xf32, #tpu.memory_space<vmem>> -> memref<1x128x64xf32, #tpu.memory_space<vmem>>
      %dma_wait3A_359 = tpu.memref_squeeze %dma_wait3A_358 : memref<1x128x64xf32, #tpu.memory_space<vmem>> -> memref<128x64xf32, #tpu.memory_space<vmem>>
      %dma_wait3A_360 = arith.constant 0 : i32
      %dma_wait3A_361 = arith.constant 0 : i32
      %dma_wait3A_362 = tpu.memref_slice %arg6[%arg0, %dma_wait3A_360, %dma_wait3A_361] : memref<2x10000x64xf32, #tpu.memory_space<hbm>> -> memref<1x10000x64xf32, #tpu.memory_space<hbm>>
      %dma_wait3A_363 = tpu.memref_squeeze %dma_wait3A_362 : memref<1x10000x64xf32, #tpu.memory_space<hbm>> -> memref<10000x64xf32, #tpu.memory_space<hbm>>
      %dma_wait3A_364 = arith.constant 0 : i32
      %dma_wait3A_365 = arith.constant 0 : i32
      %dma_wait3A_366 = tpu.memref_slice %dma_wait3A_363[%dma_wait3A_364, %dma_wait3A_365] : memref<10000x64xf32, #tpu.memory_space<hbm>> -> memref<128x64xf32, #tpu.memory_space<hbm>>
      tpu.wait_dma2 semaphore(%arg13 : memref<!tpu.dma_semaphore, #tpu.memory_space<semaphore_mem>>) src(%dma_wait3A_366 : memref<128x64xf32, #tpu.memory_space<hbm>>) dst(%dma_wait3A_359 : memref<128x64xf32, #tpu.memory_space<vmem>>)
      %run_scoped3A = arith.constant 0 : i32
      "tpu.region"() ({
        %run_scoped3A_480 = tpu.sem_alloc : memref<!tpu.dma_semaphore, #tpu.memory_space<semaphore_mem>>
        %dma_start3A_481 = arith.constant 0 : i32
        %dma_start3A_482 = arith.constant 0 : i32
        %dma_start3A_483 = tpu.memref_slice %arg10[%run_scoped3A, %dma_start3A_481, %dma_start3A_482] : memref<4x128x64xf32, #tpu.memory_space<vmem>> -> memref<1x128x64xf32, #tpu.memory_space<vmem>>
        %dma_start3A_484 = tpu.memref_squeeze %dma_start3A_483 : memref<1x128x64xf32, #tpu.memory_space<vmem>> -> memref<128x64xf32, #tpu.memory_space<vmem>>
        %dma_start3A_485 = arith.constant 0 : i32
        %dma_start3A_486 = tpu.memref_slice %arg9[%add3A_343, %dma_start3A_485] : memref<157x128xi32, #tpu.memory_space<vmem>> -> memref<1x128xi32, #tpu.memory_space<vmem>>
        %dma_start3A_487 = tpu.memref_squeeze %dma_start3A_486 : memref<1x128xi32, #tpu.memory_space<vmem>> -> memref<128xi32, #tpu.memory_space<vmem>>
        %dma_start3A_488 = arith.constant 0 : i32
        %dma_start3A_489 = arith.constant 0 : i32
        %dma_start3A_490 = tpu.memref_slice %arg12[%dma_start3A_488, %dma_start3A_489] : memref<10000x64xf32, #tpu.memory_space<vmem_shared>> -> memref<10000x64xf32, #tpu.memory_space<vmem_shared>>
        tpu.enqueue_indirect_dma source(%dma_start3A_484 : memref<128x64xf32, #tpu.memory_space<vmem>>) target(%dma_start3A_490 : memref<10000x64xf32, #tpu.memory_space<vmem_shared>>) offsets(%dma_start3A_487 : memref<128xi32, #tpu.memory_space<vmem>>) semaphore(%run_scoped3A_480 : memref<!tpu.dma_semaphore, #tpu.memory_space<semaphore_mem>>) {add = true}
        %dma_wait3A_491 = arith.constant 0 : i32
        %dma_wait3A_492 = arith.constant 0 : i32
        %dma_wait3A_493 = tpu.memref_slice %arg10[%run_scoped3A, %dma_wait3A_491, %dma_wait3A_492] : memref<4x128x64xf32, #tpu.memory_space<vmem>> -> memref<1x128x64xf32, #tpu.memory_space<vmem>>
        %dma_wait3A_494 = tpu.memref_squeeze %dma_wait3A_493 : memref<1x128x64xf32, #tpu.memory_space<vmem>> -> memref<128x64xf32, #tpu.memory_space<vmem>>
        %dma_wait3A_495 = arith.constant 0 : i32
        %dma_wait3A_496 = tpu.memref_slice %arg9[%add3A_343, %dma_wait3A_495] : memref<157x128xi32, #tpu.memory_space<vmem>> -> memref<1x128xi32, #tpu.memory_space<vmem>>
        %dma_wait3A_497 = tpu.memref_squeeze %dma_wait3A_496 : memref<1x128xi32, #tpu.memory_space<vmem>> -> memref<128xi32, #tpu.memory_space<vmem>>
        %dma_wait3A_498 = arith.constant 0 : i32
        %dma_wait3A_499 = arith.constant 0 : i32
        %dma_wait3A_500 = tpu.memref_slice %arg12[%dma_wait3A_498, %dma_wait3A_499] : memref<10000x64xf32, #tpu.memory_space<vmem_shared>> -> memref<10000x64xf32, #tpu.memory_space<vmem_shared>>
        tpu.wait_indirect_dma semaphore(%run_scoped3A_480 : memref<!tpu.dma_semaphore, #tpu.memory_space<semaphore_mem>>) src(%dma_wait3A_494 : memref<128x64xf32, #tpu.memory_space<vmem>>) dst(%dma_wait3A_500 : memref<10000x64xf32, #tpu.memory_space<vmem_shared>>)
        tpu.yield
      }) : () -> ()
      %add3A_367 = arith.constant 4 : i32
      %add3A_368 = arith.addi %add3A_343, %add3A_367 : i32
      %lt3A_369 = arith.constant 156 : i32
      %lt3A_370 = arith.cmpi slt, %add3A_368, %lt3A_369 : i32
      %convert_element_type3A_371 = arith.extui %lt3A_370 : i1 to i32
      %cond3A_372 = arith.constant 0 : i32
      %cond3A_373 = arith.cmpi ne, %convert_element_type3A_371, %cond3A_372 : i32
      scf.if %cond3A_373 {
        %add3A_480 = arith.constant 4 : i32
        %add3A_481 = arith.addi %add3A_343, %add3A_480 : i32
        %dma_start3A_482 = arith.constant 0 : i32
        %dma_start3A_483 = arith.constant 0 : i32
        %dma_start3A_484 = arith.constant 0 : i32
        %dma_start3A_485 = tpu.memref_slice %arg10[%dma_start3A_482, %dma_start3A_483, %dma_start3A_484] : memref<4x128x64xf32, #tpu.memory_space<vmem>> -> memref<1x128x64xf32, #tpu.memory_space<vmem>>
        %dma_start3A_486 = tpu.memref_squeeze %dma_start3A_485 : memref<1x128x64xf32, #tpu.memory_space<vmem>> -> memref<128x64xf32, #tpu.memory_space<vmem>>
        %dma_start3A_487 = arith.constant 0 : i32
        %dma_start3A_488 = tpu.memref_slice %arg8[%add3A_481, %dma_start3A_487] : memref<157x128xi32, #tpu.memory_space<vmem>> -> memref<1x128xi32, #tpu.memory_space<vmem>>
        %dma_start3A_489 = tpu.memref_squeeze %dma_start3A_488 : memref<1x128xi32, #tpu.memory_space<vmem>> -> memref<128xi32, #tpu.memory_space<vmem>>
        %dma_start3A_490 = arith.constant 0 : i32
        %dma_start3A_491 = arith.constant 0 : i32
        %dma_start3A_492 = tpu.memref_slice %arg6[%arg0, %dma_start3A_490, %dma_start3A_491] : memref<2x10000x64xf32, #tpu.memory_space<hbm>> -> memref<1x10000x64xf32, #tpu.memory_space<hbm>>
        %dma_start3A_493 = tpu.memref_squeeze %dma_start3A_492 : memref<1x10000x64xf32, #tpu.memory_space<hbm>> -> memref<10000x64xf32, #tpu.memory_space<hbm>>
        %dma_start3A_494 = arith.constant 0 : i32
        %dma_start3A_495 = arith.constant 0 : i32
        %dma_start3A_496 = tpu.memref_slice %dma_start3A_493[%dma_start3A_494, %dma_start3A_495] : memref<10000x64xf32, #tpu.memory_space<hbm>> -> memref<10000x64xf32, #tpu.memory_space<hbm>>
        tpu.enqueue_indirect_dma source(%dma_start3A_496 : memref<10000x64xf32, #tpu.memory_space<hbm>>) target(%dma_start3A_486 : memref<128x64xf32, #tpu.memory_space<vmem>>) offsets(%dma_start3A_489 : memref<128xi32, #tpu.memory_space<vmem>>) semaphore(%arg13 : memref<!tpu.dma_semaphore, #tpu.memory_space<semaphore_mem>>)
      } else {
      }
      %mul3A_374 = arith.constant 4 : i32
      %mul3A_375 = arith.muli %scan3A_338, %mul3A_374 : i32
      %add3A_376 = arith.constant 1 : i32
      %add3A_377 = arith.addi %mul3A_375, %add3A_376 : i32
      %dma_wait3A_378 = arith.constant 1 : i32
      %dma_wait3A_379 = arith.constant 0 : i32
      %dma_wait3A_380 = arith.constant 0 : i32
      %dma_wait3A_381 = tpu.memref_slice %arg10[%dma_wait3A_378, %dma_wait3A_379, %dma_wait3A_380] : memref<4x128x64xf32, #tpu.memory_space<vmem>> -> memref<1x128x64xf32, #tpu.memory_space<vmem>>
      %dma_wait3A_382 = tpu.memref_squeeze %dma_wait3A_381 : memref<1x128x64xf32, #tpu.memory_space<vmem>> -> memref<128x64xf32, #tpu.memory_space<vmem>>
      %dma_wait3A_383 = arith.constant 0 : i32
      %dma_wait3A_384 = arith.constant 0 : i32
      %dma_wait3A_385 = tpu.memref_slice %arg6[%arg0, %dma_wait3A_383, %dma_wait3A_384] : memref<2x10000x64xf32, #tpu.memory_space<hbm>> -> memref<1x10000x64xf32, #tpu.memory_space<hbm>>
      %dma_wait3A_386 = tpu.memref_squeeze %dma_wait3A_385 : memref<1x10000x64xf32, #tpu.memory_space<hbm>> -> memref<10000x64xf32, #tpu.memory_space<hbm>>
      %dma_wait3A_387 = arith.constant 0 : i32
      %dma_wait3A_388 = arith.constant 0 : i32
      %dma_wait3A_389 = tpu.memref_slice %dma_wait3A_386[%dma_wait3A_387, %dma_wait3A_388] : memref<10000x64xf32, #tpu.memory_space<hbm>> -> memref<128x64xf32, #tpu.memory_space<hbm>>
      %dma_wait3A_390 = arith.constant 0 : i32
      %dma_wait3A_391 = arith.constant 0 : i32
      %dma_wait3A_392 = tpu.memref_slice %arg10[%dma_wait3A_378, %dma_wait3A_390, %dma_wait3A_391] : memref<4x128x64xf32, #tpu.memory_space<vmem>> -> memref<1x128x64xf32, #tpu.memory_space<vmem>>
      %dma_wait3A_393 = tpu.memref_squeeze %dma_wait3A_392 : memref<1x128x64xf32, #tpu.memory_space<vmem>> -> memref<128x64xf32, #tpu.memory_space<vmem>>
      %dma_wait3A_394 = arith.constant 0 : i32
      %dma_wait3A_395 = arith.constant 0 : i32
      %dma_wait3A_396 = tpu.memref_slice %arg6[%arg0, %dma_wait3A_394, %dma_wait3A_395] : memref<2x10000x64xf32, #tpu.memory_space<hbm>> -> memref<1x10000x64xf32, #tpu.memory_space<hbm>>
      %dma_wait3A_397 = tpu.memref_squeeze %dma_wait3A_396 : memref<1x10000x64xf32, #tpu.memory_space<hbm>> -> memref<10000x64xf32, #tpu.memory_space<hbm>>
      %dma_wait3A_398 = arith.constant 0 : i32
      %dma_wait3A_399 = arith.constant 0 : i32
      %dma_wait3A_400 = tpu.memref_slice %dma_wait3A_397[%dma_wait3A_398, %dma_wait3A_399] : memref<10000x64xf32, #tpu.memory_space<hbm>> -> memref<128x64xf32, #tpu.memory_space<hbm>>
      tpu.wait_dma2 semaphore(%arg13 : memref<!tpu.dma_semaphore, #tpu.memory_space<semaphore_mem>>) src(%dma_wait3A_400 : memref<128x64xf32, #tpu.memory_space<hbm>>) dst(%dma_wait3A_393 : memref<128x64xf32, #tpu.memory_space<vmem>>)
      %run_scoped3A_401 = arith.constant 1 : i32
      "tpu.region"() ({
        %run_scoped3A_480 = tpu.sem_alloc : memref<!tpu.dma_semaphore, #tpu.memory_space<semaphore_mem>>
        %dma_start3A_481 = arith.constant 0 : i32
        %dma_start3A_482 = arith.constant 0 : i32
        %dma_start3A_483 = tpu.memref_slice %arg10[%run_scoped3A_401, %dma_start3A_481, %dma_start3A_482] : memref<4x128x64xf32, #tpu.memory_space<vmem>> -> memref<1x128x64xf32, #tpu.memory_space<vmem>>
        %dma_start3A_484 = tpu.memref_squeeze %dma_start3A_483 : memref<1x128x64xf32, #tpu.memory_space<vmem>> -> memref<128x64xf32, #tpu.memory_space<vmem>>
        %dma_start3A_485 = arith.constant 0 : i32
        %dma_start3A_486 = tpu.memref_slice %arg9[%add3A_377, %dma_start3A_485] : memref<157x128xi32, #tpu.memory_space<vmem>> -> memref<1x128xi32, #tpu.memory_space<vmem>>
        %dma_start3A_487 = tpu.memref_squeeze %dma_start3A_486 : memref<1x128xi32, #tpu.memory_space<vmem>> -> memref<128xi32, #tpu.memory_space<vmem>>
        %dma_start3A_488 = arith.constant 0 : i32
        %dma_start3A_489 = arith.constant 0 : i32
        %dma_start3A_490 = tpu.memref_slice %arg12[%dma_start3A_488, %dma_start3A_489] : memref<10000x64xf32, #tpu.memory_space<vmem_shared>> -> memref<10000x64xf32, #tpu.memory_space<vmem_shared>>
        tpu.enqueue_indirect_dma source(%dma_start3A_484 : memref<128x64xf32, #tpu.memory_space<vmem>>) target(%dma_start3A_490 : memref<10000x64xf32, #tpu.memory_space<vmem_shared>>) offsets(%dma_start3A_487 : memref<128xi32, #tpu.memory_space<vmem>>) semaphore(%run_scoped3A_480 : memref<!tpu.dma_semaphore, #tpu.memory_space<semaphore_mem>>) {add = true}
        %dma_wait3A_491 = arith.constant 0 : i32
        %dma_wait3A_492 = arith.constant 0 : i32
        %dma_wait3A_493 = tpu.memref_slice %arg10[%run_scoped3A_401, %dma_wait3A_491, %dma_wait3A_492] : memref<4x128x64xf32, #tpu.memory_space<vmem>> -> memref<1x128x64xf32, #tpu.memory_space<vmem>>
        %dma_wait3A_494 = tpu.memref_squeeze %dma_wait3A_493 : memref<1x128x64xf32, #tpu.memory_space<vmem>> -> memref<128x64xf32, #tpu.memory_space<vmem>>
        %dma_wait3A_495 = arith.constant 0 : i32
        %dma_wait3A_496 = tpu.memref_slice %arg9[%add3A_377, %dma_wait3A_495] : memref<157x128xi32, #tpu.memory_space<vmem>> -> memref<1x128xi32, #tpu.memory_space<vmem>>
        %dma_wait3A_497 = tpu.memref_squeeze %dma_wait3A_496 : memref<1x128xi32, #tpu.memory_space<vmem>> -> memref<128xi32, #tpu.memory_space<vmem>>
        %dma_wait3A_498 = arith.constant 0 : i32
        %dma_wait3A_499 = arith.constant 0 : i32
        %dma_wait3A_500 = tpu.memref_slice %arg12[%dma_wait3A_498, %dma_wait3A_499] : memref<10000x64xf32, #tpu.memory_space<vmem_shared>> -> memref<10000x64xf32, #tpu.memory_space<vmem_shared>>
        tpu.wait_indirect_dma semaphore(%run_scoped3A_480 : memref<!tpu.dma_semaphore, #tpu.memory_space<semaphore_mem>>) src(%dma_wait3A_494 : memref<128x64xf32, #tpu.memory_space<vmem>>) dst(%dma_wait3A_500 : memref<10000x64xf32, #tpu.memory_space<vmem_shared>>)
        tpu.yield
      }) : () -> ()
      %add3A_402 = arith.constant 4 : i32
      %add3A_403 = arith.addi %add3A_377, %add3A_402 : i32
      %lt3A_404 = arith.constant 156 : i32
      %lt3A_405 = arith.cmpi slt, %add3A_403, %lt3A_404 : i32
      %convert_element_type3A_406 = arith.extui %lt3A_405 : i1 to i32
      %cond3A_407 = arith.constant 0 : i32
      %cond3A_408 = arith.cmpi ne, %convert_element_type3A_406, %cond3A_407 : i32
      scf.if %cond3A_408 {
        %add3A_480 = arith.constant 4 : i32
        %add3A_481 = arith.addi %add3A_377, %add3A_480 : i32
        %dma_start3A_482 = arith.constant 1 : i32
        %dma_start3A_483 = arith.constant 0 : i32
        %dma_start3A_484 = arith.constant 0 : i32
        %dma_start3A_485 = tpu.memref_slice %arg10[%dma_start3A_482, %dma_start3A_483, %dma_start3A_484] : memref<4x128x64xf32, #tpu.memory_space<vmem>> -> memref<1x128x64xf32, #tpu.memory_space<vmem>>
        %dma_start3A_486 = tpu.memref_squeeze %dma_start3A_485 : memref<1x128x64xf32, #tpu.memory_space<vmem>> -> memref<128x64xf32, #tpu.memory_space<vmem>>
        %dma_start3A_487 = arith.constant 0 : i32
        %dma_start3A_488 = tpu.memref_slice %arg8[%add3A_481, %dma_start3A_487] : memref<157x128xi32, #tpu.memory_space<vmem>> -> memref<1x128xi32, #tpu.memory_space<vmem>>
        %dma_start3A_489 = tpu.memref_squeeze %dma_start3A_488 : memref<1x128xi32, #tpu.memory_space<vmem>> -> memref<128xi32, #tpu.memory_space<vmem>>
        %dma_start3A_490 = arith.constant 0 : i32
        %dma_start3A_491 = arith.constant 0 : i32
        %dma_start3A_492 = tpu.memref_slice %arg6[%arg0, %dma_start3A_490, %dma_start3A_491] : memref<2x10000x64xf32, #tpu.memory_space<hbm>> -> memref<1x10000x64xf32, #tpu.memory_space<hbm>>
        %dma_start3A_493 = tpu.memref_squeeze %dma_start3A_492 : memref<1x10000x64xf32, #tpu.memory_space<hbm>> -> memref<10000x64xf32, #tpu.memory_space<hbm>>
        %dma_start3A_494 = arith.constant 0 : i32
        %dma_start3A_495 = arith.constant 0 : i32
        %dma_start3A_496 = tpu.memref_slice %dma_start3A_493[%dma_start3A_494, %dma_start3A_495] : memref<10000x64xf32, #tpu.memory_space<hbm>> -> memref<10000x64xf32, #tpu.memory_space<hbm>>
        tpu.enqueue_indirect_dma source(%dma_start3A_496 : memref<10000x64xf32, #tpu.memory_space<hbm>>) target(%dma_start3A_486 : memref<128x64xf32, #tpu.memory_space<vmem>>) offsets(%dma_start3A_489 : memref<128xi32, #tpu.memory_space<vmem>>) semaphore(%arg13 : memref<!tpu.dma_semaphore, #tpu.memory_space<semaphore_mem>>)
      } else {
      }
      %mul3A_409 = arith.constant 4 : i32
      %mul3A_410 = arith.muli %scan3A_338, %mul3A_409 : i32
      %add3A_411 = arith.constant 2 : i32
      %add3A_412 = arith.addi %mul3A_410, %add3A_411 : i32
      %dma_wait3A_413 = arith.constant 2 : i32
      %dma_wait3A_414 = arith.constant 0 : i32
      %dma_wait3A_415 = arith.constant 0 : i32
      %dma_wait3A_416 = tpu.memref_slice %arg10[%dma_wait3A_413, %dma_wait3A_414, %dma_wait3A_415] : memref<4x128x64xf32, #tpu.memory_space<vmem>> -> memref<1x128x64xf32, #tpu.memory_space<vmem>>
      %dma_wait3A_417 = tpu.memref_squeeze %dma_wait3A_416 : memref<1x128x64xf32, #tpu.memory_space<vmem>> -> memref<128x64xf32, #tpu.memory_space<vmem>>
      %dma_wait3A_418 = arith.constant 0 : i32
      %dma_wait3A_419 = arith.constant 0 : i32
      %dma_wait3A_420 = tpu.memref_slice %arg6[%arg0, %dma_wait3A_418, %dma_wait3A_419] : memref<2x10000x64xf32, #tpu.memory_space<hbm>> -> memref<1x10000x64xf32, #tpu.memory_space<hbm>>
      %dma_wait3A_421 = tpu.memref_squeeze %dma_wait3A_420 : memref<1x10000x64xf32, #tpu.memory_space<hbm>> -> memref<10000x64xf32, #tpu.memory_space<hbm>>
      %dma_wait3A_422 = arith.constant 0 : i32
      %dma_wait3A_423 = arith.constant 0 : i32
      %dma_wait3A_424 = tpu.memref_slice %dma_wait3A_421[%dma_wait3A_422, %dma_wait3A_423] : memref<10000x64xf32, #tpu.memory_space<hbm>> -> memref<128x64xf32, #tpu.memory_space<hbm>>
      %dma_wait3A_425 = arith.constant 0 : i32
      %dma_wait3A_426 = arith.constant 0 : i32
      %dma_wait3A_427 = tpu.memref_slice %arg10[%dma_wait3A_413, %dma_wait3A_425, %dma_wait3A_426] : memref<4x128x64xf32, #tpu.memory_space<vmem>> -> memref<1x128x64xf32, #tpu.memory_space<vmem>>
      %dma_wait3A_428 = tpu.memref_squeeze %dma_wait3A_427 : memref<1x128x64xf32, #tpu.memory_space<vmem>> -> memref<128x64xf32, #tpu.memory_space<vmem>>
      %dma_wait3A_429 = arith.constant 0 : i32
      %dma_wait3A_430 = arith.constant 0 : i32
      %dma_wait3A_431 = tpu.memref_slice %arg6[%arg0, %dma_wait3A_429, %dma_wait3A_430] : memref<2x10000x64xf32, #tpu.memory_space<hbm>> -> memref<1x10000x64xf32, #tpu.memory_space<hbm>>
      %dma_wait3A_432 = tpu.memref_squeeze %dma_wait3A_431 : memref<1x10000x64xf32, #tpu.memory_space<hbm>> -> memref<10000x64xf32, #tpu.memory_space<hbm>>
      %dma_wait3A_433 = arith.constant 0 : i32
      %dma_wait3A_434 = arith.constant 0 : i32
      %dma_wait3A_435 = tpu.memref_slice %dma_wait3A_432[%dma_wait3A_433, %dma_wait3A_434] : memref<10000x64xf32, #tpu.memory_space<hbm>> -> memref<128x64xf32, #tpu.memory_space<hbm>>
      tpu.wait_dma2 semaphore(%arg13 : memref<!tpu.dma_semaphore, #tpu.memory_space<semaphore_mem>>) src(%dma_wait3A_435 : memref<128x64xf32, #tpu.memory_space<hbm>>) dst(%dma_wait3A_428 : memref<128x64xf32, #tpu.memory_space<vmem>>)
      %run_scoped3A_436 = arith.constant 2 : i32
      "tpu.region"() ({
        %run_scoped3A_480 = tpu.sem_alloc : memref<!tpu.dma_semaphore, #tpu.memory_space<semaphore_mem>>
        %dma_start3A_481 = arith.constant 0 : i32
        %dma_start3A_482 = arith.constant 0 : i32
        %dma_start3A_483 = tpu.memref_slice %arg10[%run_scoped3A_436, %dma_start3A_481, %dma_start3A_482] : memref<4x128x64xf32, #tpu.memory_space<vmem>> -> memref<1x128x64xf32, #tpu.memory_space<vmem>>
        %dma_start3A_484 = tpu.memref_squeeze %dma_start3A_483 : memref<1x128x64xf32, #tpu.memory_space<vmem>> -> memref<128x64xf32, #tpu.memory_space<vmem>>
        %dma_start3A_485 = arith.constant 0 : i32
        %dma_start3A_486 = tpu.memref_slice %arg9[%add3A_412, %dma_start3A_485] : memref<157x128xi32, #tpu.memory_space<vmem>> -> memref<1x128xi32, #tpu.memory_space<vmem>>
        %dma_start3A_487 = tpu.memref_squeeze %dma_start3A_486 : memref<1x128xi32, #tpu.memory_space<vmem>> -> memref<128xi32, #tpu.memory_space<vmem>>
        %dma_start3A_488 = arith.constant 0 : i32
        %dma_start3A_489 = arith.constant 0 : i32
        %dma_start3A_490 = tpu.memref_slice %arg12[%dma_start3A_488, %dma_start3A_489] : memref<10000x64xf32, #tpu.memory_space<vmem_shared>> -> memref<10000x64xf32, #tpu.memory_space<vmem_shared>>
        tpu.enqueue_indirect_dma source(%dma_start3A_484 : memref<128x64xf32, #tpu.memory_space<vmem>>) target(%dma_start3A_490 : memref<10000x64xf32, #tpu.memory_space<vmem_shared>>) offsets(%dma_start3A_487 : memref<128xi32, #tpu.memory_space<vmem>>) semaphore(%run_scoped3A_480 : memref<!tpu.dma_semaphore, #tpu.memory_space<semaphore_mem>>) {add = true}
        %dma_wait3A_491 = arith.constant 0 : i32
        %dma_wait3A_492 = arith.constant 0 : i32
        %dma_wait3A_493 = tpu.memref_slice %arg10[%run_scoped3A_436, %dma_wait3A_491, %dma_wait3A_492] : memref<4x128x64xf32, #tpu.memory_space<vmem>> -> memref<1x128x64xf32, #tpu.memory_space<vmem>>
        %dma_wait3A_494 = tpu.memref_squeeze %dma_wait3A_493 : memref<1x128x64xf32, #tpu.memory_space<vmem>> -> memref<128x64xf32, #tpu.memory_space<vmem>>
        %dma_wait3A_495 = arith.constant 0 : i32
        %dma_wait3A_496 = tpu.memref_slice %arg9[%add3A_412, %dma_wait3A_495] : memref<157x128xi32, #tpu.memory_space<vmem>> -> memref<1x128xi32, #tpu.memory_space<vmem>>
        %dma_wait3A_497 = tpu.memref_squeeze %dma_wait3A_496 : memref<1x128xi32, #tpu.memory_space<vmem>> -> memref<128xi32, #tpu.memory_space<vmem>>
        %dma_wait3A_498 = arith.constant 0 : i32
        %dma_wait3A_499 = arith.constant 0 : i32
        %dma_wait3A_500 = tpu.memref_slice %arg12[%dma_wait3A_498, %dma_wait3A_499] : memref<10000x64xf32, #tpu.memory_space<vmem_shared>> -> memref<10000x64xf32, #tpu.memory_space<vmem_shared>>
        tpu.wait_indirect_dma semaphore(%run_scoped3A_480 : memref<!tpu.dma_semaphore, #tpu.memory_space<semaphore_mem>>) src(%dma_wait3A_494 : memref<128x64xf32, #tpu.memory_space<vmem>>) dst(%dma_wait3A_500 : memref<10000x64xf32, #tpu.memory_space<vmem_shared>>)
        tpu.yield
      }) : () -> ()
      %add3A_437 = arith.constant 4 : i32
      %add3A_438 = arith.addi %add3A_412, %add3A_437 : i32
      %lt3A_439 = arith.constant 156 : i32
      %lt3A_440 = arith.cmpi slt, %add3A_438, %lt3A_439 : i32
      %convert_element_type3A_441 = arith.extui %lt3A_440 : i1 to i32
      %cond3A_442 = arith.constant 0 : i32
      %cond3A_443 = arith.cmpi ne, %convert_element_type3A_441, %cond3A_442 : i32
      scf.if %cond3A_443 {
        %add3A_480 = arith.constant 4 : i32
        %add3A_481 = arith.addi %add3A_412, %add3A_480 : i32
        %dma_start3A_482 = arith.constant 2 : i32
        %dma_start3A_483 = arith.constant 0 : i32
        %dma_start3A_484 = arith.constant 0 : i32
        %dma_start3A_485 = tpu.memref_slice %arg10[%dma_start3A_482, %dma_start3A_483, %dma_start3A_484] : memref<4x128x64xf32, #tpu.memory_space<vmem>> -> memref<1x128x64xf32, #tpu.memory_space<vmem>>
        %dma_start3A_486 = tpu.memref_squeeze %dma_start3A_485 : memref<1x128x64xf32, #tpu.memory_space<vmem>> -> memref<128x64xf32, #tpu.memory_space<vmem>>
        %dma_start3A_487 = arith.constant 0 : i32
        %dma_start3A_488 = tpu.memref_slice %arg8[%add3A_481, %dma_start3A_487] : memref<157x128xi32, #tpu.memory_space<vmem>> -> memref<1x128xi32, #tpu.memory_space<vmem>>
        %dma_start3A_489 = tpu.memref_squeeze %dma_start3A_488 : memref<1x128xi32, #tpu.memory_space<vmem>> -> memref<128xi32, #tpu.memory_space<vmem>>
        %dma_start3A_490 = arith.constant 0 : i32
        %dma_start3A_491 = arith.constant 0 : i32
        %dma_start3A_492 = tpu.memref_slice %arg6[%arg0, %dma_start3A_490, %dma_start3A_491] : memref<2x10000x64xf32, #tpu.memory_space<hbm>> -> memref<1x10000x64xf32, #tpu.memory_space<hbm>>
        %dma_start3A_493 = tpu.memref_squeeze %dma_start3A_492 : memref<1x10000x64xf32, #tpu.memory_space<hbm>> -> memref<10000x64xf32, #tpu.memory_space<hbm>>
        %dma_start3A_494 = arith.constant 0 : i32
        %dma_start3A_495 = arith.constant 0 : i32
        %dma_start3A_496 = tpu.memref_slice %dma_start3A_493[%dma_start3A_494, %dma_start3A_495] : memref<10000x64xf32, #tpu.memory_space<hbm>> -> memref<10000x64xf32, #tpu.memory_space<hbm>>
        tpu.enqueue_indirect_dma source(%dma_start3A_496 : memref<10000x64xf32, #tpu.memory_space<hbm>>) target(%dma_start3A_486 : memref<128x64xf32, #tpu.memory_space<vmem>>) offsets(%dma_start3A_489 : memref<128xi32, #tpu.memory_space<vmem>>) semaphore(%arg13 : memref<!tpu.dma_semaphore, #tpu.memory_space<semaphore_mem>>)
      } else {
      }
      %mul3A_444 = arith.constant 4 : i32
      %mul3A_445 = arith.muli %scan3A_338, %mul3A_444 : i32
      %add3A_446 = arith.constant 3 : i32
      %add3A_447 = arith.addi %mul3A_445, %add3A_446 : i32
      %dma_wait3A_448 = arith.constant 3 : i32
      %dma_wait3A_449 = arith.constant 0 : i32
      %dma_wait3A_450 = arith.constant 0 : i32
      %dma_wait3A_451 = tpu.memref_slice %arg10[%dma_wait3A_448, %dma_wait3A_449, %dma_wait3A_450] : memref<4x128x64xf32, #tpu.memory_space<vmem>> -> memref<1x128x64xf32, #tpu.memory_space<vmem>>
      %dma_wait3A_452 = tpu.memref_squeeze %dma_wait3A_451 : memref<1x128x64xf32, #tpu.memory_space<vmem>> -> memref<128x64xf32, #tpu.memory_space<vmem>>
      %dma_wait3A_453 = arith.constant 0 : i32
      %dma_wait3A_454 = arith.constant 0 : i32
      %dma_wait3A_455 = tpu.memref_slice %arg6[%arg0, %dma_wait3A_453, %dma_wait3A_454] : memref<2x10000x64xf32, #tpu.memory_space<hbm>> -> memref<1x10000x64xf32, #tpu.memory_space<hbm>>
      %dma_wait3A_456 = tpu.memref_squeeze %dma_wait3A_455 : memref<1x10000x64xf32, #tpu.memory_space<hbm>> -> memref<10000x64xf32, #tpu.memory_space<hbm>>
      %dma_wait3A_457 = arith.constant 0 : i32
      %dma_wait3A_458 = arith.constant 0 : i32
      %dma_wait3A_459 = tpu.memref_slice %dma_wait3A_456[%dma_wait3A_457, %dma_wait3A_458] : memref<10000x64xf32, #tpu.memory_space<hbm>> -> memref<128x64xf32, #tpu.memory_space<hbm>>
      %dma_wait3A_460 = arith.constant 0 : i32
      %dma_wait3A_461 = arith.constant 0 : i32
      %dma_wait3A_462 = tpu.memref_slice %arg10[%dma_wait3A_448, %dma_wait3A_460, %dma_wait3A_461] : memref<4x128x64xf32, #tpu.memory_space<vmem>> -> memref<1x128x64xf32, #tpu.memory_space<vmem>>
      %dma_wait3A_463 = tpu.memref_squeeze %dma_wait3A_462 : memref<1x128x64xf32, #tpu.memory_space<vmem>> -> memref<128x64xf32, #tpu.memory_space<vmem>>
      %dma_wait3A_464 = arith.constant 0 : i32
      %dma_wait3A_465 = arith.constant 0 : i32
      %dma_wait3A_466 = tpu.memref_slice %arg6[%arg0, %dma_wait3A_464, %dma_wait3A_465] : memref<2x10000x64xf32, #tpu.memory_space<hbm>> -> memref<1x10000x64xf32, #tpu.memory_space<hbm>>
      %dma_wait3A_467 = tpu.memref_squeeze %dma_wait3A_466 : memref<1x10000x64xf32, #tpu.memory_space<hbm>> -> memref<10000x64xf32, #tpu.memory_space<hbm>>
      %dma_wait3A_468 = arith.constant 0 : i32
      %dma_wait3A_469 = arith.constant 0 : i32
      %dma_wait3A_470 = tpu.memref_slice %dma_wait3A_467[%dma_wait3A_468, %dma_wait3A_469] : memref<10000x64xf32, #tpu.memory_space<hbm>> -> memref<128x64xf32, #tpu.memory_space<hbm>>
      tpu.wait_dma2 semaphore(%arg13 : memref<!tpu.dma_semaphore, #tpu.memory_space<semaphore_mem>>) src(%dma_wait3A_470 : memref<128x64xf32, #tpu.memory_space<hbm>>) dst(%dma_wait3A_463 : memref<128x64xf32, #tpu.memory_space<vmem>>)
      %run_scoped3A_471 = arith.constant 3 : i32
      "tpu.region"() ({
        %run_scoped3A_480 = tpu.sem_alloc : memref<!tpu.dma_semaphore, #tpu.memory_space<semaphore_mem>>
        %dma_start3A_481 = arith.constant 0 : i32
        %dma_start3A_482 = arith.constant 0 : i32
        %dma_start3A_483 = tpu.memref_slice %arg10[%run_scoped3A_471, %dma_start3A_481, %dma_start3A_482] : memref<4x128x64xf32, #tpu.memory_space<vmem>> -> memref<1x128x64xf32, #tpu.memory_space<vmem>>
        %dma_start3A_484 = tpu.memref_squeeze %dma_start3A_483 : memref<1x128x64xf32, #tpu.memory_space<vmem>> -> memref<128x64xf32, #tpu.memory_space<vmem>>
        %dma_start3A_485 = arith.constant 0 : i32
        %dma_start3A_486 = tpu.memref_slice %arg9[%add3A_447, %dma_start3A_485] : memref<157x128xi32, #tpu.memory_space<vmem>> -> memref<1x128xi32, #tpu.memory_space<vmem>>
        %dma_start3A_487 = tpu.memref_squeeze %dma_start3A_486 : memref<1x128xi32, #tpu.memory_space<vmem>> -> memref<128xi32, #tpu.memory_space<vmem>>
        %dma_start3A_488 = arith.constant 0 : i32
        %dma_start3A_489 = arith.constant 0 : i32
        %dma_start3A_490 = tpu.memref_slice %arg12[%dma_start3A_488, %dma_start3A_489] : memref<10000x64xf32, #tpu.memory_space<vmem_shared>> -> memref<10000x64xf32, #tpu.memory_space<vmem_shared>>
        tpu.enqueue_indirect_dma source(%dma_start3A_484 : memref<128x64xf32, #tpu.memory_space<vmem>>) target(%dma_start3A_490 : memref<10000x64xf32, #tpu.memory_space<vmem_shared>>) offsets(%dma_start3A_487 : memref<128xi32, #tpu.memory_space<vmem>>) semaphore(%run_scoped3A_480 : memref<!tpu.dma_semaphore, #tpu.memory_space<semaphore_mem>>) {add = true}
        %dma_wait3A_491 = arith.constant 0 : i32
        %dma_wait3A_492 = arith.constant 0 : i32
        %dma_wait3A_493 = tpu.memref_slice %arg10[%run_scoped3A_471, %dma_wait3A_491, %dma_wait3A_492] : memref<4x128x64xf32, #tpu.memory_space<vmem>> -> memref<1x128x64xf32, #tpu.memory_space<vmem>>
        %dma_wait3A_494 = tpu.memref_squeeze %dma_wait3A_493 : memref<1x128x64xf32, #tpu.memory_space<vmem>> -> memref<128x64xf32, #tpu.memory_space<vmem>>
        %dma_wait3A_495 = arith.constant 0 : i32
        %dma_wait3A_496 = tpu.memref_slice %arg9[%add3A_447, %dma_wait3A_495] : memref<157x128xi32, #tpu.memory_space<vmem>> -> memref<1x128xi32, #tpu.memory_space<vmem>>
        %dma_wait3A_497 = tpu.memref_squeeze %dma_wait3A_496 : memref<1x128xi32, #tpu.memory_space<vmem>> -> memref<128xi32, #tpu.memory_space<vmem>>
        %dma_wait3A_498 = arith.constant 0 : i32
        %dma_wait3A_499 = arith.constant 0 : i32
        %dma_wait3A_500 = tpu.memref_slice %arg12[%dma_wait3A_498, %dma_wait3A_499] : memref<10000x64xf32, #tpu.memory_space<vmem_shared>> -> memref<10000x64xf32, #tpu.memory_space<vmem_shared>>
        tpu.wait_indirect_dma semaphore(%run_scoped3A_480 : memref<!tpu.dma_semaphore, #tpu.memory_space<semaphore_mem>>) src(%dma_wait3A_494 : memref<128x64xf32, #tpu.memory_space<vmem>>) dst(%dma_wait3A_500 : memref<10000x64xf32, #tpu.memory_space<vmem_shared>>)
        tpu.yield
      }) : () -> ()
      %add3A_472 = arith.constant 4 : i32
      %add3A_473 = arith.addi %add3A_447, %add3A_472 : i32
      %lt3A_474 = arith.constant 156 : i32
      %lt3A_475 = arith.cmpi slt, %add3A_473, %lt3A_474 : i32
      %convert_element_type3A_476 = arith.extui %lt3A_475 : i1 to i32
      %cond3A_477 = arith.constant 0 : i32
      %cond3A_478 = arith.cmpi ne, %convert_element_type3A_476, %cond3A_477 : i32
      scf.if %cond3A_478 {
        %add3A_480 = arith.constant 4 : i32
        %add3A_481 = arith.addi %add3A_447, %add3A_480 : i32
        %dma_start3A_482 = arith.constant 3 : i32
        %dma_start3A_483 = arith.constant 0 : i32
        %dma_start3A_484 = arith.constant 0 : i32
        %dma_start3A_485 = tpu.memref_slice %arg10[%dma_start3A_482, %dma_start3A_483, %dma_start3A_484] : memref<4x128x64xf32, #tpu.memory_space<vmem>> -> memref<1x128x64xf32, #tpu.memory_space<vmem>>
        %dma_start3A_486 = tpu.memref_squeeze %dma_start3A_485 : memref<1x128x64xf32, #tpu.memory_space<vmem>> -> memref<128x64xf32, #tpu.memory_space<vmem>>
        %dma_start3A_487 = arith.constant 0 : i32
        %dma_start3A_488 = tpu.memref_slice %arg8[%add3A_481, %dma_start3A_487] : memref<157x128xi32, #tpu.memory_space<vmem>> -> memref<1x128xi32, #tpu.memory_space<vmem>>
        %dma_start3A_489 = tpu.memref_squeeze %dma_start3A_488 : memref<1x128xi32, #tpu.memory_space<vmem>> -> memref<128xi32, #tpu.memory_space<vmem>>
        %dma_start3A_490 = arith.constant 0 : i32
        %dma_start3A_491 = arith.constant 0 : i32
        %dma_start3A_492 = tpu.memref_slice %arg6[%arg0, %dma_start3A_490, %dma_start3A_491] : memref<2x10000x64xf32, #tpu.memory_space<hbm>> -> memref<1x10000x64xf32, #tpu.memory_space<hbm>>
        %dma_start3A_493 = tpu.memref_squeeze %dma_start3A_492 : memref<1x10000x64xf32, #tpu.memory_space<hbm>> -> memref<10000x64xf32, #tpu.memory_space<hbm>>
        %dma_start3A_494 = arith.constant 0 : i32
        %dma_start3A_495 = arith.constant 0 : i32
        %dma_start3A_496 = tpu.memref_slice %dma_start3A_493[%dma_start3A_494, %dma_start3A_495] : memref<10000x64xf32, #tpu.memory_space<hbm>> -> memref<10000x64xf32, #tpu.memory_space<hbm>>
        tpu.enqueue_indirect_dma source(%dma_start3A_496 : memref<10000x64xf32, #tpu.memory_space<hbm>>) target(%dma_start3A_486 : memref<128x64xf32, #tpu.memory_space<vmem>>) offsets(%dma_start3A_489 : memref<128xi32, #tpu.memory_space<vmem>>) semaphore(%arg13 : memref<!tpu.dma_semaphore, #tpu.memory_space<semaphore_mem>>)
      } else {
      }
      %scan3A_479 = arith.constant 0 : i32
      scf.yield %scan3A_479 : i32
    }
    %scan3A_330 = arith.constant 39 : i32
    %lt3A_331 = arith.constant 4 : i32
    %lt3A_332 = arith.cmpi slt, %arg1, %lt3A_331 : i32
    %convert_element_type3A_333 = arith.extui %lt3A_332 : i1 to i32
    %cond3A_334 = arith.constant 0 : i32
    %cond3A_335 = arith.cmpi ne, %convert_element_type3A_333, %cond3A_334 : i32
    scf.if %cond3A_335 {
      %dma_start3A_338 = arith.constant 156 : i32
      %dma_start3A_339 = arith.constant 0 : i32
      %dma_start3A_340 = arith.constant 0 : i32
      %dma_start3A_341 = arith.constant 0 : i32
      %dma_start3A_342 = tpu.memref_slice %arg10[%dma_start3A_339, %dma_start3A_340, %dma_start3A_341] : memref<4x128x64xf32, #tpu.memory_space<vmem>> -> memref<1x128x64xf32, #tpu.memory_space<vmem>>
      %dma_start3A_343 = tpu.memref_squeeze %dma_start3A_342 : memref<1x128x64xf32, #tpu.memory_space<vmem>> -> memref<128x64xf32, #tpu.memory_space<vmem>>
      %dma_start3A_344 = arith.constant 0 : i32
      %dma_start3A_345 = tpu.memref_slice %arg8[%dma_start3A_338, %dma_start3A_344] : memref<157x128xi32, #tpu.memory_space<vmem>> -> memref<1x128xi32, #tpu.memory_space<vmem>>
      %dma_start3A_346 = tpu.memref_squeeze %dma_start3A_345 : memref<1x128xi32, #tpu.memory_space<vmem>> -> memref<128xi32, #tpu.memory_space<vmem>>
      %dma_start3A_347 = arith.constant 0 : i32
      %dma_start3A_348 = arith.constant 0 : i32
      %dma_start3A_349 = tpu.memref_slice %arg6[%arg0, %dma_start3A_347, %dma_start3A_348] : memref<2x10000x64xf32, #tpu.memory_space<hbm>> -> memref<1x10000x64xf32, #tpu.memory_space<hbm>>
      %dma_start3A_350 = tpu.memref_squeeze %dma_start3A_349 : memref<1x10000x64xf32, #tpu.memory_space<hbm>> -> memref<10000x64xf32, #tpu.memory_space<hbm>>
      %dma_start3A_351 = arith.constant 0 : i32
      %dma_start3A_352 = arith.constant 0 : i32
      %dma_start3A_353 = tpu.memref_slice %dma_start3A_350[%dma_start3A_351, %dma_start3A_352] : memref<10000x64xf32, #tpu.memory_space<hbm>> -> memref<10000x64xf32, #tpu.memory_space<hbm>>
      tpu.enqueue_indirect_dma source(%dma_start3A_353 : memref<10000x64xf32, #tpu.memory_space<hbm>>) target(%dma_start3A_343 : memref<128x64xf32, #tpu.memory_space<vmem>>) offsets(%dma_start3A_346 : memref<128xi32, #tpu.memory_space<vmem>>) semaphore(%arg13 : memref<!tpu.dma_semaphore, #tpu.memory_space<semaphore_mem>>)
      %dma_wait3A_354 = arith.constant 156 : i32
      %dma_wait3A_355 = arith.constant 0 : i32
      %dma_wait3A_356 = arith.constant 0 : i32
      %dma_wait3A_357 = arith.constant 0 : i32
      %dma_wait3A_358 = tpu.memref_slice %arg10[%dma_wait3A_355, %dma_wait3A_356, %dma_wait3A_357] : memref<4x128x64xf32, #tpu.memory_space<vmem>> -> memref<1x128x64xf32, #tpu.memory_space<vmem>>
      %dma_wait3A_359 = tpu.memref_squeeze %dma_wait3A_358 : memref<1x128x64xf32, #tpu.memory_space<vmem>> -> memref<128x64xf32, #tpu.memory_space<vmem>>
      %dma_wait3A_360 = arith.constant 0 : i32
      %dma_wait3A_361 = tpu.memref_slice %arg8[%dma_wait3A_354, %dma_wait3A_360] : memref<157x128xi32, #tpu.memory_space<vmem>> -> memref<1x128xi32, #tpu.memory_space<vmem>>
      %dma_wait3A_362 = tpu.memref_squeeze %dma_wait3A_361 : memref<1x128xi32, #tpu.memory_space<vmem>> -> memref<128xi32, #tpu.memory_space<vmem>>
      %dma_wait3A_363 = arith.constant 0 : i32
      %dma_wait3A_364 = arith.constant 0 : i32
      %dma_wait3A_365 = tpu.memref_slice %arg6[%arg0, %dma_wait3A_363, %dma_wait3A_364] : memref<2x10000x64xf32, #tpu.memory_space<hbm>> -> memref<1x10000x64xf32, #tpu.memory_space<hbm>>
      %dma_wait3A_366 = tpu.memref_squeeze %dma_wait3A_365 : memref<1x10000x64xf32, #tpu.memory_space<hbm>> -> memref<10000x64xf32, #tpu.memory_space<hbm>>
      %dma_wait3A_367 = arith.constant 0 : i32
      %dma_wait3A_368 = arith.constant 0 : i32
      %dma_wait3A_369 = tpu.memref_slice %dma_wait3A_366[%dma_wait3A_367, %dma_wait3A_368] : memref<10000x64xf32, #tpu.memory_space<hbm>> -> memref<10000x64xf32, #tpu.memory_space<hbm>>
      tpu.wait_indirect_dma semaphore(%arg13 : memref<!tpu.dma_semaphore, #tpu.memory_space<semaphore_mem>>) src(%dma_wait3A_369 : memref<10000x64xf32, #tpu.memory_space<hbm>>) dst(%dma_wait3A_359 : memref<128x64xf32, #tpu.memory_space<vmem>>)
      %run_scoped3A = arith.constant 0 : i32
      %run_scoped3A_370 = arith.constant 156 : i32
      "tpu.region"() ({
        %run_scoped3A_371 = tpu.sem_alloc : memref<!tpu.dma_semaphore, #tpu.memory_space<semaphore_mem>>
        %dma_start3A_372 = arith.constant 0 : i32
        %dma_start3A_373 = arith.constant 0 : i32
        %dma_start3A_374 = tpu.memref_slice %arg10[%run_scoped3A, %dma_start3A_372, %dma_start3A_373] : memref<4x128x64xf32, #tpu.memory_space<vmem>> -> memref<1x128x64xf32, #tpu.memory_space<vmem>>
        %dma_start3A_375 = tpu.memref_squeeze %dma_start3A_374 : memref<1x128x64xf32, #tpu.memory_space<vmem>> -> memref<128x64xf32, #tpu.memory_space<vmem>>
        %dma_start3A_376 = arith.constant 0 : i32
        %dma_start3A_377 = tpu.memref_slice %arg9[%run_scoped3A_370, %dma_start3A_376] : memref<157x128xi32, #tpu.memory_space<vmem>> -> memref<1x128xi32, #tpu.memory_space<vmem>>
        %dma_start3A_378 = tpu.memref_squeeze %dma_start3A_377 : memref<1x128xi32, #tpu.memory_space<vmem>> -> memref<128xi32, #tpu.memory_space<vmem>>
        %dma_start3A_379 = arith.constant 0 : i32
        %dma_start3A_380 = arith.constant 0 : i32
        %dma_start3A_381 = tpu.memref_slice %arg12[%dma_start3A_379, %dma_start3A_380] : memref<10000x64xf32, #tpu.memory_space<vmem_shared>> -> memref<10000x64xf32, #tpu.memory_space<vmem_shared>>
        tpu.enqueue_indirect_dma source(%dma_start3A_375 : memref<128x64xf32, #tpu.memory_space<vmem>>) target(%dma_start3A_381 : memref<10000x64xf32, #tpu.memory_space<vmem_shared>>) offsets(%dma_start3A_378 : memref<128xi32, #tpu.memory_space<vmem>>) semaphore(%run_scoped3A_371 : memref<!tpu.dma_semaphore, #tpu.memory_space<semaphore_mem>>) {add = true}
        %dma_wait3A_382 = arith.constant 0 : i32
        %dma_wait3A_383 = arith.constant 0 : i32
        %dma_wait3A_384 = tpu.memref_slice %arg10[%run_scoped3A, %dma_wait3A_382, %dma_wait3A_383] : memref<4x128x64xf32, #tpu.memory_space<vmem>> -> memref<1x128x64xf32, #tpu.memory_space<vmem>>
        %dma_wait3A_385 = tpu.memref_squeeze %dma_wait3A_384 : memref<1x128x64xf32, #tpu.memory_space<vmem>> -> memref<128x64xf32, #tpu.memory_space<vmem>>
        %dma_wait3A_386 = arith.constant 0 : i32
        %dma_wait3A_387 = tpu.memref_slice %arg9[%run_scoped3A_370, %dma_wait3A_386] : memref<157x128xi32, #tpu.memory_space<vmem>> -> memref<1x128xi32, #tpu.memory_space<vmem>>
        %dma_wait3A_388 = tpu.memref_squeeze %dma_wait3A_387 : memref<1x128xi32, #tpu.memory_space<vmem>> -> memref<128xi32, #tpu.memory_space<vmem>>
        %dma_wait3A_389 = arith.constant 0 : i32
        %dma_wait3A_390 = arith.constant 0 : i32
        %dma_wait3A_391 = tpu.memref_slice %arg12[%dma_wait3A_389, %dma_wait3A_390] : memref<10000x64xf32, #tpu.memory_space<vmem_shared>> -> memref<10000x64xf32, #tpu.memory_space<vmem_shared>>
        tpu.wait_indirect_dma semaphore(%run_scoped3A_371 : memref<!tpu.dma_semaphore, #tpu.memory_space<semaphore_mem>>) src(%dma_wait3A_385 : memref<128x64xf32, #tpu.memory_space<vmem>>) dst(%dma_wait3A_391 : memref<10000x64xf32, #tpu.memory_space<vmem_shared>>)
        tpu.yield
      }) : () -> ()
    } else {
    }
    %barrier3A_336 = arith.constant 0 : index
    tpu.barrier barrier_id(%barrier3A_336)
    "tpu.region"() ({
      %run_scoped3A = tpu.sem_alloc : memref<!tpu.dma_semaphore, #tpu.memory_space<semaphore_mem>>
      %dma_start3A_338 = tpu.memref_slice %arg7[%mul3A_2, %mul3A_0] : memref<10000x128xf32, #tpu.memory_space<hbm>> -> memref<625x64xf32, #tpu.memory_space<hbm>>
      %dma_start3A_339 = arith.constant 0 : i32
      %dma_start3A_340 = tpu.memref_slice %arg12[%mul3A_2, %dma_start3A_339] : memref<10000x64xf32, #tpu.memory_space<vmem_shared>> -> memref<625x64xf32, #tpu.memory_space<vmem_shared>>
      tpu.enqueue_dma source(%dma_start3A_340 : memref<625x64xf32, #tpu.memory_space<vmem_shared>>) target(%dma_start3A_338 : memref<625x64xf32, #tpu.memory_space<hbm>>) target_semaphore(%run_scoped3A : memref<!tpu.dma_semaphore, #tpu.memory_space<semaphore_mem>>)
      %dma_wait3A_341 = tpu.memref_slice %arg7[%mul3A_2, %mul3A_0] : memref<10000x128xf32, #tpu.memory_space<hbm>> -> memref<625x64xf32, #tpu.memory_space<hbm>>
      %dma_wait3A_342 = arith.constant 0 : i32
      %dma_wait3A_343 = tpu.memref_slice %arg12[%mul3A_2, %dma_wait3A_342] : memref<10000x64xf32, #tpu.memory_space<vmem_shared>> -> memref<625x64xf32, #tpu.memory_space<vmem_shared>>
      tpu.wait_dma2 semaphore(%run_scoped3A : memref<!tpu.dma_semaphore, #tpu.memory_space<semaphore_mem>>) src(%dma_wait3A_343 : memref<625x64xf32, #tpu.memory_space<vmem_shared>>) dst(%dma_wait3A_341 : memref<625x64xf32, #tpu.memory_space<hbm>>)
      tpu.yield
    }) : () -> ()
    %barrier3A_337 = arith.constant 0 : index
    tpu.barrier barrier_id(%barrier3A_337)
    return
  }
}

module attributes {stable_mosaic.version = 14 : i64} {
  func.func @_k6_body(%arg0: i32, %arg1: memref<1000x128xf32, #tpu.memory_space<vmem>>, %arg2: memref<256x256xf32, #tpu.memory_space<vmem>>, %arg3: memref<1x256xf32, #tpu.memory_space<vmem>>, %arg4: memref<1x1xf32, #tpu.memory_space<vmem>>, %arg5: memref<1x1xf32, #tpu.memory_space<vmem>>, %arg6: memref<1x256xf32, #tpu.memory_space<vmem>>) attributes {dimension_semantics = [#tpu.dimension_semantics<arbitrary>], iteration_bounds = array<i64: 10>, scalar_prefetch = 0 : i64, scratch_operands = 1 : i64, tpu.core_type = #tpu.core_type<tc>, window_params = [{transform_indices = @transform_0, window_bounds = array<i64: 1000, 128>}, {pipeline_mode = #tpu.pipeline_mode<synchronous>, transform_indices = @transform_1, window_bounds = array<i64: 256, 256>}, {pipeline_mode = #tpu.pipeline_mode<synchronous>, transform_indices = @transform_2, window_bounds = array<i64: 1, 256>}, {pipeline_mode = #tpu.pipeline_mode<synchronous>, transform_indices = @transform_3, window_bounds = array<i64: 1, 1>}, {pipeline_mode = #tpu.pipeline_mode<synchronous>, transform_indices = @transform_4, window_bounds = array<i64: 1, 1>}]} {
    %eq3A = arith.constant 0 : i32
    %eq3A_0 = arith.cmpi eq, %arg0, %eq3A : i32
    %convert_element_type3A = arith.extui %eq3A_0 : i1 to i32
    %cond3A = arith.constant 0 : i32
    %cond3A_1 = arith.cmpi ne, %convert_element_type3A, %cond3A : i32
    scf.if %cond3A_1 {
      %broadcast_in_dim3A_19 = arith.constant 0.000000e+00 : f32
      %broadcast_in_dim3A_20 = vector.broadcast %broadcast_in_dim3A_19 : f32 to vector<1x256xf32>
      %swap3A_21 = arith.constant 0 : index
      %swap3A_22 = arith.constant 0 : index
      %swap3A_23 = vector.load %arg6[%swap3A_21, %swap3A_22] : memref<1x256xf32, #tpu.memory_space<vmem>>, vector<1x256xf32>
      tpu.vector_store %arg6[%swap3A_21, %swap3A_22], %broadcast_in_dim3A_20 {strides = array<i32>} : memref<1x256xf32, #tpu.memory_space<vmem>>, vector<1x256xf32>,
    } else {
    }
    %get3A = arith.constant 0 : index
    %get3A_2 = arith.constant 0 : index
    %get3A_3 = vector.load %arg1[%get3A, %get3A_2] : memref<1000x128xf32, #tpu.memory_space<vmem>>, vector<1000x128xf32>
    %get3A_4 = arith.constant 0 : index
    %get3A_5 = arith.constant 0 : index
    %get3A_6 = vector.load %arg2[%get3A_4, %get3A_5] : memref<256x256xf32, #tpu.memory_space<vmem>>, vector<256x128xf32>
    %dot_general3A = arith.constant dense<0.000000e+00> : vector<1000x256xf32>
    %dot_general3A_7 = tpu.matmul %get3A_3, %get3A_6, %dot_general3A {dimension_numbers = #tpu.dot_dimension_numbers<[1], [1], [0], [0], [0, 0, 1, 0], [], []>, transpose_lhs_hint = false} : vector<1000x128xf32>, vector<256x128xf32>, vector<1000x256xf32> -> vector<1000x256xf32>
    %get3A_8 = arith.constant 0 : index
    %get3A_9 = arith.constant 0 : index
    %get3A_10 = vector.load %arg6[%get3A_8, %get3A_9] : memref<1x256xf32, #tpu.memory_space<vmem>>, vector<1x256xf32>
    %reduce_sum3A = arith.constant dense<0.000000e+00> : vector<256xf32>
    %reduce_sum3A_11 = vector.multi_reduction <add>, %dot_general3A_7, %reduce_sum3A [0] : vector<1000x256xf32> to vector<256xf32>
    %broadcast_in_dim3A = vector.shape_cast %reduce_sum3A_11 : vector<256xf32> to vector<1x256xf32>
    %add3A = arith.addf %get3A_10, %broadcast_in_dim3A : vector<1x256xf32>
    %swap3A = arith.constant 0 : index
    %swap3A_12 = arith.constant 0 : index
    %swap3A_13 = vector.load %arg6[%swap3A, %swap3A_12] : memref<1x256xf32, #tpu.memory_space<vmem>>, vector<1x256xf32>
    tpu.vector_store %arg6[%swap3A, %swap3A_12], %add3A {strides = array<i32>} : memref<1x256xf32, #tpu.memory_space<vmem>>, vector<1x256xf32>,
    %eq3A_14 = arith.constant 9 : i32
    %eq3A_15 = arith.cmpi eq, %arg0, %eq3A_14 : i32
    %convert_element_type3A_16 = arith.extui %eq3A_15 : i1 to i32
    %cond3A_17 = arith.constant 0 : i32
    %cond3A_18 = arith.cmpi ne, %convert_element_type3A_16, %cond3A_17 : i32
    scf.if %cond3A_18 {
      %get3A_19 = arith.constant 0 : index
      %get3A_20 = arith.constant 0 : index
      %get3A_21 = vector.load %arg6[%get3A_19, %get3A_20] : memref<1x256xf32, #tpu.memory_space<vmem>>, vector<1x256xf32>
      %mul3A = arith.constant 9.99999974E-5 : f32
      %mul3A_22 = vector.broadcast %mul3A : f32 to vector<1x256xf32>
      %mul3A_23 = arith.mulf %get3A_21, %mul3A_22 : vector<1x256xf32>
      %get3A_24 = arith.constant 0 : index
      %get3A_25 = arith.constant 0 : index
      %get3A_26 = vector.load %arg3[%get3A_24, %get3A_25] : memref<1x256xf32, #tpu.memory_space<vmem>>, vector<1x256xf32>
      %mul3A_27 = arith.mulf %mul3A_23, %get3A_26 : vector<1x256xf32>
      %reduce_sum3A_28 = vector.shape_cast %mul3A_27 : vector<1x256xf32> to vector<1x1x256xf32>
      %reduce_sum3A_29 = arith.constant dense<0.000000e+00> : vector<1xf32>
      %reduce_sum3A_30 = vector.multi_reduction <add>, %reduce_sum3A_28, %reduce_sum3A_29 [1, 2] : vector<1x1x256xf32> to vector<1xf32>
      %reduce_sum3A_31 = vector.shape_cast %reduce_sum3A_30 : vector<1xf32> to vector<1x1x1xf32>
      %reduce_sum3A_32 = vector.extract %reduce_sum3A_31[0, 0, 0] : f32 from vector<1x1x1xf32>
      %get3A_33 = arith.constant 0 : index
      %get3A_34 = arith.constant 0 : index
      %get3A_35 = vector.load %arg4[%get3A_33, %get3A_34] : memref<1x1xf32, #tpu.memory_space<vmem>>, vector<1x1xf32>
      %get3A_36 = vector.extract %get3A_35[0, 0] : f32 from vector<1x1xf32>
      %add3A_37 = arith.addf %reduce_sum3A_32, %get3A_36 : f32
      %reshape3A = vector.broadcast %add3A_37 : f32 to vector<1x1xf32>
      %swap3A_38 = arith.constant 0 : index
      %swap3A_39 = arith.constant 0 : index
      %swap3A_40 = vector.load %arg5[%swap3A_38, %swap3A_39] : memref<1x1xf32, #tpu.memory_space<vmem>>, vector<1x1xf32>
      tpu.vector_store %arg5[%swap3A_38, %swap3A_39], %reshape3A {strides = array<i32>} : memref<1x1xf32, #tpu.memory_space<vmem>>, vector<1x1xf32>,
    } else {
    }
    return
  }
  func.func @transform_0(%arg0: i32) -> (i32, i32) {
    %c0_i32 = arith.constant 0 : i32
    %c0_i32_0 = arith.constant 0 : i32
    return %arg0, %c0_i32 : i32, i32
  }
  func.func @transform_1(%arg0: i32) -> (i32, i32) {
    %c0_i32 = arith.constant 0 : i32
    %c0_i32_0 = arith.constant 0 : i32
    %c0_i32_1 = arith.constant 0 : i32
    return %c0_i32, %c0_i32_0 : i32, i32
  }
  func.func @transform_2(%arg0: i32) -> (i32, i32) {
    %c0_i32 = arith.constant 0 : i32
    %c0_i32_0 = arith.constant 0 : i32
    %c0_i32_1 = arith.constant 0 : i32
    return %c0_i32, %c0_i32_0 : i32, i32
  }
  func.func @transform_3(%arg0: i32) -> (i32, i32) {
    %c0_i32 = arith.constant 0 : i32
    %c0_i32_0 = arith.constant 0 : i32
    %c0_i32_1 = arith.constant 0 : i32
    return %c0_i32, %c0_i32_0 : i32, i32
  }
  func.func @transform_4(%arg0: i32) -> (i32, i32) {
    %c0_i32 = arith.constant 0 : i32
    %c0_i32_0 = arith.constant 0 : i32
    %c0_i32_1 = arith.constant 0 : i32
    return %c0_i32, %c0_i32_0 : i32, i32
  }
}

</mosaic_0001>

<sc_bundles>
// kernel: kernel.4.cloned.1.call-start
scs
__scs_entry_jumppad:
0x0: {  	(pc) =	sbr.rel $0x88, $3  }
0x1: {  	(tag) =	ssettag $0x0;
	lr =	simm.s32 $0x1  }
0x2: {  	[smem:$0x3F9C] =	sst lr;
	_ =	strace $0xD0000000  }
0x3: {  	_ = 	snop  }
0x4: {  	_ = 	snop  }
0x5: {  	_ = 	snop  }
0x6: {  	_ = 	snop  }
0x7: {  	_ = 	snop  }
__scs_overlays_trampoline_lowered:
0x8: {  	[smem:$0x3FAB] =	sst s0  }
0x9: {  	[smem:$0x3FAC] =	sst s1  }
0xa: {  	[smem:$0x3FAD] =	sst s2  }
0xb: {  	[smem:$0x3FAE] =	sst s3  }
0xc: {  	[smem:$0x3FAF] =	sst s4  }
0xd: {  	[smem:$0x3FB0] =	sst s5  }
0xe: {  	[smem:$0x3FB1] =	sst s6  }
0xf: {  	[smem:$0x3FB2] =	sst s7  }
0x10: {  	[smem:$0x3FB3] =	sst s8  }
0x11: {  	[smem:$0x3FB4] =	sst s9;
	s0 =	simm.s32 @!p0 $0x0  }
0x12: {  	s1 =	sld [smem:$0x3F9A];
	s0 =	simm.s32 @p0 $0x1  }
0x13: {  	[smem:$0x3FB5] =	sst s0;
	s0 =	simm.s32 @!p1 $0x0  }
0x14: {  	s2 =	sld [smem:$0x3F99];
	s0 =	simm.s32 @p1 $0x1  }
0x15: {  	[smem:$0x3FB6] =	sst s0;
	s0 =	simm.s32 @!p2 $0x0  }
0x16: {  	s3 =	sld [smem:$0x3FDB];
	s0 =	simm.s32 @p2 $0x1  }
0x17: {  	s4 =	simm.s32 $0x1BF5;
	[smem:$0x3FB8] =	sst s0  }
0x18: {  	s0 =	sld [smem:$0x3F9B];
	_ =	swait.ge [sflag:s4], $0x0  }
0x19: {  	s7 =	sld [smem:$0x3F9C]  }
0x1a: {  	s8 =	sadd.s32 $0xFFFFE003, lr  }
0x1b: {  	s9 =	sadd.s32 $0xFFFFFEF7, lr;
	s5 =	simm.s32 $0xFFFFFFFF;
	p2 =	slt.u32 s8, $0xFFFFF086  }
0x1c: {  	p1 =	slt.u32 s9, $0xF7A;
	s5 =	simm.s32 @!p2 $0x0  }
0x1d: {  	s5 =	simm.s32 @p1 $0x1;
	p0 =	seq.s32 s7, s2  }
0x1e: {  	s7 =	smul.u32 @!p0 $0xF7A, s2;
	p2 =	seq.s32 @!p0 s5, $0x0  }
0x1f: {  	s9 =	smul.u32 $0xF7A, s1;
	s8 =	simm.s32 @!p0 $0x1BF5;
	p2 =	por !p2, p0  }
0x20: {  	[sflag:s8] =	ssyncset.s32 @!p0 $0xFFFFF086;
	s6 =	sadd.s32 @!p0 s3, s7;
	s7 =	simm.s32 @!p0 $0x108  }
0x21: {  	s3 =	sadd.s32 s3, s9;
	s6 =	sadd.s32 @!p0 $0x88, s6;
	s7 =	simm.s32 @p2 $0x1082  }
0x22: {  	[simem:s7], [sflag:s8] =	dma.local @!p0 [hbm:s6], $0xF7A  }
0x23: {  	s9 =	sor.u32 $0xD0000000, s2;
	s6 =	simm.s32 $0x108;
	_ =	swait.ge @!p0 [sflag:s8], $0x0  }
0x24: {  	s3 =	sadd.s32 $0x88, s3;
	s6 =	simm.s32 @!p1 $0x1082;
	[sflag:s4] =	ssyncset.s32 $0xFFFFF086  }
0x25: {  	[simem:s6], [sflag:s4] =	dma.local [hbm:s3], $0xF7A  }
0x26: {  	[smem:$0x3F9C] =	sst s1;
	(tag) =	ssettag s2;
	_ =	strace s9  }
0x27: {  	s1 =	sld [smem:$0x3FAC]  }
0x28: {  	s2 =	sld [smem:$0x3FAD]  }
0x29: {  	s4 =	sld [smem:$0x3FAF]  }
0x2a: {  	p0 =	seq.s32 s5, $0x0;
	s5 =	sld [smem:$0x3FB0]  }
0x2b: {  	s6 =	sld [smem:$0x3FB1]  }
0x2c: {  	s7 =	sld [smem:$0x3FB2]  }
0x2d: {  	s3 =	simm.s32 $0x108;
	s8 =	sld [smem:$0x3FB3]  }
0x2e: {  	s3 =	simm.s32 @!p0 $0x1082;
	s9 =	sld [smem:$0x3FB4]  }
0x2f: {  	lr =	sadd.s32 s0, s3;
	s0 =	sld [smem:$0x3FAB]  }
0x30: {  	s3 =	sld [smem:$0x3FAE]  }
0x31: {  	[smem:$0x3FB7] =	sst s10  }
0x32: {  	s10 =	sld [smem:$0x3FB5];
	_ =	sdelay $0x3  }
0x33: {  	p0 =	seq.s32 s10, $0x1;
	s10 =	sld [smem:$0x3FB7];
	_ =	sdelay $0x3  }
0x34: {  	[smem:$0x3FB7] =	sst s10  }
0x35: {  	s10 =	sld [smem:$0x3FB6];
	_ =	sdelay $0x3  }
0x36: {  	p1 =	seq.s32 s10, $0x1;
	s10 =	sld [smem:$0x3FB7];
	_ =	sdelay $0x3  }
0x37: {  	[smem:$0x3FB7] =	sst s10  }
0x38: {  	s10 =	sld [smem:$0x3FB8]  }
0x39: {  	_ = 	snop;
	(pc) =	sbr.ind lr, $3  }
0x3a: {  	_ = 	snop  }
0x3b: {  	_ = 	snop  }
0x3c: {  	p2 =	seq.s32 s10, $0x1;
	s10 =	sld [smem:$0x3FB7]  }
0x3d: {  	_ =	shalt  }
0x3e: {  	_ =	shalt  }
0x3f: {  	_ =	shalt  }
0x40: {  	_ =	shalt  }
0x41: {  	_ =	shalt  }
0x42: {  	_ =	shalt  }
0x43: {  	_ =	shalt  }
0x44: {  	_ =	shalt  }
0x45: {  	_ =	shalt  }
0x46: {  	_ =	shalt  }
0x47: {  	_ =	shalt  }
0x48: {  	_ =	shalt  }
0x49: {  	_ =	shalt  }
0x4a: {  	_ =	shalt  }
0x4b: {  	_ =	shalt  }
0x4c: {  	_ =	shalt  }
0x4d: {  	_ =	shalt  }
0x4e: {  	_ =	shalt  }
0x4f: {  	_ =	shalt  }
0x50: {  	_ =	shalt  }
0x51: {  	_ =	shalt  }
0x52: {  	_ =	shalt  }
0x53: {  	_ =	shalt  }
0x54: {  	_ =	shalt  }
0x55: {  	_ =	shalt  }
0x56: {  	_ =	shalt  }
0x57: {  	_ =	shalt  }
0x58: {  	_ =	shalt  }
0x59: {  	_ =	shalt  }
0x5a: {  	_ =	shalt  }
0x5b: {  	_ =	shalt  }
0x5c: {  	_ =	shalt  }
0x5d: {  	_ =	shalt  }
0x5e: {  	_ =	shalt  }
0x5f: {  	_ =	shalt  }
0x60: {  	_ =	shalt  }
0x61: {  	_ =	shalt  }
0x62: {  	_ =	shalt  }
0x63: {  	_ =	shalt  }
0x64: {  	_ =	shalt  }
0x65: {  	_ =	shalt  }
0x66: {  	_ =	shalt  }
0x67: {  	_ =	shalt  }
0x68: {  	_ =	shalt  }
0x69: {  	_ =	shalt  }
0x6a: {  	_ =	shalt  }
0x6b: {  	_ =	shalt  }
0x6c: {  	_ =	shalt  }
0x6d: {  	_ =	shalt  }
0x6e: {  	_ =	shalt  }
0x6f: {  	_ =	shalt  }
0x70: {  	_ =	shalt  }
0x71: {  	_ =	shalt  }
0x72: {  	_ =	shalt  }
0x73: {  	_ =	shalt  }
0x74: {  	_ =	shalt  }
0x75: {  	_ =	shalt  }
0x76: {  	_ =	shalt  }
0x77: {  	_ =	shalt  }
0x78: {  	_ =	shalt  }
0x79: {  	_ =	shalt  }
0x7a: {  	_ =	shalt  }
0x7b: {  	_ =	shalt  }
0x7c: {  	_ =	shalt  }
0x7d: {  	_ =	shalt  }
0x7e: {  	_ =	shalt  }
0x7f: {  	_ =	shalt  }
0x80: {  	_ =	shalt  }
0x81: {  	_ =	shalt  }
0x82: {  	_ =	shalt  }
0x83: {  	_ =	shalt  }
0x84: {  	_ =	shalt  }
0x85: {  	_ =	shalt  }
0x86: {  	_ =	shalt  }
0x87: {  	_ =	shalt  }
.Lfunc_end0:
.L_simem_size_0:
called_computation_lowered:
.L_overlay_start_0:
0x88: {  	s2 =	sld [smem:$0x3FD9]  }
0x89: {  	s3 =	sld [smem:$0x3FFE];
	_ =	sdelay $0x1  }
0x8a: {  	s1 =	srdreg.scid  }
0x8b: {  	s0 =	sand.u32 $0x1, s1  }
0x8c: {  	s17 =	sshll.u32 s0, $0xA;
	s2 =	sadd.s32 s3, s2  }
0x8d: {  	s2 =	sadd.s32 s2, s17  }
0x8e: {  	[smem:$0x3FC3] =	sst s2  }
0x8f: {  	_ = 	snop  }
0x90: {  	s2 =	sld [smem:$0x3FC9];
	(tm) =	ssettm $0x1  }
0x91: {  	s18 =	sld [smem:$0x3FFB];
	_ =	sdelay $0x3  }
0x92: {  	_ =	strace s18  }
0x93: {  	s3 =	sld [smem:$0x3FFC];
	_ =	sdelay $0x3  }
0x94: {  	_ =	strace s3  }
0x95: {  	s3 =	sld [smem:$0x3FFD];
	_ =	sdelay $0x3  }
0x96: {  	_ =	strace s3  }
0x97: {  	_ =	strace $0x8FFFFFFF  }
0x98: {  	s19 =	sld [smem:$0x3FDB];
	_ =	sdelay $0x1  }
0x99: {  	s4 =	simm.s32 $_scs_section_size  }
0x9a: {  	s5 =	simm.s32 $_size__tile_overlayer_lowered;
	s6 =	simm.s32 $_tile_overlayer_lowered  }
0x9b: {  	s22 =	simm.s32 $0x1BFF;
	s21 =	sshll.u32 s6, $0x1;
	s3 =	sadd.s32 s4, s19  }
0x9c: {  	s7 =	simm.s32 $0x0;
	s20 =	sshll.u32 s5, $0x1;
	s5 =	sadd.s32 s21, s3  }
0x9d: {  	[timem:s7], [sflag:s22] =	dma.local [hbm:s5], s20  }
0x9e: {  	_ =	swait.ge [sflag:s22], s20  }
0x9f: {  	s4 =	ssub.s32 $0x0, s20;
	[sflag:s22] =	ssyncset.done $0x0  }
0xa0: {  	[sflag:s22] =	ssyncadd.s32 s4;
	_ =	sdelay $0x1  }
0xa1: {  	s23 =	simm.s32 $0x1B8B  }
0xa2: {  	_ =	swait.ge [sflag:s23], $0x1  }
0xa3: {  	[sflag:s23] =	ssyncset.done $0x0  }
0xa4: {  	s25 =	simm.s32 $0x1B8E;
	s24 =	sld [smem:$0x3FFE];
	[sflag:s23] =	ssyncadd.s32 $0xFFFFFFFF  }
0xa5: {  	s26 =	simm.s32 $execute0_lowered;
	[smem:$0x3FD2] =	sst s25  }
0xa6: {  	s5 =	sshll.u32 s26, $0x1;
	_ =	strace $0x80000046;
	[dreg:$0x1] =	wrdreg $0xFFFFFFFF  }
0xa7: {  	s28 =	simm.s32 $_size_execute0_lowered;
	s3 =	sadd.s32 s3, s5;
	[dreg:$0x0] =	wrdreg $0x0  }
0xa8: {  	s5 =	sshll.u32 s28, $0x1;
	[dreg:$0x2] =	wrdreg s3  }
0xa9: {  	[dreg:$0x3] =	wrdreg s5  }
0xaa: {  	[dreg:$0x4] =	wrdreg $0xC0  }
0xab: {  	_ =	task [dreg:s7], $0x5FFFF  }
0xac: {  	[dreg:$0x1] =	wrdreg $0xFFFFFFFF  }
0xad: {  	[dreg:$0x0] =	wrdreg $0x60  }
0xae: {  	[dreg:$0x2] =	wrdreg s24  }
0xaf: {  	[dreg:$0x3] =	wrdreg s2  }
0xb0: {  	[dreg:$0x4] =	wrdreg $0x13C400  }
0xb1: {  	[dreg:$0x5] =	wrdreg $0x9  }
0xb2: {  	_ =	task.clear_ibuf [dreg:s7], $0x6FFFF;
	_ =	strace $0x90000046  }
0xb3: {  	s29 =	simm.s32 $0x9;
	_ =	strace $0x80000048  }
0xb4: {  	_ =	swait.ge [sflag:s29], $0x1  }
0xb5: {  	[sflag:s29] =	ssyncadd.s32 $0xFFFFFFFF  }
0xb6: {  	_ =	strace $0x90000048  }
0xb7: {  	_ =	sfence  }
0xb8: {  	s30 =	sld [smem:$0x0];
	_ =	sdelay $0x2  }
0xb9: {  	s31 =	sshll.u32 s1, $0xD;
	s1 =	sshrl.u32 s1, $0x2  }
0xba: {  	s3 =	sand.u32 $0x4000, s31;
	s1 =	sadd.s32 s1, s30  }
0xbb: {  	s0 =	sor.u32 s3, s0;
	s1 =	sshll.u32 s1, $0x11  }
0xbc: {  	s0 =	sor.u32 s1, s0  }
0xbd: {  	s0 =	sadd.s32 $0x8F2B, s0  }
0xbe: {  	[sflag:s0] =	ssyncadd.remote.s32 $0x1  }
0xbf: {  	_ =	sfence.sel $0xFFFF  }
0xc0: {  	[dreg:$0x0] =	wrdreg $0xFFFFFFFF;
	(pc) =	sbr.abs _section_cstart, $3  }
0xc1: {  	[dreg:$0x1] =	wrdreg $0xFFFFFFFF  }
0xc2: {  	_ =	task.clear_ibuf [dreg:s7], $0x2FFFF;
	_ =	strace $0x9FFFFFFF  }
0xc3: {  	(tm) =	ssettm $0x7FFFFFFF  }
tec
execute0_lowered:
.L_overlay_start_1:
0x0: {  	(tag) =	ssettag $0x1  }
0x1: {  	s3 =	rddreg [dreg:$0x0]  }
0x2: {  	s20 =	stileid.u32;
	s5 =	rddreg [dreg:$0x1]  }
0x3: {  	s1 =	rddreg [dreg:$0x2];
	s0 =	smul.u32 $0x9C, s20  }
0x4: {  	s2 =	simm.s32 $0x0;
	s6 =	srdreg.scid;
	s4 =	smul.u32 $0x9D, s20  }
0x5: {  	s31 =	simm.s32 $0x40;
	p0 =	slt.u32 s20, $0x4;
	s8 =	smul.u32 $0x13880, s20  }
0x6: {  	[smem:$0x7FF] =	sst s2;
	s7 =	sadd.s32 $0x3BA00, s3;
	s12 =	smul.u32 $0x9C40, s20  }
0x7: {  	s6 =	sand.u32 $0x1, s6;
	s9 =	sadd.s32 $0x62C00, s3;
	s14 =	smul.u32 $0x271, s20  }
0x8: {  	s10 =	sshll.u32 s6, $0x6;
	s11 =	smul.u32 $0x9C400, s6;
	s6 =	ssub.s32 $0x2, s6  }
0x9: {  	s0 =	sadd.s32 $0x4, s0;
	s8 =	sor.u32 s10, s8;
	s13 =	sshrl.u32 s6, $0x1  }
0xa: {  	s17 =	sadd.s32 $0x7D, s14;
	s22 =	sadd.s32 $0x177, s14;
	s0 =	smov.u32 @p0 s4  }
0xb: {  	s4 =	sadd.s32 $0x14800, s3;
	s8 =	sshrl.u32 s8, $0x3;
	s6 =	ssub.s32 s6, s13  }
0xc: {  	s16 =	sadd.s32 s12, s11;
	s18 =	sshll.u32 s17, $0x7;
	s13 =	sshll.u32 s17, $0x6  }
0xd: {  	s17 =	sadd.s32 $0xFA, s14;
	s24 =	sshll.u32 s22, $0x7;
	s14 =	sadd.s32 $0x1F4, s14  }
0xe: {  	s29 =	sshll.u32 s22, $0x6;
	p0 =	sgt.u32 s20, $0x3;
	s0 =	sshll.u32 s0, $0x4  }
0xf: {  	s0 =	sadd.s32 s0, s3;
	s3 =	sadd.s32 s8, s3;
	s8 =	sadd.s32 s5, s8  }
0x10: {  	[dreg:$0x4] =	wrdreg s8;
	s8 =	sshrl.u32 s16, $0x3;
	s16 =	sadd.s32 s11, s13  }
0x11: {  	s26 =	sshll.u32 s14, $0x7;
	s15 =	sadd.s32 s4, s8;
	s16 =	sshrl.u32 s16, $0x3  }
0x12: {  	s22 =	sadd.s32 s7, s8;
	[dreg:$0x5] =	wrdreg s15;
	s15 =	sor.u32 s10, s18  }
0x13: {  	s18 =	sshll.u32 s17, $0x7;
	s19 =	sadd.s32 s4, s16;
	s17 =	sshll.u32 s17, $0x6  }
0x14: {  	s16 =	sadd.s32 s11, s29;
	[dreg:$0xe] =	wrdreg s22;
	s15 =	sshrl.u32 s15, $0x3  }
0x15: {  	[dreg:$0x7] =	wrdreg s19;
	s21 =	sor.u32 s10, s18;
	s23 =	sadd.s32 s11, s17  }
0x16: {  	s18 =	sor.u32 s10, s24;
	s10 =	sor.u32 s10, s26;
	s19 =	sshll.u32 s14, $0x6  }
0x17: {  	s30 =	sshrl.u32 s16, $0x3;
	s24 =	sadd.s32 $0xE00, s0;
	s26 =	sadd.s32 $0x17C0, s0  }
0x18: {  	s15 =	sadd.s32 s5, s15;
	s25 =	sshrl.u32 s18, $0x3;
	s10 =	sshrl.u32 s10, $0x3  }
0x19: {  	s16 =	sadd.s32 s11, s19;
	s18 =	sadd.s32 s4, s30;
	s28 =	sadd.s32 s19, s1  }
0x1a: {  	s30 =	smax.u32 s6, $0x1;
	s6 =	simm.s32 $0xBD00;
	[dreg:$0x6] =	wrdreg s15  }
0x1b: {  	s19 =	simm.s32 $0x0;
	s15 =	sshrl.u32 s21, $0x3;
	[dreg:$0xc] =	wrdreg s18  }
0x1c: {  	s21 =	sshrl.u32 s11, $0x3;
	s11 =	simm.s32 $0x9A80;
	s15 =	sadd.s32 s5, s15  }
0x1d: {  	s14 =	sadd.s32 s4, s21;
	s18 =	sadd.s32 s9, s21;
	[dreg:$0x8] =	wrdreg s15  }
0x1e: {  	s15 =	sshrl.u32 s23, $0x3;
	s23 =	sadd.s32 s9, s8;
	s8 =	simm.s32 $0xDD00  }
0x1f: {  	s9 =	simm.s32 $0x180;
	s15 =	sadd.s32 s4, s15;
	[dreg:$0xf] =	wrdreg s23  }
0x20: {  	[dreg:$0x9] =	wrdreg s15;
	s15 =	sadd.s32 s5, s25;
	s5 =	sadd.s32 s5, s10  }
0x21: {  	s23 =	sadd.s32 s12, s1;
	[dreg:$0xb] =	wrdreg s5;
	s5 =	sshrl.u32 s16, $0x3  }
0x22: {  	s12 =	simm.s32 $0x1;
	[dreg:$0xa] =	wrdreg s15;
	s5 =	sadd.s32 s4, s5  }
0x23: {  	s25 =	sadd.s32 $0xAA40, s0;
	s0 =	sadd.s32 $0xB400, s0;
	[dreg:$0xd] =	wrdreg s5  }
0x24: {  	s10 =	simm.s32 $0xFD00;
	_ =	strace $0x80000047;
	[dreg:$0x10] =	wrdreg s24  }
0x25: {  	s16 =	sadd.s32 s7, s21;
	s7 =	simm.s32 $0x100;
	[dreg:$0x11] =	wrdreg s25  }
0x26: {  	s15 =	simm.s32 $0x9B80;
	s4 =	simm.s32 $0x2;
	[dreg:$0x12] =	wrdreg s26  }
0x27: {  	s5 =	simm.s32 $0x9D00;
	[dreg:$0x13] =	wrdreg s0;
	s24 =	sadd.s32 s13, s1  }
0x28: {  	s25 =	sadd.s32 s17, s1;
	s26 =	sadd.s32 s29, s1;
	s29 =	sadd.s32 $0x89E00, s3  }
0x29: {  	[dreg:$0x15] =	wrdreg s30;
	s0 =	simm.s32 $0x80;
	s3 =	simm.s32 $0x11D00  }
0x2a: {  	v0 =	vimm.f32 $0.0e+00;
	s13 =	simm.s32 $0x9B00;
	s17 =	simm.s32 $0x9C00;
	[dreg:$0x14] =	wrdreg s29  }
.LBB2_1:
0x2b: {  	s20 =	rddreg [dreg:$0x10]  }
0x2c: {  	[tilespmem:s2], [sflag:$0x1] =	stream.linear.gather [hbm4b:s20+s2], $0x4E00, $0x38;
	[tilespmem:$0x1D880] =	vst v63  }
0x2d: {  	s22 =	rddreg [dreg:$0x11];
	s21 =	simm.s32 $0x4E80  }
0x2e: {  	[tilespmem:s21], [sflag:$0x1] =	stream.linear.gather [hbm4b:s22+s2], $0x4E00, $0x38;
	[tilespmem:$0x1D880] =	vst v63  }
0x2f: {  	_ =	swait.ge [sflag:s12], $0x4E00  }
0x30: {  	[sflag:s12] =	ssyncset.done $0x0  }
0x31: {  	[sflag:s12] =	ssyncadd.s32 $0xFFFFB200  }
0x32: {  	_ =	swait.ge [sflag:s12], $0x4E00  }
0x33: {  	s20 =	simm.s32 @!p0 $0x0;
	[sflag:s12] =	ssyncset.done $0x0  }
0x34: {  	s21 =	simm.s32 @!p0 $0x4E00;
	s22 =	rddreg [dreg:$0x12];
	[sflag:s12] =	ssyncadd.s32 $0xFFFFB200  }
0x35: {  	[tilespmem:s21], [sflag:$0x1] =	stream.linear.gather @!p0 [hbm4b:s22+s20], $0x80, $0x38;
	[tilespmem:$0x1D880] =	vst v63  }
0x36: {  	s21 =	simm.s32 @!p0 $0x9C80;
	s22 =	rddreg [dreg:$0x13]  }
0x37: {  	[tilespmem:s21], [sflag:$0x1] =	stream.linear.gather @!p0 [hbm4b:s22+s20], $0x80, $0x38;
	[tilespmem:$0x1D880] =	vst v63  }
0x38: {  	s20 =	simm.s32 @!p0 $0x1  }
0x39: {  	_ =	swait.ge @!p0 [sflag:s20], $0x80  }
0x3a: {  	[sflag:s20] =	ssyncset.done @!p0 $0x0  }
0x3b: {  	[sflag:s20] =	ssyncadd.s32 @!p0 $0xFFFFFF80  }
0x3c: {  	_ =	swait.ge @!p0 [sflag:s20], $0x80  }
0x3d: {  	[sflag:s20] =	ssyncset.done @!p0 $0x0  }
0x3e: {  	s29 =	rddreg [dreg:$0x4];
	[sflag:s20] =	ssyncadd.s32 @!p0 $0xFFFFFF80  }
0x3f: {  	[tilespmem:s3], [sflag:$0x2] =	stream.strided.gather [hbm4b:s29+s31], $0x1F40, s0, s31, $0x38;
	[tilespmem:$0x1D880] =	vst v63  }
0x40: {  	_ =	swait.ge [sflag:s4], $0x1F40  }
0x41: {  	[sflag:s4] =	ssyncset.done $0x0  }
0x42: {  	s30 =	rddreg [dreg:$0x5];
	[sflag:s4] =	ssyncadd.s32 $0xFFFFE0C0  }
0x43: {  	[hbm4b:s30+s2] =	stream.linear.scatter [tilespmem:s3], [sflag:$0x2], $0x1F40, $0x38;
	[tilespmem:$0x1D880] =	vst v63  }
0x44: {  	_ =	swait.ge [sflag:s4], $0x1F40  }
0x45: {  	[sflag:s4] =	ssyncset.done $0x0  }
0x46: {  	s21 =	rddreg [dreg:$0x6];
	[sflag:s4] =	ssyncadd.s32 $0xFFFFE0C0  }
0x47: {  	[tilespmem:s3], [sflag:$0x2] =	stream.strided.gather [hbm4b:s21+s31], $0x1F40, s0, s31, $0x38;
	[tilespmem:$0x1D880] =	vst v63  }
0x48: {  	_ =	swait.ge [sflag:s4], $0x1F40  }
0x49: {  	[sflag:s4] =	ssyncset.done $0x0  }
0x4a: {  	s22 =	rddreg [dreg:$0x7];
	[sflag:s4] =	ssyncadd.s32 $0xFFFFE0C0  }
0x4b: {  	[hbm4b:s22+s2] =	stream.linear.scatter [tilespmem:s3], [sflag:$0x2], $0x1F40, $0x38;
	[tilespmem:$0x1D880] =	vst v63  }
0x4c: {  	_ =	swait.ge [sflag:s4], $0x1F40  }
0x4d: {  	[sflag:s4] =	ssyncset.done $0x0  }
0x4e: {  	s29 =	rddreg [dreg:$0x8];
	[sflag:s4] =	ssyncadd.s32 $0xFFFFE0C0  }
0x4f: {  	[tilespmem:s3], [sflag:$0x2] =	stream.strided.gather [hbm4b:s29+s31], $0x1F40, s0, s31, $0x38;
	[tilespmem:$0x1D880] =	vst v63  }
0x50: {  	_ =	swait.ge [sflag:s4], $0x1F40  }
0x51: {  	[sflag:s4] =	ssyncset.done $0x0  }
0x52: {  	s30 =	rddreg [dreg:$0x9];
	[sflag:s4] =	ssyncadd.s32 $0xFFFFE0C0  }
0x53: {  	[hbm4b:s30+s2] =	stream.linear.scatter [tilespmem:s3], [sflag:$0x2], $0x1F40, $0x38;
	[tilespmem:$0x1D880] =	vst v63  }
0x54: {  	_ =	swait.ge [sflag:s4], $0x1F40  }
0x55: {  	[sflag:s4] =	ssyncset.done $0x0  }
0x56: {  	s21 =	rddreg [dreg:$0xa];
	[sflag:s4] =	ssyncadd.s32 $0xFFFFE0C0  }
0x57: {  	[tilespmem:s3], [sflag:$0x2] =	stream.strided.gather [hbm4b:s21+s31], $0x1F40, s0, s31, $0x38;
	[tilespmem:$0x1D880] =	vst v63  }
0x58: {  	_ =	swait.ge [sflag:s4], $0x1F40  }
0x59: {  	[sflag:s4] =	ssyncset.done $0x0  }
0x5a: {  	s22 =	rddreg [dreg:$0xc];
	[sflag:s4] =	ssyncadd.s32 $0xFFFFE0C0  }
0x5b: {  	[hbm4b:s22+s2] =	stream.linear.scatter [tilespmem:s3], [sflag:$0x2], $0x1F40, $0x38;
	[tilespmem:$0x1D880] =	vst v63  }
0x5c: {  	_ =	swait.ge [sflag:s4], $0x1F40  }
0x5d: {  	[sflag:s4] =	ssyncset.done $0x0  }
0x5e: {  	s29 =	rddreg [dreg:$0xb];
	[sflag:s4] =	ssyncadd.s32 $0xFFFFE0C0  }
0x5f: {  	[tilespmem:s3], [sflag:$0x2] =	stream.strided.gather [hbm4b:s29+s31], $0x1F40, s0, s31, $0x38;
	[tilespmem:$0x1D880] =	vst v63  }
0x60: {  	_ =	swait.ge [sflag:s4], $0x1F40  }
0x61: {  	[sflag:s4] =	ssyncset.done $0x0  }
0x62: {  	s30 =	rddreg [dreg:$0xd];
	[sflag:s4] =	ssyncadd.s32 $0xFFFFE0C0  }
0x63: {  	[hbm4b:s30+s2] =	stream.linear.scatter [tilespmem:s3], [sflag:$0x2], $0x1F40, $0x38;
	[tilespmem:$0x1D880] =	vst v63  }
0x64: {  	_ =	swait.ge [sflag:s4], $0x1F40  }
0x65: {  	[sflag:s4] =	ssyncset.done $0x0  }
0x66: {  	s20 =	simm.s32 $0x11D80;
	[sflag:s4] =	ssyncadd.s32 $0xFFFFE0C0  }
0x67: {  	[tilespmem:s20+$0xFFFFFF80] =	vst v0  }
0x68: {  	[tilespmem:s20+$0x70] =	vst v0  }
0x69: {  	[tilespmem:s20+$0x60] =	vst v0  }
0x6a: {  	[tilespmem:s20+$0x50] =	vst v0  }
0x6b: {  	[tilespmem:s20+$0x40] =	vst v0  }
0x6c: {  	[tilespmem:s20+$0x30] =	vst v0  }
0x6d: {  	[tilespmem:s20+$0x20] =	vst v0  }
0x6e: {  	[tilespmem:s20+$0x10] =	vst v0  }
0x6f: {  	[tilespmem:s20+$0x0] =	vst v0  }
0x70: {  	[tilespmem:s20+$0xFFFFFFF0] =	vst v0  }
0x71: {  	[tilespmem:s20+$0xFFFFFFE0] =	vst v0  }
0x72: {  	[tilespmem:s20+$0xFFFFFFD0] =	vst v0  }
0x73: {  	[tilespmem:s20+$0xFFFFFFC0] =	vst v0  }
0x74: {  	[tilespmem:s20+$0xFFFFFFB0] =	vst v0  }
0x75: {  	s21 =	simm.s32 $0x0;
	[tilespmem:s20+$0xFFFFFFA0] =	vst v0  }
.LBB2_2:
0x76: {  	s21 =	sadd.s32 $0x4, s21;
	[tilespmem:s20+$0xFFFFFF90] =	vst v0;
	s20 =	sadd.s32 $0x100, s20  }
0x77: {  	[tilespmem:s20+$0xFFFFFF80] =	vst v0;
	p1 =	slt.u32 s21, $0x78  }
0x78: {  	[tilespmem:s20+$0x70] =	vst v0  }
0x79: {  	[tilespmem:s20+$0x60] =	vst v0  }
0x7a: {  	[tilespmem:s20+$0x50] =	vst v0  }
0x7b: {  	[tilespmem:s20+$0x40] =	vst v0  }
0x7c: {  	[tilespmem:s20+$0x30] =	vst v0  }
0x7d: {  	[tilespmem:s20+$0x20] =	vst v0  }
0x7e: {  	[tilespmem:s20+$0x10] =	vst v0  }
0x7f: {  	[tilespmem:s20+$0x0] =	vst v0  }
0x80: {  	[tilespmem:s20+$0xFFFFFFF0] =	vst v0  }
.Ltmp0:
0x81: {  	[tilespmem:s20+$0xFFFFFFE0] =	vst v0;
	(pc) =	sbr.rel @p1 .LBB2_2-.Ltmp0, $4  }
0x82: {  	[tilespmem:s20+$0xFFFFFFD0] =	vst v0  }
0x83: {  	[tilespmem:s20+$0xFFFFFFC0] =	vst v0  }
0x84: {  	[tilespmem:s20+$0xFFFFFFB0] =	vst v0  }
0x85: {  	[tilespmem:s20+$0xFFFFFFA0] =	vst v0  }
0x86: {  	[tilespmem:s20+$0xFFFFFF90] =	vst v0  }
0x87: {  	[tilespmem:$0x13C00] =	vst v0  }
0x88: {  	[tilespmem:$0x13C10] =	vst v0  }
0x89: {  	[tilespmem:$0x13C20] =	vst v0  }
0x8a: {  	[tilespmem:$0x13C30] =	vst v0  }
0x8b: {  	[spmem:s23] =	stream.linear.scatter [tilespmem:s3], [sflag:$0x2], $0x1F40, $0x38;
	[tilespmem:$0x1D880] =	vst v63  }
0x8c: {  	_ =	swait.ge [sflag:s4], $0x1F40  }
0x8d: {  	[sflag:s4] =	ssyncset.done $0x0  }
0x8e: {  	[sflag:s4] =	ssyncadd.s32 $0xFFFFE0C0  }
0x8f: {  	[spmem:s24] =	stream.linear.scatter [tilespmem:s3], [sflag:$0x2], $0x1F40, $0x38;
	[tilespmem:$0x1D880] =	vst v63  }
0x90: {  	_ =	swait.ge [sflag:s4], $0x1F40  }
0x91: {  	[sflag:s4] =	ssyncset.done $0x0  }
0x92: {  	[sflag:s4] =	ssyncadd.s32 $0xFFFFE0C0  }
0x93: {  	[spmem:s25] =	stream.linear.scatter [tilespmem:s3], [sflag:$0x2], $0x1F40, $0x38;
	[tilespmem:$0x1D880] =	vst v63  }
0x94: {  	_ =	swait.ge [sflag:s4], $0x1F40  }
0x95: {  	[sflag:s4] =	ssyncset.done $0x0  }
0x96: {  	[sflag:s4] =	ssyncadd.s32 $0xFFFFE0C0  }
0x97: {  	[spmem:s26] =	stream.linear.scatter [tilespmem:s3], [sflag:$0x2], $0x1F40, $0x38;
	[tilespmem:$0x1D880] =	vst v63  }
0x98: {  	_ =	swait.ge [sflag:s4], $0x1F40  }
0x99: {  	[sflag:s4] =	ssyncset.done $0x0  }
0x9a: {  	[sflag:s4] =	ssyncadd.s32 $0xFFFFE0C0  }
0x9b: {  	[spmem:s28] =	stream.linear.scatter [tilespmem:s3], [sflag:$0x2], $0x1F40, $0x38;
	[tilespmem:$0x1D880] =	vst v63  }
0x9c: {  	_ =	swait.ge [sflag:s4], $0x1F40  }
0x9d: {  	[sflag:s4] =	ssyncset.done $0x0  }
0x9e: {  	[sflag:s4] =	ssyncadd.s32 $0xFFFFE0C0  }
0x9f: {  	s21 =	simm.s32 $0x0;
	[bflag:$0x0] =	sbarrier.arrive $0xFFFF  }
0xa0: {  	[tilespmem:s5], [sflag:$0x1] =	stream.indirect.gather [hbm4b:s14+s0], $0x40, s21, s0, $0xb8;
	[tilespmem:$0x1D880] =	vst v63  }
0xa1: {  	_ = 	snop  }
0xa2: {  	[tilespmem:s6], [sflag:$0x1] =	stream.indirect.gather [hbm4b:s14+s0], $0x40, s0, s0, $0xb8;
	[tilespmem:$0x1D880] =	vst v63  }
0xa3: {  	_ = 	snop  }
0xa4: {  	[tilespmem:s8], [sflag:$0x1] =	stream.indirect.gather [hbm4b:s14+s0], $0x40, s7, s0, $0xb8;
	[tilespmem:$0x1D880] =	vst v63  }
0xa5: {  	_ = 	snop  }
0xa6: {  	[tilespmem:s10], [sflag:$0x1] =	stream.indirect.gather [hbm4b:s14+s0], $0x40, s9, s0, $0xb8;
	[tilespmem:$0x1D880] =	vst v63  }
0xa7: {  	_ =	swait.ge [sflag:s12], $0x2000  }
0xa8: {  	[sflag:s12] =	ssyncset.done $0x0  }
0xa9: {  	s22 =	simm.s32 $0x4E80;
	[sflag:s12] =	ssyncadd.s32 $0xFFFFE000  }
0xaa: {  	[spmem:s1] =	stream.indirect.scatter.add.f32 [tilespmem:s5], [sflag:$0x2], $0x40, s22, s0, $0xb8;
	[tilespmem:$0x1D880] =	vst v63  }
0xab: {  	_ =	swait.ge [sflag:s4], $0x2000  }
0xac: {  	[sflag:s4] =	ssyncset.done $0x0  }
0xad: {  	s29 =	simm.s32 $0x200;
	[sflag:s4] =	ssyncadd.s32 $0xFFFFE000  }
0xae: {  	[tilespmem:s5], [sflag:$0x1] =	stream.indirect.gather [hbm4b:s14+s0], $0x40, s29, s0, $0xb8;
	[tilespmem:$0x1D880] =	vst v63  }
0xaf: {  	_ =	swait.ge [sflag:s12], $0x2000  }
0xb0: {  	[sflag:s12] =	ssyncset.done $0x0  }
0xb1: {  	s30 =	simm.s32 $0x4F00;
	[sflag:s12] =	ssyncadd.s32 $0xFFFFE000  }
0xb2: {  	[spmem:s1] =	stream.indirect.scatter.add.f32 [tilespmem:s6], [sflag:$0x2], $0x40, s30, s0, $0xb8;
	[tilespmem:$0x1D880] =	vst v63  }
0xb3: {  	_ =	swait.ge [sflag:s4], $0x2000  }
0xb4: {  	[sflag:s4] =	ssyncset.done $0x0  }
0xb5: {  	s21 =	simm.s32 $0x280;
	[sflag:s4] =	ssyncadd.s32 $0xFFFFE000  }
0xb6: {  	[tilespmem:s6], [sflag:$0x1] =	stream.indirect.gather [hbm4b:s14+s0], $0x40, s21, s0, $0xb8;
	[tilespmem:$0x1D880] =	vst v63  }
0xb7: {  	_ =	swait.ge [sflag:s12], $0x2000  }
0xb8: {  	[sflag:s12] =	ssyncset.done $0x0  }
0xb9: {  	s22 =	simm.s32 $0x4F80;
	[sflag:s12] =	ssyncadd.s32 $0xFFFFE000  }
0xba: {  	[spmem:s1] =	stream.indirect.scatter.add.f32 [tilespmem:s8], [sflag:$0x2], $0x40, s22, s0, $0xb8;
	[tilespmem:$0x1D880] =	vst v63  }
0xbb: {  	_ =	swait.ge [sflag:s4], $0x2000  }
0xbc: {  	[sflag:s4] =	ssyncset.done $0x0  }
0xbd: {  	s29 =	simm.s32 $0x300;
	[sflag:s4] =	ssyncadd.s32 $0xFFFFE000  }
0xbe: {  	[tilespmem:s8], [sflag:$0x1] =	stream.indirect.gather [hbm4b:s14+s0], $0x40, s29, s0, $0xb8;
	[tilespmem:$0x1D880] =	vst v63  }
0xbf: {  	_ =	swait.ge [sflag:s12], $0x2000  }
0xc0: {  	[sflag:s12] =	ssyncset.done $0x0  }
0xc1: {  	s30 =	simm.s32 $0x5000;
	[sflag:s12] =	ssyncadd.s32 $0xFFFFE000  }
0xc2: {  	[spmem:s1] =	stream.indirect.scatter.add.f32 [tilespmem:s10], [sflag:$0x2], $0x40, s30, s0, $0xb8;
	[tilespmem:$0x1D880] =	vst v63  }
0xc3: {  	_ =	swait.ge [sflag:s4], $0x2000  }
0xc4: {  	[sflag:s4] =	ssyncset.done $0x0  }
0xc5: {  	s20 =	simm.s32 $0x800;
	s21 =	simm.s32 $0x380;
	[sflag:s4] =	ssyncadd.s32 $0xFFFFE000  }
.LBB2_4:
0xc6: {  	[tilespmem:s10], [sflag:$0x1] =	stream.indirect.gather [hbm4b:s14+s0], $0x40, s21, s0, $0xb8;
	[tilespmem:$0x1D880] =	vst v63  }
0xc7: {  	s21 =	smov.u32 s20  }
0xc8: {  	p1 =	sne.s32 s20, $0x12800;
	s20 =	sadd.s32 $0x800, s20;
	_ =	swait.ge [sflag:s12], $0x2000  }
0xc9: {  	s21 =	sshra.s32 s21, $0x2;
	[sflag:s12] =	ssyncset.done $0x0  }
0xca: {  	s22 =	sadd.s32 $0x4E80, s21;
	[sflag:s12] =	ssyncadd.s32 $0xFFFFE000  }
0xcb: {  	[spmem:s1] =	stream.indirect.scatter.add.f32 [tilespmem:s5], [sflag:$0x2], $0x40, s22, s0, $0xb8;
	[tilespmem:$0x1D880] =	vst v63  }
0xcc: {  	_ =	swait.ge [sflag:s4], $0x2000  }
0xcd: {  	[sflag:s4] =	ssyncset.done $0x0  }
0xce: {  	s22 =	sadd.s32 $0x200, s21;
	[sflag:s4] =	ssyncadd.s32 $0xFFFFE000  }
0xcf: {  	[tilespmem:s5], [sflag:$0x1] =	stream.indirect.gather [hbm4b:s14+s0], $0x40, s22, s0, $0xb8;
	[tilespmem:$0x1D880] =	vst v63  }
0xd0: {  	_ =	swait.ge [sflag:s12], $0x2000  }
0xd1: {  	[sflag:s12] =	ssyncset.done $0x0  }
0xd2: {  	s22 =	sadd.s32 $0x4F00, s21;
	[sflag:s12] =	ssyncadd.s32 $0xFFFFE000  }
0xd3: {  	[spmem:s1] =	stream.indirect.scatter.add.f32 [tilespmem:s6], [sflag:$0x2], $0x40, s22, s0, $0xb8;
	[tilespmem:$0x1D880] =	vst v63  }
0xd4: {  	_ =	swait.ge [sflag:s4], $0x2000  }
0xd5: {  	[sflag:s4] =	ssyncset.done $0x0  }
0xd6: {  	s22 =	sadd.s32 $0x280, s21;
	[sflag:s4] =	ssyncadd.s32 $0xFFFFE000  }
0xd7: {  	[tilespmem:s6], [sflag:$0x1] =	stream.indirect.gather [hbm4b:s14+s0], $0x40, s22, s0, $0xb8;
	[tilespmem:$0x1D880] =	vst v63  }
0xd8: {  	_ =	swait.ge [sflag:s12], $0x2000  }
0xd9: {  	[sflag:s12] =	ssyncset.done $0x0  }
0xda: {  	s22 =	sadd.s32 $0x4F80, s21;
	[sflag:s12] =	ssyncadd.s32 $0xFFFFE000  }
0xdb: {  	[spmem:s1] =	stream.indirect.scatter.add.f32 [tilespmem:s8], [sflag:$0x2], $0x40, s22, s0, $0xb8;
	[tilespmem:$0x1D880] =	vst v63  }
0xdc: {  	_ =	swait.ge [sflag:s4], $0x2000  }
0xdd: {  	[sflag:s4] =	ssyncset.done $0x0  }
0xde: {  	s22 =	sadd.s32 $0x300, s21;
	[sflag:s4] =	ssyncadd.s32 $0xFFFFE000  }
0xdf: {  	[tilespmem:s8], [sflag:$0x1] =	stream.indirect.gather [hbm4b:s14+s0], $0x40, s22, s0, $0xb8;
	[tilespmem:$0x1D880] =	vst v63  }
0xe0: {  	_ =	swait.ge [sflag:s12], $0x2000  }
0xe1: {  	[sflag:s12] =	ssyncset.done $0x0  }
.Ltmp1:
0xe2: {  	s22 =	sadd.s32 $0x5000, s21;
	[sflag:s12] =	ssyncadd.s32 $0xFFFFE000;
	(pc) =	sbr.rel @p1 .LBB2_4-.Ltmp1, $4  }
0xe3: {  	[spmem:s1] =	stream.indirect.scatter.add.f32 [tilespmem:s10], [sflag:$0x2], $0x40, s22, s0, $0xb8;
	[tilespmem:$0x1D880] =	vst v63  }
0xe4: {  	_ =	swait.ge [sflag:s4], $0x2000  }
0xe5: {  	[sflag:s4] =	ssyncset.done $0x0  }
0xe6: {  	s21 =	sadd.s32 $0x380, s21;
	[sflag:s4] =	ssyncadd.s32 $0xFFFFE000  }
0xe7: {  	[tilespmem:s10], [sflag:$0x1] =	stream.indirect.gather [hbm4b:s14+s0], $0x40, s21, s0, $0xb8;
	[tilespmem:$0x1D880] =	vst v63  }
0xe8: {  	_ =	swait.ge [sflag:s12], $0x2000  }
0xe9: {  	[sflag:s12] =	ssyncset.done $0x0  }
0xea: {  	[sflag:s12] =	ssyncadd.s32 $0xFFFFE000  }
0xeb: {  	[spmem:s1] =	stream.indirect.scatter.add.f32 [tilespmem:s5], [sflag:$0x2], $0x40, s11, s0, $0xb8;
	[tilespmem:$0x1D880] =	vst v63  }
0xec: {  	_ =	swait.ge [sflag:s4], $0x2000  }
0xed: {  	[sflag:s4] =	ssyncset.done $0x0  }
0xee: {  	[sflag:s4] =	ssyncadd.s32 $0xFFFFE000  }
0xef: {  	_ =	swait.ge [sflag:s12], $0x2000  }
0xf0: {  	[sflag:s12] =	ssyncset.done $0x0  }
0xf1: {  	[sflag:s12] =	ssyncadd.s32 $0xFFFFE000  }
0xf2: {  	[spmem:s1] =	stream.indirect.scatter.add.f32 [tilespmem:s6], [sflag:$0x2], $0x40, s13, s0, $0xb8;
	[tilespmem:$0x1D880] =	vst v63  }
0xf3: {  	_ =	swait.ge [sflag:s4], $0x2000  }
0xf4: {  	[sflag:s4] =	ssyncset.done $0x0  }
0xf5: {  	[sflag:s4] =	ssyncadd.s32 $0xFFFFE000  }
0xf6: {  	_ =	swait.ge [sflag:s12], $0x2000  }
0xf7: {  	[sflag:s12] =	ssyncset.done $0x0  }
0xf8: {  	[sflag:s12] =	ssyncadd.s32 $0xFFFFE000  }
0xf9: {  	[spmem:s1] =	stream.indirect.scatter.add.f32 [tilespmem:s8], [sflag:$0x2], $0x40, s15, s0, $0xb8;
	[tilespmem:$0x1D880] =	vst v63  }
0xfa: {  	_ =	swait.ge [sflag:s4], $0x2000  }
0xfb: {  	[sflag:s4] =	ssyncset.done $0x0  }
0xfc: {  	[sflag:s4] =	ssyncadd.s32 $0xFFFFE000  }
0xfd: {  	_ =	swait.ge [sflag:s12], $0x2000  }
0xfe: {  	[sflag:s12] =	ssyncset.done $0x0  }
0xff: {  	[sflag:s12] =	ssyncadd.s32 $0xFFFFE000  }
0x100: {  	[spmem:s1] =	stream.indirect.scatter.add.f32 [tilespmem:s10], [sflag:$0x2], $0x40, s17, s0, $0xb8;
	[tilespmem:$0x1D880] =	vst v63  }
0x101: {  	_ =	swait.ge [sflag:s4], $0x2000  }
0x102: {  	s20 =	simm.s32 @!p0 $0x80;
	[sflag:s4] =	ssyncset.done $0x0  }
0x103: {  	s21 =	simm.s32 @!p0 $0x4E00;
	s22 =	simm.s32 @!p0 $0x9D00;
	[sflag:s4] =	ssyncadd.s32 $0xFFFFE000  }
0x104: {  	[tilespmem:s22], [sflag:$0x1] =	stream.indirect.gather @!p0 [hbm4b:s14+s20], $0x40, s21, s20, $0xb8;
	[tilespmem:$0x1D880] =	vst v63  }
0x105: {  	s21 =	simm.s32 @!p0 $0x1  }
0x106: {  	_ =	swait.ge @!p0 [sflag:s21], $0x2000  }
0x107: {  	[sflag:s21] =	ssyncset.done @!p0 $0x0  }
0x108: {  	[sflag:s21] =	ssyncadd.s32 @!p0 $0xFFFFE000;
	s21 =	simm.s32 @!p0 $0x9C80  }
0x109: {  	[spmem:s1] =	stream.indirect.scatter.add.f32 @!p0 [tilespmem:s22], [sflag:$0x2], $0x40, s21, s20, $0xb8;
	[tilespmem:$0x1D880] =	vst v63  }
0x10a: {  	s20 =	simm.s32 @!p0 $0x2  }
0x10b: {  	_ =	swait.ge @!p0 [sflag:s20], $0x2000  }
0x10c: {  	[sflag:s20] =	ssyncset.done @!p0 $0x0  }
0x10d: {  	s22 =	stileid.u32;
	[sflag:s20] =	ssyncadd.s32 @!p0 $0xFFFFE000  }
0x10e: {  	s20 =	sshll.u32 s22, $0x6;
	[bflag:$0x0] =	sbarrier.arrive $0xFFFF  }
0x10f: {  	s21 =	sshrl.u32 s23, $0x3;
	s20 =	sor.u32 $0x1C02, s20;
	s30 =	rddreg [dreg:$0xe]  }
0x110: {  	[hbm:s30], [sflag:s20] =	dma.local [spmem:s21], $0x1388  }
0x111: {  	_ =	swait.ge [sflag:s4], $0x1388  }
0x112: {  	[sflag:s4] =	ssyncset.done $0x0  }
0x113: {  	[sflag:s4] =	ssyncadd.s32 $0xFFFFEC78  }
0x114: {  	[spmem:s23] =	stream.linear.scatter [tilespmem:s3], [sflag:$0x2], $0x1F40, $0x38;
	[tilespmem:$0x1D880] =	vst v63  }
0x115: {  	_ =	swait.ge [sflag:s4], $0x1F40  }
0x116: {  	[sflag:s4] =	ssyncset.done $0x0  }
0x117: {  	[sflag:s4] =	ssyncadd.s32 $0xFFFFE0C0  }
0x118: {  	[spmem:s24] =	stream.linear.scatter [tilespmem:s3], [sflag:$0x2], $0x1F40, $0x38;
	[tilespmem:$0x1D880] =	vst v63  }
0x119: {  	_ =	swait.ge [sflag:s4], $0x1F40  }
0x11a: {  	[sflag:s4] =	ssyncset.done $0x0  }
0x11b: {  	[sflag:s4] =	ssyncadd.s32 $0xFFFFE0C0  }
0x11c: {  	[spmem:s25] =	stream.linear.scatter [tilespmem:s3], [sflag:$0x2], $0x1F40, $0x38;
	[tilespmem:$0x1D880] =	vst v63  }
0x11d: {  	_ =	swait.ge [sflag:s4], $0x1F40  }
0x11e: {  	[sflag:s4] =	ssyncset.done $0x0  }
0x11f: {  	[sflag:s4] =	ssyncadd.s32 $0xFFFFE0C0  }
0x120: {  	[spmem:s26] =	stream.linear.scatter [tilespmem:s3], [sflag:$0x2], $0x1F40, $0x38;
	[tilespmem:$0x1D880] =	vst v63  }
0x121: {  	_ =	swait.ge [sflag:s4], $0x1F40  }
0x122: {  	[sflag:s4] =	ssyncset.done $0x0  }
0x123: {  	[sflag:s4] =	ssyncadd.s32 $0xFFFFE0C0  }
0x124: {  	[spmem:s28] =	stream.linear.scatter [tilespmem:s3], [sflag:$0x2], $0x1F40, $0x38;
	[tilespmem:$0x1D880] =	vst v63  }
0x125: {  	_ =	swait.ge [sflag:s4], $0x1F40  }
0x126: {  	[sflag:s4] =	ssyncset.done $0x0  }
0x127: {  	[sflag:s4] =	ssyncadd.s32 $0xFFFFE0C0  }
0x128: {  	s30 =	simm.s32 $0x0;
	[bflag:$0x0] =	sbarrier.arrive $0xFFFF  }
0x129: {  	[tilespmem:s5], [sflag:$0x1] =	stream.indirect.gather [hbm4b:s16+s0], $0x40, s30, s0, $0xb8;
	[tilespmem:$0x1D880] =	vst v63  }
0x12a: {  	_ = 	snop  }
0x12b: {  	[tilespmem:s6], [sflag:$0x1] =	stream.indirect.gather [hbm4b:s16+s0], $0x40, s0, s0, $0xb8;
	[tilespmem:$0x1D880] =	vst v63  }
0x12c: {  	_ = 	snop  }
0x12d: {  	[tilespmem:s8], [sflag:$0x1] =	stream.indirect.gather [hbm4b:s16+s0], $0x40, s7, s0, $0xb8;
	[tilespmem:$0x1D880] =	vst v63  }
0x12e: {  	_ = 	snop  }
0x12f: {  	[tilespmem:s10], [sflag:$0x1] =	stream.indirect.gather [hbm4b:s16+s0], $0x40, s9, s0, $0xb8;
	[tilespmem:$0x1D880] =	vst v63  }
0x130: {  	_ =	swait.ge [sflag:s12], $0x2000  }
0x131: {  	[sflag:s12] =	ssyncset.done $0x0  }
0x132: {  	s30 =	simm.s32 $0x4E80;
	[sflag:s12] =	ssyncadd.s32 $0xFFFFE000  }
0x133: {  	[spmem:s1] =	stream.indirect.scatter.add.f32 [tilespmem:s5], [sflag:$0x2], $0x40, s30, s0, $0xb8;
	[tilespmem:$0x1D880] =	vst v63  }
0x134: {  	_ =	swait.ge [sflag:s4], $0x2000  }
0x135: {  	[sflag:s4] =	ssyncset.done $0x0  }
0x136: {  	s30 =	simm.s32 $0x200;
	[sflag:s4] =	ssyncadd.s32 $0xFFFFE000  }
0x137: {  	[tilespmem:s5], [sflag:$0x1] =	stream.indirect.gather [hbm4b:s16+s0], $0x40, s30, s0, $0xb8;
	[tilespmem:$0x1D880] =	vst v63  }
0x138: {  	_ =	swait.ge [sflag:s12], $0x2000  }
0x139: {  	[sflag:s12] =	ssyncset.done $0x0  }
0x13a: {  	s30 =	simm.s32 $0x4F00;
	[sflag:s12] =	ssyncadd.s32 $0xFFFFE000  }
0x13b: {  	[spmem:s1] =	stream.indirect.scatter.add.f32 [tilespmem:s6], [sflag:$0x2], $0x40, s30, s0, $0xb8;
	[tilespmem:$0x1D880] =	vst v63  }
0x13c: {  	_ =	swait.ge [sflag:s4], $0x2000  }
0x13d: {  	[sflag:s4] =	ssyncset.done $0x0  }
0x13e: {  	s30 =	simm.s32 $0x280;
	[sflag:s4] =	ssyncadd.s32 $0xFFFFE000  }
0x13f: {  	[tilespmem:s6], [sflag:$0x1] =	stream.indirect.gather [hbm4b:s16+s0], $0x40, s30, s0, $0xb8;
	[tilespmem:$0x1D880] =	vst v63  }
0x140: {  	_ =	swait.ge [sflag:s12], $0x2000  }
0x141: {  	[sflag:s12] =	ssyncset.done $0x0  }
0x142: {  	s30 =	simm.s32 $0x4F80;
	[sflag:s12] =	ssyncadd.s32 $0xFFFFE000  }
0x143: {  	[spmem:s1] =	stream.indirect.scatter.add.f32 [tilespmem:s8], [sflag:$0x2], $0x40, s30, s0, $0xb8;
	[tilespmem:$0x1D880] =	vst v63  }
0x144: {  	_ =	swait.ge [sflag:s4], $0x2000  }
0x145: {  	[sflag:s4] =	ssyncset.done $0x0  }
0x146: {  	s30 =	simm.s32 $0x300;
	[sflag:s4] =	ssyncadd.s32 $0xFFFFE000  }
0x147: {  	[tilespmem:s8], [sflag:$0x1] =	stream.indirect.gather [hbm4b:s16+s0], $0x40, s30, s0, $0xb8;
	[tilespmem:$0x1D880] =	vst v63  }
0x148: {  	_ =	swait.ge [sflag:s12], $0x2000  }
0x149: {  	[sflag:s12] =	ssyncset.done $0x0  }
0x14a: {  	s30 =	simm.s32 $0x5000;
	[sflag:s12] =	ssyncadd.s32 $0xFFFFE000  }
0x14b: {  	[spmem:s1] =	stream.indirect.scatter.add.f32 [tilespmem:s10], [sflag:$0x2], $0x40, s30, s0, $0xb8;
	[tilespmem:$0x1D880] =	vst v63  }
0x14c: {  	_ =	swait.ge [sflag:s4], $0x2000  }
0x14d: {  	[sflag:s4] =	ssyncset.done $0x0  }
0x14e: {  	s29 =	simm.s32 $0x380;
	s22 =	simm.s32 $0x800;
	[sflag:s4] =	ssyncadd.s32 $0xFFFFE000  }
.LBB2_6:
0x14f: {  	[tilespmem:s10], [sflag:$0x1] =	stream.indirect.gather [hbm4b:s16+s0], $0x40, s29, s0, $0xb8;
	[tilespmem:$0x1D880] =	vst v63  }
0x150: {  	s29 =	smov.u32 s22  }
0x151: {  	p1 =	sne.s32 s22, $0x12800;
	s22 =	sadd.s32 $0x800, s22;
	_ =	swait.ge [sflag:s12], $0x2000  }
0x152: {  	s29 =	sshra.s32 s29, $0x2;
	[sflag:s12] =	ssyncset.done $0x0  }
0x153: {  	s30 =	sadd.s32 $0x4E80, s29;
	[sflag:s12] =	ssyncadd.s32 $0xFFFFE000  }
0x154: {  	[spmem:s1] =	stream.indirect.scatter.add.f32 [tilespmem:s5], [sflag:$0x2], $0x40, s30, s0, $0xb8;
	[tilespmem:$0x1D880] =	vst v63  }
0x155: {  	_ =	swait.ge [sflag:s4], $0x2000  }
0x156: {  	[sflag:s4] =	ssyncset.done $0x0  }
0x157: {  	s30 =	sadd.s32 $0x200, s29;
	[sflag:s4] =	ssyncadd.s32 $0xFFFFE000  }
0x158: {  	[tilespmem:s5], [sflag:$0x1] =	stream.indirect.gather [hbm4b:s16+s0], $0x40, s30, s0, $0xb8;
	[tilespmem:$0x1D880] =	vst v63  }
0x159: {  	_ =	swait.ge [sflag:s12], $0x2000  }
0x15a: {  	[sflag:s12] =	ssyncset.done $0x0  }
0x15b: {  	s30 =	sadd.s32 $0x4F00, s29;
	[sflag:s12] =	ssyncadd.s32 $0xFFFFE000  }
0x15c: {  	[spmem:s1] =	stream.indirect.scatter.add.f32 [tilespmem:s6], [sflag:$0x2], $0x40, s30, s0, $0xb8;
	[tilespmem:$0x1D880] =	vst v63  }
0x15d: {  	_ =	swait.ge [sflag:s4], $0x2000  }
0x15e: {  	[sflag:s4] =	ssyncset.done $0x0  }
0x15f: {  	s30 =	sadd.s32 $0x280, s29;
	[sflag:s4] =	ssyncadd.s32 $0xFFFFE000  }
0x160: {  	[tilespmem:s6], [sflag:$0x1] =	stream.indirect.gather [hbm4b:s16+s0], $0x40, s30, s0, $0xb8;
	[tilespmem:$0x1D880] =	vst v63  }
0x161: {  	_ =	swait.ge [sflag:s12], $0x2000  }
0x162: {  	[sflag:s12] =	ssyncset.done $0x0  }
0x163: {  	s30 =	sadd.s32 $0x4F80, s29;
	[sflag:s12] =	ssyncadd.s32 $0xFFFFE000  }
0x164: {  	[spmem:s1] =	stream.indirect.scatter.add.f32 [tilespmem:s8], [sflag:$0x2], $0x40, s30, s0, $0xb8;
	[tilespmem:$0x1D880] =	vst v63  }
0x165: {  	_ =	swait.ge [sflag:s4], $0x2000  }
0x166: {  	[sflag:s4] =	ssyncset.done $0x0  }
0x167: {  	s30 =	sadd.s32 $0x300, s29;
	[sflag:s4] =	ssyncadd.s32 $0xFFFFE000  }
0x168: {  	[tilespmem:s8], [sflag:$0x1] =	stream.indirect.gather [hbm4b:s16+s0], $0x40, s30, s0, $0xb8;
	[tilespmem:$0x1D880] =	vst v63  }
0x169: {  	_ =	swait.ge [sflag:s12], $0x2000  }
0x16a: {  	[sflag:s12] =	ssyncset.done $0x0  }
.Ltmp2:
0x16b: {  	s30 =	sadd.s32 $0x5000, s29;
	[sflag:s12] =	ssyncadd.s32 $0xFFFFE000;
	(pc) =	sbr.rel @p1 .LBB2_6-.Ltmp2, $4  }
0x16c: {  	[spmem:s1] =	stream.indirect.scatter.add.f32 [tilespmem:s10], [sflag:$0x2], $0x40, s30, s0, $0xb8;
	[tilespmem:$0x1D880] =	vst v63  }
0x16d: {  	_ =	swait.ge [sflag:s4], $0x2000  }
0x16e: {  	[sflag:s4] =	ssyncset.done $0x0  }
0x16f: {  	s29 =	sadd.s32 $0x380, s29;
	[sflag:s4] =	ssyncadd.s32 $0xFFFFE000  }
0x170: {  	[tilespmem:s10], [sflag:$0x1] =	stream.indirect.gather [hbm4b:s16+s0], $0x40, s29, s0, $0xb8;
	[tilespmem:$0x1D880] =	vst v63  }
0x171: {  	_ =	swait.ge [sflag:s12], $0x2000  }
0x172: {  	[sflag:s12] =	ssyncset.done $0x0  }
0x173: {  	[sflag:s12] =	ssyncadd.s32 $0xFFFFE000  }
0x174: {  	[spmem:s1] =	stream.indirect.scatter.add.f32 [tilespmem:s5], [sflag:$0x2], $0x40, s11, s0, $0xb8;
	[tilespmem:$0x1D880] =	vst v63  }
0x175: {  	_ =	swait.ge [sflag:s4], $0x2000  }
0x176: {  	[sflag:s4] =	ssyncset.done $0x0  }
0x177: {  	[sflag:s4] =	ssyncadd.s32 $0xFFFFE000  }
0x178: {  	_ =	swait.ge [sflag:s12], $0x2000  }
0x179: {  	[sflag:s12] =	ssyncset.done $0x0  }
0x17a: {  	[sflag:s12] =	ssyncadd.s32 $0xFFFFE000  }
0x17b: {  	[spmem:s1] =	stream.indirect.scatter.add.f32 [tilespmem:s6], [sflag:$0x2], $0x40, s13, s0, $0xb8;
	[tilespmem:$0x1D880] =	vst v63  }
0x17c: {  	_ =	swait.ge [sflag:s4], $0x2000  }
0x17d: {  	[sflag:s4] =	ssyncset.done $0x0  }
0x17e: {  	[sflag:s4] =	ssyncadd.s32 $0xFFFFE000  }
0x17f: {  	_ =	swait.ge [sflag:s12], $0x2000  }
0x180: {  	[sflag:s12] =	ssyncset.done $0x0  }
0x181: {  	[sflag:s12] =	ssyncadd.s32 $0xFFFFE000  }
0x182: {  	[spmem:s1] =	stream.indirect.scatter.add.f32 [tilespmem:s8], [sflag:$0x2], $0x40, s15, s0, $0xb8;
	[tilespmem:$0x1D880] =	vst v63  }
0x183: {  	_ =	swait.ge [sflag:s4], $0x2000  }
0x184: {  	[sflag:s4] =	ssyncset.done $0x0  }
0x185: {  	[sflag:s4] =	ssyncadd.s32 $0xFFFFE000  }
0x186: {  	_ =	swait.ge [sflag:s12], $0x2000  }
0x187: {  	[sflag:s12] =	ssyncset.done $0x0  }
0x188: {  	[sflag:s12] =	ssyncadd.s32 $0xFFFFE000  }
0x189: {  	[spmem:s1] =	stream.indirect.scatter.add.f32 [tilespmem:s10], [sflag:$0x2], $0x40, s17, s0, $0xb8;
	[tilespmem:$0x1D880] =	vst v63  }
0x18a: {  	_ =	swait.ge [sflag:s4], $0x2000  }
0x18b: {  	s22 =	simm.s32 @!p0 $0x80;
	[sflag:s4] =	ssyncset.done $0x0  }
0x18c: {  	s29 =	simm.s32 @!p0 $0x4E00;
	s30 =	simm.s32 @!p0 $0x9D00;
	[sflag:s4] =	ssyncadd.s32 $0xFFFFE000  }
0x18d: {  	[tilespmem:s30], [sflag:$0x1] =	stream.indirect.gather @!p0 [hbm4b:s16+s22], $0x40, s29, s22, $0xb8;
	[tilespmem:$0x1D880] =	vst v63  }
0x18e: {  	s29 =	simm.s32 @!p0 $0x1  }
0x18f: {  	_ =	swait.ge @!p0 [sflag:s29], $0x2000  }
0x190: {  	[sflag:s29] =	ssyncset.done @!p0 $0x0  }
0x191: {  	[sflag:s29] =	ssyncadd.s32 @!p0 $0xFFFFE000;
	s29 =	simm.s32 @!p0 $0x9C80  }
0x192: {  	[spmem:s1] =	stream.indirect.scatter.add.f32 @!p0 [tilespmem:s30], [sflag:$0x2], $0x40, s29, s22, $0xb8;
	[tilespmem:$0x1D880] =	vst v63  }
0x193: {  	s22 =	simm.s32 @!p0 $0x2  }
0x194: {  	_ =	swait.ge @!p0 [sflag:s22], $0x2000  }
0x195: {  	[sflag:s22] =	ssyncset.done @!p0 $0x0  }
0x196: {  	[sflag:s22] =	ssyncadd.s32 @!p0 $0xFFFFE000  }
0x197: {  	[bflag:$0x0] =	sbarrier.arrive $0xFFFF  }
0x198: {  	s30 =	rddreg [dreg:$0xf]  }
0x199: {  	[hbm:s30], [sflag:s20] =	dma.local [spmem:s21], $0x1388  }
0x19a: {  	_ =	swait.ge [sflag:s4], $0x1388  }
0x19b: {  	[sflag:s4] =	ssyncset.done $0x0  }
0x19c: {  	[sflag:s4] =	ssyncadd.s32 $0xFFFFEC78  }
0x19d: {  	[spmem:s23] =	stream.linear.scatter [tilespmem:s3], [sflag:$0x2], $0x1F40, $0x38;
	[tilespmem:$0x1D880] =	vst v63  }
0x19e: {  	_ =	swait.ge [sflag:s4], $0x1F40  }
0x19f: {  	[sflag:s4] =	ssyncset.done $0x0  }
0x1a0: {  	[sflag:s4] =	ssyncadd.s32 $0xFFFFE0C0  }
0x1a1: {  	[spmem:s24] =	stream.linear.scatter [tilespmem:s3], [sflag:$0x2], $0x1F40, $0x38;
	[tilespmem:$0x1D880] =	vst v63  }
0x1a2: {  	_ =	swait.ge [sflag:s4], $0x1F40  }
0x1a3: {  	[sflag:s4] =	ssyncset.done $0x0  }
0x1a4: {  	[sflag:s4] =	ssyncadd.s32 $0xFFFFE0C0  }
0x1a5: {  	[spmem:s25] =	stream.linear.scatter [tilespmem:s3], [sflag:$0x2], $0x1F40, $0x38;
	[tilespmem:$0x1D880] =	vst v63  }
0x1a6: {  	_ =	swait.ge [sflag:s4], $0x1F40  }
0x1a7: {  	[sflag:s4] =	ssyncset.done $0x0  }
0x1a8: {  	[sflag:s4] =	ssyncadd.s32 $0xFFFFE0C0  }
0x1a9: {  	[spmem:s26] =	stream.linear.scatter [tilespmem:s3], [sflag:$0x2], $0x1F40, $0x38;
	[tilespmem:$0x1D880] =	vst v63  }
0x1aa: {  	_ =	swait.ge [sflag:s4], $0x1F40  }
0x1ab: {  	[sflag:s4] =	ssyncset.done $0x0  }
0x1ac: {  	[sflag:s4] =	ssyncadd.s32 $0xFFFFE0C0  }
0x1ad: {  	[spmem:s28] =	stream.linear.scatter [tilespmem:s3], [sflag:$0x2], $0x1F40, $0x38;
	[tilespmem:$0x1D880] =	vst v63  }
0x1ae: {  	_ =	swait.ge [sflag:s4], $0x1F40  }
0x1af: {  	[sflag:s4] =	ssyncset.done $0x0  }
0x1b0: {  	[sflag:s4] =	ssyncadd.s32 $0xFFFFE0C0  }
0x1b1: {  	s30 =	simm.s32 $0x0;
	[bflag:$0x0] =	sbarrier.arrive $0xFFFF  }
0x1b2: {  	[tilespmem:s5], [sflag:$0x1] =	stream.indirect.gather [hbm4b:s18+s0], $0x40, s30, s0, $0xb8;
	[tilespmem:$0x1D880] =	vst v63  }
0x1b3: {  	_ = 	snop  }
0x1b4: {  	[tilespmem:s6], [sflag:$0x1] =	stream.indirect.gather [hbm4b:s18+s0], $0x40, s0, s0, $0xb8;
	[tilespmem:$0x1D880] =	vst v63  }
0x1b5: {  	_ = 	snop  }
0x1b6: {  	[tilespmem:s8], [sflag:$0x1] =	stream.indirect.gather [hbm4b:s18+s0], $0x40, s7, s0, $0xb8;
	[tilespmem:$0x1D880] =	vst v63  }
0x1b7: {  	_ = 	snop  }
0x1b8: {  	[tilespmem:s10], [sflag:$0x1] =	stream.indirect.gather [hbm4b:s18+s0], $0x40, s9, s0, $0xb8;
	[tilespmem:$0x1D880] =	vst v63  }
0x1b9: {  	_ =	swait.ge [sflag:s12], $0x2000  }
0x1ba: {  	[sflag:s12] =	ssyncset.done $0x0  }
0x1bb: {  	s30 =	simm.s32 $0x4E80;
	[sflag:s12] =	ssyncadd.s32 $0xFFFFE000  }
0x1bc: {  	[spmem:s1] =	stream.indirect.scatter.add.f32 [tilespmem:s5], [sflag:$0x2], $0x40, s30, s0, $0xb8;
	[tilespmem:$0x1D880] =	vst v63  }
0x1bd: {  	_ =	swait.ge [sflag:s4], $0x2000  }
0x1be: {  	[sflag:s4] =	ssyncset.done $0x0  }
0x1bf: {  	s30 =	simm.s32 $0x200;
	[sflag:s4] =	ssyncadd.s32 $0xFFFFE000  }
0x1c0: {  	[tilespmem:s5], [sflag:$0x1] =	stream.indirect.gather [hbm4b:s18+s0], $0x40, s30, s0, $0xb8;
	[tilespmem:$0x1D880] =	vst v63  }
0x1c1: {  	_ =	swait.ge [sflag:s12], $0x2000  }
0x1c2: {  	[sflag:s12] =	ssyncset.done $0x0  }
0x1c3: {  	s30 =	simm.s32 $0x4F00;
	[sflag:s12] =	ssyncadd.s32 $0xFFFFE000  }
0x1c4: {  	[spmem:s1] =	stream.indirect.scatter.add.f32 [tilespmem:s6], [sflag:$0x2], $0x40, s30, s0, $0xb8;
	[tilespmem:$0x1D880] =	vst v63  }
0x1c5: {  	_ =	swait.ge [sflag:s4], $0x2000  }
0x1c6: {  	[sflag:s4] =	ssyncset.done $0x0  }
0x1c7: {  	s30 =	simm.s32 $0x280;
	[sflag:s4] =	ssyncadd.s32 $0xFFFFE000  }
0x1c8: {  	[tilespmem:s6], [sflag:$0x1] =	stream.indirect.gather [hbm4b:s18+s0], $0x40, s30, s0, $0xb8;
	[tilespmem:$0x1D880] =	vst v63  }
0x1c9: {  	_ =	swait.ge [sflag:s12], $0x2000  }
0x1ca: {  	[sflag:s12] =	ssyncset.done $0x0  }
0x1cb: {  	s30 =	simm.s32 $0x4F80;
	[sflag:s12] =	ssyncadd.s32 $0xFFFFE000  }
0x1cc: {  	[spmem:s1] =	stream.indirect.scatter.add.f32 [tilespmem:s8], [sflag:$0x2], $0x40, s30, s0, $0xb8;
	[tilespmem:$0x1D880] =	vst v63  }
0x1cd: {  	_ =	swait.ge [sflag:s4], $0x2000  }
0x1ce: {  	[sflag:s4] =	ssyncset.done $0x0  }
0x1cf: {  	s30 =	simm.s32 $0x300;
	[sflag:s4] =	ssyncadd.s32 $0xFFFFE000  }
0x1d0: {  	[tilespmem:s8], [sflag:$0x1] =	stream.indirect.gather [hbm4b:s18+s0], $0x40, s30, s0, $0xb8;
	[tilespmem:$0x1D880] =	vst v63  }
0x1d1: {  	_ =	swait.ge [sflag:s12], $0x2000  }
0x1d2: {  	[sflag:s12] =	ssyncset.done $0x0  }
0x1d3: {  	s30 =	simm.s32 $0x5000;
	[sflag:s12] =	ssyncadd.s32 $0xFFFFE000  }
0x1d4: {  	[spmem:s1] =	stream.indirect.scatter.add.f32 [tilespmem:s10], [sflag:$0x2], $0x40, s30, s0, $0xb8;
	[tilespmem:$0x1D880] =	vst v63  }
0x1d5: {  	_ =	swait.ge [sflag:s4], $0x2000  }
0x1d6: {  	[sflag:s4] =	ssyncset.done $0x0  }
0x1d7: {  	s29 =	simm.s32 $0x380;
	s22 =	simm.s32 $0x800;
	[sflag:s4] =	ssyncadd.s32 $0xFFFFE000  }
.LBB2_8:
0x1d8: {  	[tilespmem:s10], [sflag:$0x1] =	stream.indirect.gather [hbm4b:s18+s0], $0x40, s29, s0, $0xb8;
	[tilespmem:$0x1D880] =	vst v63  }
0x1d9: {  	s29 =	smov.u32 s22  }
0x1da: {  	p1 =	sne.s32 s22, $0x12800;
	s22 =	sadd.s32 $0x800, s22;
	_ =	swait.ge [sflag:s12], $0x2000  }
0x1db: {  	s29 =	sshra.s32 s29, $0x2;
	[sflag:s12] =	ssyncset.done $0x0  }
0x1dc: {  	s30 =	sadd.s32 $0x4E80, s29;
	[sflag:s12] =	ssyncadd.s32 $0xFFFFE000  }
0x1dd: {  	[spmem:s1] =	stream.indirect.scatter.add.f32 [tilespmem:s5], [sflag:$0x2], $0x40, s30, s0, $0xb8;
	[tilespmem:$0x1D880] =	vst v63  }
0x1de: {  	_ =	swait.ge [sflag:s4], $0x2000  }
0x1df: {  	[sflag:s4] =	ssyncset.done $0x0  }
0x1e0: {  	s30 =	sadd.s32 $0x200, s29;
	[sflag:s4] =	ssyncadd.s32 $0xFFFFE000  }
0x1e1: {  	[tilespmem:s5], [sflag:$0x1] =	stream.indirect.gather [hbm4b:s18+s0], $0x40, s30, s0, $0xb8;
	[tilespmem:$0x1D880] =	vst v63  }
0x1e2: {  	_ =	swait.ge [sflag:s12], $0x2000  }
0x1e3: {  	[sflag:s12] =	ssyncset.done $0x0  }
0x1e4: {  	s30 =	sadd.s32 $0x4F00, s29;
	[sflag:s12] =	ssyncadd.s32 $0xFFFFE000  }
0x1e5: {  	[spmem:s1] =	stream.indirect.scatter.add.f32 [tilespmem:s6], [sflag:$0x2], $0x40, s30, s0, $0xb8;
	[tilespmem:$0x1D880] =	vst v63  }
0x1e6: {  	_ =	swait.ge [sflag:s4], $0x2000  }
0x1e7: {  	[sflag:s4] =	ssyncset.done $0x0  }
0x1e8: {  	s30 =	sadd.s32 $0x280, s29;
	[sflag:s4] =	ssyncadd.s32 $0xFFFFE000  }
0x1e9: {  	[tilespmem:s6], [sflag:$0x1] =	stream.indirect.gather [hbm4b:s18+s0], $0x40, s30, s0, $0xb8;
	[tilespmem:$0x1D880] =	vst v63  }
0x1ea: {  	_ =	swait.ge [sflag:s12], $0x2000  }
0x1eb: {  	[sflag:s12] =	ssyncset.done $0x0  }
0x1ec: {  	s30 =	sadd.s32 $0x4F80, s29;
	[sflag:s12] =	ssyncadd.s32 $0xFFFFE000  }
0x1ed: {  	[spmem:s1] =	stream.indirect.scatter.add.f32 [tilespmem:s8], [sflag:$0x2], $0x40, s30, s0, $0xb8;
	[tilespmem:$0x1D880] =	vst v63  }
0x1ee: {  	_ =	swait.ge [sflag:s4], $0x2000  }
0x1ef: {  	[sflag:s4] =	ssyncset.done $0x0  }
0x1f0: {  	s30 =	sadd.s32 $0x300, s29;
	[sflag:s4] =	ssyncadd.s32 $0xFFFFE000  }
0x1f1: {  	[tilespmem:s8], [sflag:$0x1] =	stream.indirect.gather [hbm4b:s18+s0], $0x40, s30, s0, $0xb8;
	[tilespmem:$0x1D880] =	vst v63  }
0x1f2: {  	_ =	swait.ge [sflag:s12], $0x2000  }
0x1f3: {  	[sflag:s12] =	ssyncset.done $0x0  }
.Ltmp3:
0x1f4: {  	s30 =	sadd.s32 $0x5000, s29;
	[sflag:s12] =	ssyncadd.s32 $0xFFFFE000;
	(pc) =	sbr.rel @p1 .LBB2_8-.Ltmp3, $4  }
0x1f5: {  	[spmem:s1] =	stream.indirect.scatter.add.f32 [tilespmem:s10], [sflag:$0x2], $0x40, s30, s0, $0xb8;
	[tilespmem:$0x1D880] =	vst v63  }
0x1f6: {  	_ =	swait.ge [sflag:s4], $0x2000  }
0x1f7: {  	[sflag:s4] =	ssyncset.done $0x0  }
0x1f8: {  	s29 =	sadd.s32 $0x380, s29;
	[sflag:s4] =	ssyncadd.s32 $0xFFFFE000  }
0x1f9: {  	[tilespmem:s10], [sflag:$0x1] =	stream.indirect.gather [hbm4b:s18+s0], $0x40, s29, s0, $0xb8;
	[tilespmem:$0x1D880] =	vst v63  }
0x1fa: {  	_ =	swait.ge [sflag:s12], $0x2000  }
0x1fb: {  	[sflag:s12] =	ssyncset.done $0x0  }
0x1fc: {  	[sflag:s12] =	ssyncadd.s32 $0xFFFFE000  }
0x1fd: {  	[spmem:s1] =	stream.indirect.scatter.add.f32 [tilespmem:s5], [sflag:$0x2], $0x40, s11, s0, $0xb8;
	[tilespmem:$0x1D880] =	vst v63  }
0x1fe: {  	_ =	swait.ge [sflag:s4], $0x2000  }
0x1ff: {  	[sflag:s4] =	ssyncset.done $0x0  }
0x200: {  	[sflag:s4] =	ssyncadd.s32 $0xFFFFE000  }
0x201: {  	_ =	swait.ge [sflag:s12], $0x2000  }
0x202: {  	[sflag:s12] =	ssyncset.done $0x0  }
0x203: {  	[sflag:s12] =	ssyncadd.s32 $0xFFFFE000  }
0x204: {  	[spmem:s1] =	stream.indirect.scatter.add.f32 [tilespmem:s6], [sflag:$0x2], $0x40, s13, s0, $0xb8;
	[tilespmem:$0x1D880] =	vst v63  }
0x205: {  	_ =	swait.ge [sflag:s4], $0x2000  }
0x206: {  	[sflag:s4] =	ssyncset.done $0x0  }
0x207: {  	[sflag:s4] =	ssyncadd.s32 $0xFFFFE000  }
0x208: {  	_ =	swait.ge [sflag:s12], $0x2000  }
0x209: {  	[sflag:s12] =	ssyncset.done $0x0  }
0x20a: {  	[sflag:s12] =	ssyncadd.s32 $0xFFFFE000  }
0x20b: {  	[spmem:s1] =	stream.indirect.scatter.add.f32 [tilespmem:s8], [sflag:$0x2], $0x40, s15, s0, $0xb8;
	[tilespmem:$0x1D880] =	vst v63  }
0x20c: {  	_ =	swait.ge [sflag:s4], $0x2000  }
0x20d: {  	[sflag:s4] =	ssyncset.done $0x0  }
0x20e: {  	[sflag:s4] =	ssyncadd.s32 $0xFFFFE000  }
0x20f: {  	_ =	swait.ge [sflag:s12], $0x2000  }
0x210: {  	[sflag:s12] =	ssyncset.done $0x0  }
0x211: {  	[sflag:s12] =	ssyncadd.s32 $0xFFFFE000  }
0x212: {  	[spmem:s1] =	stream.indirect.scatter.add.f32 [tilespmem:s10], [sflag:$0x2], $0x40, s17, s0, $0xb8;
	[tilespmem:$0x1D880] =	vst v63  }
0x213: {  	_ =	swait.ge [sflag:s4], $0x2000  }
0x214: {  	s22 =	simm.s32 @!p0 $0x80;
	[sflag:s4] =	ssyncset.done $0x0  }
0x215: {  	s29 =	simm.s32 @!p0 $0x4E00;
	s30 =	simm.s32 @!p0 $0x9D00;
	[sflag:s4] =	ssyncadd.s32 $0xFFFFE000  }
0x216: {  	[tilespmem:s30], [sflag:$0x1] =	stream.indirect.gather @!p0 [hbm4b:s18+s22], $0x40, s29, s22, $0xb8;
	[tilespmem:$0x1D880] =	vst v63  }
0x217: {  	s29 =	simm.s32 @!p0 $0x1  }
0x218: {  	_ =	swait.ge @!p0 [sflag:s29], $0x2000  }
0x219: {  	[sflag:s29] =	ssyncset.done @!p0 $0x0  }
0x21a: {  	[sflag:s29] =	ssyncadd.s32 @!p0 $0xFFFFE000;
	s29 =	simm.s32 @!p0 $0x9C80  }
0x21b: {  	[spmem:s1] =	stream.indirect.scatter.add.f32 @!p0 [tilespmem:s30], [sflag:$0x2], $0x40, s29, s22, $0xb8;
	[tilespmem:$0x1D880] =	vst v63  }
0x21c: {  	s22 =	simm.s32 @!p0 $0x2  }
0x21d: {  	_ =	swait.ge @!p0 [sflag:s22], $0x2000  }
0x21e: {  	[sflag:s22] =	ssyncset.done @!p0 $0x0  }
0x21f: {  	[sflag:s22] =	ssyncadd.s32 @!p0 $0xFFFFE000  }
0x220: {  	[bflag:$0x0] =	sbarrier.arrive $0xFFFF  }
0x221: {  	s29 =	simm.s32 $0x10;
	s30 =	simm.s32 $0x8;
	s22 =	rddreg [dreg:$0x14]  }
0x222: {  	[hbm:s22@s29], [sflag:s20] =	dma.strided [spmem:s21@s30], $0x1388, s12, $0x8   }
0x223: {  	_ =	swait.ge [sflag:s4], $0x1388  }
0x224: {  	s19 =	sadd.s32 $0x1, s19;
	s30 =	rddreg [dreg:$0x15]  }
0x225: {  	p1 =	sne.s32 s19, s30  }
.Ltmp4:
0x226: {  	_ = 	snop;
	(pc) =	sbr.rel @p1 .LBB2_1-.Ltmp4, $3  }
0x227: {  	[sflag:s4] =	ssyncset.done $0x0  }
0x228: {  	[sflag:s4] =	ssyncadd.s32 $0xFFFFEC78  }
0x229: {  	[bflag:$0x0] =	sbarrier.arrive $0xFFFF;
	_ =	sdelay $0x1  }
0x22a: {  	_ =	sfence.sel $0x180000  }
0x22b: {  	[bflag:$0x0] =	sbarrier.arrive $0xFFFF  }
0x22c: {  	_ =	strace $0x90000047  }
0x22d: {  	s0 =	stileid.u32;
	[bflag:$0x2] =	sbarrier.arrive $0xFFFF  }
0x22e: {  	p0 =	sne.s32 s0, $0x0;
	s0 =	rddreg [dreg:$0x3]  }
0x22f: {  	s0 =	sadd.s32 @!p0 $0x100000, s0  }
0x230: {  	[sflag:s0] =	ssyncadd.tile.s32 @!p0 $0x1;
	_ =	shalt  }
.Lfunc_end2:
_tile_overlayer_lowered:
.L_overlay_start_2:
0x231: {  	(tag) =	ssettag $0x2  }
0x232: {  	s0 =	rddreg [dreg:$0x0];
	s2 =	stileid.u32  }
0x233: {  	s1 =	rddreg [dreg:$0x1];
	p0 =	sne.s32 s2, $0x0  }
0x234: {  	s3 =	rddreg [dreg:$0x2];
	[bflag:$0x3] =	sbarrier.arrive $0xFFFF;
	s2 =	simm.s32 @!p0 $0x1C02  }
0x235: {  	[timem:s3], [sflag:s2] =	dma.local @!p0 [hbm:s0], s1  }
0x236: {  	s0 =	simm.s32 @!p0 $0x2  }
0x237: {  	_ =	swait.ge @!p0 [sflag:s0], s1  }
0x238: {  	s1 =	ssub.s32 @!p0 $0x0, s1;
	[sflag:s0] =	ssyncset.done @!p0 $0x0  }
0x239: {  	[sflag:s0] =	ssyncadd.s32 @!p0 s1  }
0x23a: {  	[bflag:$0x3] =	sbarrier.arrive $0xFFFF  }
0x23b: {  	_ =	shalt  }

</sc_bundles>
